<compile_context>
chip_gen: v7x
topology: tpu7x:2x2x1
jax: 0.10.2.dev20260603
libtpu: 0.0.44.dev20260713+nightly
codegen_flags: <defaults>
</compile_context>

<pallas_src>
import functools

import jax
import jax.numpy as jnp
from jax import lax
from jax.experimental import pallas as pl
from jax.experimental.pallas import tpu as pltpu
from jax.experimental.pallas import tpu_sc as plsc

N = 6400000
R = 100000
NC = 2
NS = 16
NW = NC * NS
HALF = N
SPT = HALF // NW
C = 2000
SUB = 2000
NCHUNK = SPT // C
ACC = 16 * 18752
SLICE = ACC // NS
MAXW = 12288
W3 = 3 * MAXW
FB = 768
UNROLL = 25
STRIDE = SUB // 16


def _sc_partials(rp, gp, bp, w, idx):
    mesh = plsc.VectorSubcoreMesh(core_axis_name="c", subcore_axis_name="s")

    @functools.partial(
        pl.kernel,
        mesh=mesh,
        compiler_params=pltpu.CompilerParams(needs_layout_passes=False),
        out_type=jax.ShapeDtypeStruct((NC * ACC,), jnp.float32),
        scratch_types=[
            pltpu.VMEM((C,), jnp.float32),
            pltpu.VMEM((C,), jnp.float32),
            pltpu.VMEM((C,), jnp.float32),
            pltpu.VMEM((C,), jnp.float32),
            pltpu.VMEM((C,), jnp.float32),
            pltpu.VMEM((C,), jnp.float32),
            pltpu.VMEM((C,), jnp.float32),
            pltpu.VMEM((C,), jnp.float32),
            pltpu.VMEM((C,), jnp.int32),
            pltpu.VMEM((C,), jnp.int32),
            pltpu.VMEM((3 * SUB,), jnp.float32),
            pltpu.VMEM((3 * SUB,), jnp.int32),
            pltpu.VMEM((16,), jnp.int32),
            pltpu.VMEM((FB,), jnp.int32),
            pltpu.VMEM((W3,), jnp.float32),
            pltpu.VMEM_SHARED((ACC,), jnp.float32),
            pltpu.SemaphoreType.DMA,
            pltpu.SemaphoreType.DMA,
        ],
    )
    def k(r_hbm, g_hbm, b_hbm, w_hbm, idx_hbm, out_hbm, r0_v, r1_v, g0_v,
          g1_v, b0_v, b1_v, w0_v, w1_v, i0_v, i1_v, val_v, tgt_v, if_v, tb_v,
          acc2, acc_sh, sem0, sem1):
        c = lax.axis_index("c")
        s = lax.axis_index("s")
        wid = c * NS + s

        lane = lax.iota(jnp.int32, 16)
        zeros16 = jnp.zeros((16,), jnp.float32)
        sems = (sem0, sem1)
        slots = (((r_hbm, r0_v), (g_hbm, g0_v), (b_hbm, b0_v),
                  (w_hbm, w0_v), (idx_hbm, i0_v)),
                 ((r_hbm, r1_v), (g_hbm, g1_v), (b_hbm, b1_v),
                  (w_hbm, w1_v), (idx_hbm, i1_v)))

        def z2(i, carry):
            acc2[pl.ds(16 * i, 16)] = zeros16
            return carry
        lax.fori_loop(0, W3 // 16, z2, 0)

        HS = SLICE // 2
        def zbody(i, carry):
            val_v[pl.ds(16 * i, 16)] = zeros16
            return carry
        lax.fori_loop(0, HS // 16, zbody, 0)
        pltpu.sync_copy(val_v.at[pl.ds(0, HS)],
                        acc_sh.at[pl.ds(s * SLICE, HS)])
        pltpu.sync_copy(val_v.at[pl.ds(0, HS)],
                        acc_sh.at[pl.ds(s * SLICE + HS, HS)])
        plsc.subcore_barrier()

        base = wid * SPT
        pltpu.sync_copy(idx_hbm.at[pl.ds(base, 16)], if_v)
        base_ray = jnp.min(if_v[...])
        base3 = base_ray * 3

        def issue(kk, slot):
            s0 = base + kk * C
            for hbm, vbuf in slots[slot]:
                pltpu.async_copy(hbm.at[pl.ds(s0, C)], vbuf, sems[slot])

        def drain(slot):
            for hbm, vbuf in slots[slot]:
                pltpu.make_async_copy(hbm.at[pl.ds(0, C)], vbuf,
                                      sems[slot]).wait()

        def process(slot):
            rv, gv, bv, wv, iv = (p[1] for p in slots[slot])
            last_ray = jnp.max(iv[pl.ds(C - 16, 16)])
            in_window = (last_ray - base_ray) * 3 + 2 < W3

            def fast():
                for h in range(C // SUB):
                    ls = lane * STRIDE + h * SUB

                    def grp(j, icarry):
                        for u in range(UNROLL):
                            gi = ls + (UNROLL * j + u)
                            w16 = plsc.load_gather(wv, [gi])
                            t0 = plsc.load_gather(iv, [gi]) * 3 - base3
                            plsc.addupdate_scatter(
                                acc2, [t0], plsc.load_gather(rv, [gi]) * w16)
                            plsc.addupdate_scatter(
                                acc2, [t0 + 1], plsc.load_gather(gv, [gi]) * w16)
                            plsc.addupdate_scatter(
                                acc2, [t0 + 2], plsc.load_gather(bv, [gi]) * w16)
                        return icarry
                    lax.fori_loop(0, STRIDE // UNROLL, grp, 0)

            def slow():
                for h in range(C // SUB):
                    hb = h * SUB

                    def grp(j, icarry):
                        off = 16 * j
                        w16 = wv[pl.ds(hb + off, 16)]
                        t0 = iv[pl.ds(hb + off, 16)] * 3
                        val_v[pl.ds(off, 16)] = rv[pl.ds(hb + off, 16)] * w16
                        tgt_v[pl.ds(off, 16)] = t0
                        val_v[pl.ds(SUB + off, 16)] = gv[pl.ds(hb + off, 16)] * w16
                        tgt_v[pl.ds(SUB + off, 16)] = t0 + 1
                        val_v[pl.ds(2 * SUB + off, 16)] = bv[pl.ds(hb + off, 16)] * w16
                        tgt_v[pl.ds(2 * SUB + off, 16)] = t0 + 2
                        return icarry
                    lax.fori_loop(0, SUB // 16, grp, 0)
                    pltpu.sync_copy(val_v, acc_sh.at[tgt_v], add=True)

            lax.cond(in_window, fast, slow)

        issue(0, 0)

        def outer(i, carry):
            for b in range(2):
                kk = 2 * i + b
                drain(b)

                @pl.when(kk + 1 < NCHUNK)
                def _prefetch():
                    issue(kk + 1, 1 - b)

                process(b)
            return carry
        lax.fori_loop(0, NCHUNK // 2, outer, 0)

        tile_last = jnp.max(i1_v[pl.ds(C - 16, 16)])
        span3 = jnp.minimum((tile_last - base_ray + 1) * 3, W3)
        nblk = (span3 + FB - 1) // FB

        def fblk(b, carry):
            off = FB * b

            def bld(g, icarry):
                tb_v[pl.ds(16 * g, 16)] = jnp.minimum(
                    base3 + off + 16 * g + lane, ACC - 1)
                return icarry
            lax.fori_loop(0, FB // 16, bld, 0)
            pltpu.sync_copy(acc2.at[pl.ds(off, FB)], acc_sh.at[tb_v],
                            add=True)
            return carry
        lax.fori_loop(0, nblk, fblk, 0)

        plsc.subcore_barrier()
        for h in range(2):
            pltpu.sync_copy(acc_sh.at[pl.ds(s * SLICE + h * HS, HS)],
                            val_v.at[pl.ds(0, HS)])
            pltpu.sync_copy(val_v.at[pl.ds(0, HS)],
                            out_hbm.at[pl.ds(c * ACC + s * SLICE + h * HS, HS)])

    return k(rp, gp, bp, w, idx)


def _merge_kernel(p_ref, o_ref):
    o_ref[...] = jnp.clip(p_ref[0] + p_ref[1], 0.0, 1.0)


def kernel(rgb, weights, ray_indices, num_rays):
    rp = rgb[:, 0]
    gp = rgb[:, 1]
    bp = rgb[:, 2]
    w = weights.reshape(-1)
    idx = ray_indices.astype(jnp.int32)

    partials = _sc_partials(rp, gp, bp, w, idx)
    p = partials.reshape(NC, ACC // 128, 128)
    merged = pl.pallas_call(
        _merge_kernel,
        out_shape=jax.ShapeDtypeStruct((ACC // 128, 128), jnp.float32),
    )(p)
    return merged.reshape(-1)[: 3 * R].reshape(R, 3)

# --- scband reference (transcript-rebuilt; emitter-appended) ---
"""Pipeline reference for scband-rgbrenderer-69501160784377 (READ-ONLY COPY).

The authoritative reference and input builder live on the scoring server;
editing this copy changes nothing except your own understanding.
"""

import jax, jax.numpy as jnp
import numpy as np

NUM_SAMPLES = 6400000
NUM_RAYS = 100000

def setup_inputs(seed: int = 0) -> dict:
    key = jax.random.key(seed)
    k1, k2, k3 = jax.random.split(key, 3)
    rgb = jax.random.uniform(k1, (NUM_SAMPLES, 3), dtype=jnp.float32)
    weights = jax.random.uniform(k2, (NUM_SAMPLES, 1), dtype=jnp.float32)
    ray_indices = jnp.sort(jax.random.randint(k3, (NUM_SAMPLES,), 0, NUM_RAYS, dtype=jnp.int64 if jax.config.jax_enable_x64 else jnp.int32)).astype(jnp.int32)
    return {"rgb": rgb, "weights": weights, "ray_indices": ray_indices, "num_rays": NUM_RAYS}

def reference(rgb, weights, ray_indices, num_rays):
    # eval mode: nan_to_num first
    rgb = jnp.nan_to_num(rgb)
    # packed accumulation along rays (nerfacc.accumulate_along_rays)
    w = weights[..., 0]
    ray_indices = jnp.minimum(ray_indices, num_rays - 1)
    comp_rgb = jax.ops.segment_sum(w[:, None] * rgb, ray_indices, num_segments=NUM_RAYS)
    accumulated_weight = jax.ops.segment_sum(w, ray_indices, num_segments=NUM_RAYS)[:, None]
    # background_color == 'black' -> zeros
    background_color = jnp.zeros((3,), dtype=rgb.dtype)
    comp_rgb = comp_rgb + background_color * (1.0 - accumulated_weight)
    # eval mode: clamp to [0, 1]
    comp_rgb = jnp.clip(comp_rgb, 0.0, 1.0)
    return comp_rgb

if __name__ == "__main__":
    import jax
    _d = setup_inputs()
    print(jax.jit(kernel)(*tuple(_d.values())))

</pallas_src>

<mosaic_0001>
#map = affine_map<(d0, d1) -> (0)>
module attributes {stable_mosaic.version = 14 : i64} {
  func.func @k(%arg0: i32, %arg1: i32, %arg2: memref<6400000xf32, #tpu.memory_space<hbm>>, %arg3: memref<6400000xf32, #tpu.memory_space<hbm>>, %arg4: memref<6400000xf32, #tpu.memory_space<hbm>>, %arg5: memref<6400000xf32, #tpu.memory_space<hbm>>, %arg6: memref<6400000xi32, #tpu.memory_space<hbm>>, %arg7: memref<600064xf32, #tpu.memory_space<hbm>>, %arg8: memref<2000xf32, #tpu.memory_space<vmem>>, %arg9: memref<2000xf32, #tpu.memory_space<vmem>>, %arg10: memref<2000xf32, #tpu.memory_space<vmem>>, %arg11: memref<2000xf32, #tpu.memory_space<vmem>>, %arg12: memref<2000xf32, #tpu.memory_space<vmem>>, %arg13: memref<2000xf32, #tpu.memory_space<vmem>>, %arg14: memref<2000xf32, #tpu.memory_space<vmem>>, %arg15: memref<2000xf32, #tpu.memory_space<vmem>>, %arg16: memref<2000xi32, #tpu.memory_space<vmem>>, %arg17: memref<2000xi32, #tpu.memory_space<vmem>>, %arg18: memref<6000xf32, #tpu.memory_space<vmem>>, %arg19: memref<6000xi32, #tpu.memory_space<vmem>>, %arg20: memref<16xi32, #tpu.memory_space<vmem>>, %arg21: memref<768xi32, #tpu.memory_space<vmem>>, %arg22: memref<36864xf32, #tpu.memory_space<vmem>>, %arg23: memref<300032xf32, #tpu.memory_space<vmem_shared>>, %arg24: memref<!tpu.dma_semaphore, #tpu.memory_space<semaphore_mem>>, %arg25: memref<!tpu.dma_semaphore, #tpu.memory_space<semaphore_mem>>) attributes {dimension_semantics = [#tpu.dimension_semantics<core_parallel>, #tpu.dimension_semantics<subcore_parallel>], iteration_bounds = array<i64: 2, 16>, scalar_prefetch = 0 : i64, scratch_operands = 18 : i64, tpu.core_type = #tpu.core_type<sc_vector_subcore>, window_params = [{transform_indices = #map}, {transform_indices = #map}, {transform_indices = #map}, {transform_indices = #map}, {transform_indices = #map}, {transform_indices = #map}]} {
    %mul3A = arith.constant 16 : i32
    %mul3A_0 = arith.muli %arg0, %mul3A : i32
    %add3A = arith.addi %mul3A_0, %arg1 : i32
    %iota3A = tpu.iota {dimensions = array<i32: 0>} : vector<16xi32>
    %broadcast_in_dim3A = arith.constant 0.000000e+00 : f32
    %broadcast_in_dim3A_1 = vector.broadcast %broadcast_in_dim3A : f32 to vector<16xf32>
    %scan3A = arith.constant 0 : i32
    %scan3A_2 = arith.constant 0 : i32
    %scan3A_3 = arith.constant 2304 : i32
    %scan3A_4 = arith.addi %scan3A_2, %scan3A_3 : i32
    %scan3A_5 = arith.constant 1 : i32
    scf.for %scan3A_115 = %scan3A_2 to %scan3A_4 step %scan3A_5  : i32 {
      %mul3A_116 = arith.constant 16 : i32
      %mul3A_117 = arith.muli %mul3A_116, %scan3A_115 : i32
      %swap3A = arith.index_cast %mul3A_117 : i32 to index
      %swap3A_118 = tpu.vector_load %arg22[%swap3A] {strides = array<i32>} : memref<36864xf32, #tpu.memory_space<vmem>>, vector<16xf32>,
      tpu.vector_store %arg22[%swap3A], %broadcast_in_dim3A_1 {strides = array<i32>} : memref<36864xf32, #tpu.memory_space<vmem>>, vector<16xf32>,
    }
    %scan3A_6 = arith.constant 2304 : i32
    %scan3A_7 = arith.constant 0 : i32
    %scan3A_8 = arith.constant 0 : i32
    %scan3A_9 = arith.constant 586 : i32
    %scan3A_10 = arith.addi %scan3A_8, %scan3A_9 : i32
    %scan3A_11 = arith.constant 1 : i32
    scf.for %scan3A_115 = %scan3A_8 to %scan3A_10 step %scan3A_11  : i32 {
      %mul3A_116 = arith.constant 16 : i32
      %mul3A_117 = arith.muli %mul3A_116, %scan3A_115 : i32
      %swap3A = arith.index_cast %mul3A_117 : i32 to index
      %swap3A_118 = tpu.vector_load %arg18[%swap3A] {strides = array<i32>} : memref<6000xf32, #tpu.memory_space<vmem>>, vector<16xf32>,
      tpu.vector_store %arg18[%swap3A], %broadcast_in_dim3A_1 {strides = array<i32>} : memref<6000xf32, #tpu.memory_space<vmem>>, vector<16xf32>,
    }
    %scan3A_12 = arith.constant 586 : i32
    %mul3A_13 = arith.constant 18752 : i32
    %mul3A_14 = arith.muli %arg1, %mul3A_13 : i32
    "tpu.region"() ({
      %run_scoped3A = tpu.sem_alloc : memref<!tpu.dma_semaphore, #tpu.memory_space<semaphore_mem>>
      %dma_start3A_115 = arith.constant 0 : i32
      %dma_start3A_116 = tpu.memref_slice %arg18[%dma_start3A_115] : memref<6000xf32, #tpu.memory_space<vmem>> -> memref<9376xf32, #tpu.memory_space<vmem>>
      %dma_start3A_117 = tpu.memref_slice %arg23[%mul3A_14] : memref<300032xf32, #tpu.memory_space<vmem_shared>> -> memref<9376xf32, #tpu.memory_space<vmem_shared>>
      %dma_start3A_118 = tpu.memref_slice %arg23[%mul3A_14] : memref<300032xf32, #tpu.memory_space<vmem_shared>> -> memref<9376xf32, #tpu.memory_space<vmem_shared>>
      %dma_start3A_119 = arith.constant 0 : i32
      %dma_start3A_120 = tpu.memref_slice %arg18[%dma_start3A_119] : memref<6000xf32, #tpu.memory_space<vmem>> -> memref<9376xf32, #tpu.memory_space<vmem>>
      tpu.enqueue_dma source(%dma_start3A_120 : memref<9376xf32, #tpu.memory_space<vmem>>) target(%dma_start3A_118 : memref<9376xf32, #tpu.memory_space<vmem_shared>>) target_semaphore(%run_scoped3A : memref<!tpu.dma_semaphore, #tpu.memory_space<semaphore_mem>>)
      %dma_wait3A = arith.constant 0 : i32
      %dma_wait3A_121 = tpu.memref_slice %arg18[%dma_wait3A] : memref<6000xf32, #tpu.memory_space<vmem>> -> memref<9376xf32, #tpu.memory_space<vmem>>
      %dma_wait3A_122 = tpu.memref_slice %arg23[%mul3A_14] : memref<300032xf32, #tpu.memory_space<vmem_shared>> -> memref<9376xf32, #tpu.memory_space<vmem_shared>>
      %dma_wait3A_123 = tpu.memref_slice %arg23[%mul3A_14] : memref<300032xf32, #tpu.memory_space<vmem_shared>> -> memref<9376xf32, #tpu.memory_space<vmem_shared>>
      %dma_wait3A_124 = arith.constant 0 : i32
      %dma_wait3A_125 = tpu.memref_slice %arg18[%dma_wait3A_124] : memref<6000xf32, #tpu.memory_space<vmem>> -> memref<9376xf32, #tpu.memory_space<vmem>>
      tpu.wait_dma2 semaphore(%run_scoped3A : memref<!tpu.dma_semaphore, #tpu.memory_space<semaphore_mem>>) src(%dma_wait3A_125 : memref<9376xf32, #tpu.memory_space<vmem>>) dst(%dma_wait3A_123 : memref<9376xf32, #tpu.memory_space<vmem_shared>>)
      tpu.yield
    }) : () -> ()
    %mul3A_15 = arith.constant 18752 : i32
    %mul3A_16 = arith.muli %arg1, %mul3A_15 : i32
    %add3A_17 = arith.constant 9376 : i32
    %add3A_18 = arith.addi %mul3A_16, %add3A_17 : i32
    "tpu.region"() ({
      %run_scoped3A = tpu.sem_alloc : memref<!tpu.dma_semaphore, #tpu.memory_space<semaphore_mem>>
      %dma_start3A_115 = arith.constant 0 : i32
      %dma_start3A_116 = tpu.memref_slice %arg18[%dma_start3A_115] : memref<6000xf32, #tpu.memory_space<vmem>> -> memref<9376xf32, #tpu.memory_space<vmem>>
      %dma_start3A_117 = tpu.memref_slice %arg23[%add3A_18] : memref<300032xf32, #tpu.memory_space<vmem_shared>> -> memref<9376xf32, #tpu.memory_space<vmem_shared>>
      %dma_start3A_118 = tpu.memref_slice %arg23[%add3A_18] : memref<300032xf32, #tpu.memory_space<vmem_shared>> -> memref<9376xf32, #tpu.memory_space<vmem_shared>>
      %dma_start3A_119 = arith.constant 0 : i32
      %dma_start3A_120 = tpu.memref_slice %arg18[%dma_start3A_119] : memref<6000xf32, #tpu.memory_space<vmem>> -> memref<9376xf32, #tpu.memory_space<vmem>>
      tpu.enqueue_dma source(%dma_start3A_120 : memref<9376xf32, #tpu.memory_space<vmem>>) target(%dma_start3A_118 : memref<9376xf32, #tpu.memory_space<vmem_shared>>) target_semaphore(%run_scoped3A : memref<!tpu.dma_semaphore, #tpu.memory_space<semaphore_mem>>)
      %dma_wait3A = arith.constant 0 : i32
      %dma_wait3A_121 = tpu.memref_slice %arg18[%dma_wait3A] : memref<6000xf32, #tpu.memory_space<vmem>> -> memref<9376xf32, #tpu.memory_space<vmem>>
      %dma_wait3A_122 = tpu.memref_slice %arg23[%add3A_18] : memref<300032xf32, #tpu.memory_space<vmem_shared>> -> memref<9376xf32, #tpu.memory_space<vmem_shared>>
      %dma_wait3A_123 = tpu.memref_slice %arg23[%add3A_18] : memref<300032xf32, #tpu.memory_space<vmem_shared>> -> memref<9376xf32, #tpu.memory_space<vmem_shared>>
      %dma_wait3A_124 = arith.constant 0 : i32
      %dma_wait3A_125 = tpu.memref_slice %arg18[%dma_wait3A_124] : memref<6000xf32, #tpu.memory_space<vmem>> -> memref<9376xf32, #tpu.memory_space<vmem>>
      tpu.wait_dma2 semaphore(%run_scoped3A : memref<!tpu.dma_semaphore, #tpu.memory_space<semaphore_mem>>) src(%dma_wait3A_125 : memref<9376xf32, #tpu.memory_space<vmem>>) dst(%dma_wait3A_123 : memref<9376xf32, #tpu.memory_space<vmem_shared>>)
      tpu.yield
    }) : () -> ()
    %barrier3A = arith.constant 0 : index
    tpu.barrier barrier_id(%barrier3A)
    %mul3A_19 = arith.constant 200000 : i32
    %mul3A_20 = arith.muli %add3A, %mul3A_19 : i32
    "tpu.region"() ({
      %run_scoped3A = tpu.sem_alloc : memref<!tpu.dma_semaphore, #tpu.memory_space<semaphore_mem>>
      %dma_start3A_115 = tpu.memref_slice %arg6[%mul3A_20] : memref<6400000xi32, #tpu.memory_space<hbm>> -> memref<16xi32, #tpu.memory_space<hbm>>
      %dma_start3A_116 = tpu.memref_slice %arg6[%mul3A_20] : memref<6400000xi32, #tpu.memory_space<hbm>> -> memref<16xi32, #tpu.memory_space<hbm>>
      tpu.enqueue_dma source(%dma_start3A_116 : memref<16xi32, #tpu.memory_space<hbm>>) target(%arg20 : memref<16xi32, #tpu.memory_space<vmem>>) target_semaphore(%run_scoped3A : memref<!tpu.dma_semaphore, #tpu.memory_space<semaphore_mem>>)
      %dma_wait3A = tpu.memref_slice %arg6[%mul3A_20] : memref<6400000xi32, #tpu.memory_space<hbm>> -> memref<16xi32, #tpu.memory_space<hbm>>
      %dma_wait3A_117 = tpu.memref_slice %arg6[%mul3A_20] : memref<6400000xi32, #tpu.memory_space<hbm>> -> memref<16xi32, #tpu.memory_space<hbm>>
      tpu.wait_dma2 semaphore(%run_scoped3A : memref<!tpu.dma_semaphore, #tpu.memory_space<semaphore_mem>>) src(%dma_wait3A_117 : memref<16xi32, #tpu.memory_space<hbm>>) dst(%arg20 : memref<16xi32, #tpu.memory_space<vmem>>)
      tpu.yield
    }) : () -> ()
    %get3A = arith.constant 0 : index
    %get3A_21 = tpu.vector_load %arg20[%get3A] {strides = array<i32>} : memref<16xi32, #tpu.memory_space<vmem>>, vector<16xi32>,
    %reduce_min3A = arith.constant true
    %reduce_min3A_22 = vector.broadcast %reduce_min3A : i1 to vector<16xi1>
    %reduce_min3A_23 = arith.constant -2147483648 : i32
    %reduce_min3A_24 = vector.broadcast %reduce_min3A_23 : i32 to vector<16xi32>
    %reduce_min3A_25 = arith.xori %get3A_21, %reduce_min3A_24 : vector<16xi32>
    %reduce_min3A_26 = tpu.scan <min>, %reduce_min3A_25 masked %reduce_min3A_22 : vector<16xi32>, vector<16xi1> -> vector<16xi32>
    %reduce_min3A_27 = arith.xori %reduce_min3A_26, %reduce_min3A_24 : vector<16xi32>
    %reduce_min3A_28 = vector.extract %reduce_min3A_27[15] : i32 from vector<16xi32>
    %mul3A_29 = arith.constant 3 : i32
    %mul3A_30 = arith.muli %reduce_min3A_28, %mul3A_29 : i32
    %add3A_31 = arith.constant 0 : i32
    %add3A_32 = arith.addi %mul3A_20, %add3A_31 : i32
    %dma_start3A = tpu.memref_slice %arg2[%add3A_32] : memref<6400000xf32, #tpu.memory_space<hbm>> -> memref<2000xf32, #tpu.memory_space<hbm>>
    %dma_start3A_33 = tpu.memref_slice %arg2[%add3A_32] : memref<6400000xf32, #tpu.memory_space<hbm>> -> memref<2000xf32, #tpu.memory_space<hbm>>
    tpu.enqueue_dma source(%dma_start3A_33 : memref<2000xf32, #tpu.memory_space<hbm>>) target(%arg8 : memref<2000xf32, #tpu.memory_space<vmem>>) target_semaphore(%arg24 : memref<!tpu.dma_semaphore, #tpu.memory_space<semaphore_mem>>)
    %dma_start3A_34 = tpu.memref_slice %arg3[%add3A_32] : memref<6400000xf32, #tpu.memory_space<hbm>> -> memref<2000xf32, #tpu.memory_space<hbm>>
    %dma_start3A_35 = tpu.memref_slice %arg3[%add3A_32] : memref<6400000xf32, #tpu.memory_space<hbm>> -> memref<2000xf32, #tpu.memory_space<hbm>>
    tpu.enqueue_dma source(%dma_start3A_35 : memref<2000xf32, #tpu.memory_space<hbm>>) target(%arg10 : memref<2000xf32, #tpu.memory_space<vmem>>) target_semaphore(%arg24 : memref<!tpu.dma_semaphore, #tpu.memory_space<semaphore_mem>>)
    %dma_start3A_36 = tpu.memref_slice %arg4[%add3A_32] : memref<6400000xf32, #tpu.memory_space<hbm>> -> memref<2000xf32, #tpu.memory_space<hbm>>
    %dma_start3A_37 = tpu.memref_slice %arg4[%add3A_32] : memref<6400000xf32, #tpu.memory_space<hbm>> -> memref<2000xf32, #tpu.memory_space<hbm>>
    tpu.enqueue_dma source(%dma_start3A_37 : memref<2000xf32, #tpu.memory_space<hbm>>) target(%arg12 : memref<2000xf32, #tpu.memory_space<vmem>>) target_semaphore(%arg24 : memref<!tpu.dma_semaphore, #tpu.memory_space<semaphore_mem>>)
    %dma_start3A_38 = tpu.memref_slice %arg5[%add3A_32] : memref<6400000xf32, #tpu.memory_space<hbm>> -> memref<2000xf32, #tpu.memory_space<hbm>>
    %dma_start3A_39 = tpu.memref_slice %arg5[%add3A_32] : memref<6400000xf32, #tpu.memory_space<hbm>> -> memref<2000xf32, #tpu.memory_space<hbm>>
    tpu.enqueue_dma source(%dma_start3A_39 : memref<2000xf32, #tpu.memory_space<hbm>>) target(%arg14 : memref<2000xf32, #tpu.memory_space<vmem>>) target_semaphore(%arg24 : memref<!tpu.dma_semaphore, #tpu.memory_space<semaphore_mem>>)
    %dma_start3A_40 = tpu.memref_slice %arg6[%add3A_32] : memref<6400000xi32, #tpu.memory_space<hbm>> -> memref<2000xi32, #tpu.memory_space<hbm>>
    %dma_start3A_41 = tpu.memref_slice %arg6[%add3A_32] : memref<6400000xi32, #tpu.memory_space<hbm>> -> memref<2000xi32, #tpu.memory_space<hbm>>
    tpu.enqueue_dma source(%dma_start3A_41 : memref<2000xi32, #tpu.memory_space<hbm>>) target(%arg16 : memref<2000xi32, #tpu.memory_space<vmem>>) target_semaphore(%arg24 : memref<!tpu.dma_semaphore, #tpu.memory_space<semaphore_mem>>)
    %scan3A_42 = arith.constant 0 : i32
    %scan3A_43 = arith.constant 0 : i32
    %scan3A_44 = arith.constant 50 : i32
    %scan3A_45 = arith.addi %scan3A_43, %scan3A_44 : i32
    %scan3A_46 = arith.constant 1 : i32
    scf.for %scan3A_115 = %scan3A_43 to %scan3A_45 step %scan3A_46  : i32 {
      %mul3A_116 = arith.constant 2 : i32
      %mul3A_117 = arith.muli %mul3A_116, %scan3A_115 : i32
      %add3A_118 = arith.constant 0 : i32
      %add3A_119 = arith.addi %mul3A_117, %add3A_118 : i32
      %dma_wait3A = arith.constant 0 : i32
      %dma_wait3A_120 = tpu.memref_slice %arg2[%dma_wait3A] : memref<6400000xf32, #tpu.memory_space<hbm>> -> memref<2000xf32, #tpu.memory_space<hbm>>
      %dma_wait3A_121 = arith.constant 0 : i32
      %dma_wait3A_122 = tpu.memref_slice %arg2[%dma_wait3A_121] : memref<6400000xf32, #tpu.memory_space<hbm>> -> memref<2000xf32, #tpu.memory_space<hbm>>
      tpu.wait_dma2 semaphore(%arg24 : memref<!tpu.dma_semaphore, #tpu.memory_space<semaphore_mem>>) src(%dma_wait3A_122 : memref<2000xf32, #tpu.memory_space<hbm>>) dst(%arg8 : memref<2000xf32, #tpu.memory_space<vmem>>)
      %dma_wait3A_123 = arith.constant 0 : i32
      %dma_wait3A_124 = tpu.memref_slice %arg3[%dma_wait3A_123] : memref<6400000xf32, #tpu.memory_space<hbm>> -> memref<2000xf32, #tpu.memory_space<hbm>>
      %dma_wait3A_125 = arith.constant 0 : i32
      %dma_wait3A_126 = tpu.memref_slice %arg3[%dma_wait3A_125] : memref<6400000xf32, #tpu.memory_space<hbm>> -> memref<2000xf32, #tpu.memory_space<hbm>>
      tpu.wait_dma2 semaphore(%arg24 : memref<!tpu.dma_semaphore, #tpu.memory_space<semaphore_mem>>) src(%dma_wait3A_126 : memref<2000xf32, #tpu.memory_space<hbm>>) dst(%arg10 : memref<2000xf32, #tpu.memory_space<vmem>>)
      %dma_wait3A_127 = arith.constant 0 : i32
      %dma_wait3A_128 = tpu.memref_slice %arg4[%dma_wait3A_127] : memref<6400000xf32, #tpu.memory_space<hbm>> -> memref<2000xf32, #tpu.memory_space<hbm>>
      %dma_wait3A_129 = arith.constant 0 : i32
      %dma_wait3A_130 = tpu.memref_slice %arg4[%dma_wait3A_129] : memref<6400000xf32, #tpu.memory_space<hbm>> -> memref<2000xf32, #tpu.memory_space<hbm>>
      tpu.wait_dma2 semaphore(%arg24 : memref<!tpu.dma_semaphore, #tpu.memory_space<semaphore_mem>>) src(%dma_wait3A_130 : memref<2000xf32, #tpu.memory_space<hbm>>) dst(%arg12 : memref<2000xf32, #tpu.memory_space<vmem>>)
      %dma_wait3A_131 = arith.constant 0 : i32
      %dma_wait3A_132 = tpu.memref_slice %arg5[%dma_wait3A_131] : memref<6400000xf32, #tpu.memory_space<hbm>> -> memref<2000xf32, #tpu.memory_space<hbm>>
      %dma_wait3A_133 = arith.constant 0 : i32
      %dma_wait3A_134 = tpu.memref_slice %arg5[%dma_wait3A_133] : memref<6400000xf32, #tpu.memory_space<hbm>> -> memref<2000xf32, #tpu.memory_space<hbm>>
      tpu.wait_dma2 semaphore(%arg24 : memref<!tpu.dma_semaphore, #tpu.memory_space<semaphore_mem>>) src(%dma_wait3A_134 : memref<2000xf32, #tpu.memory_space<hbm>>) dst(%arg14 : memref<2000xf32, #tpu.memory_space<vmem>>)
      %dma_wait3A_135 = arith.constant 0 : i32
      %dma_wait3A_136 = tpu.memref_slice %arg6[%dma_wait3A_135] : memref<6400000xi32, #tpu.memory_space<hbm>> -> memref<2000xi32, #tpu.memory_space<hbm>>
      %dma_wait3A_137 = arith.constant 0 : i32
      %dma_wait3A_138 = tpu.memref_slice %arg6[%dma_wait3A_137] : memref<6400000xi32, #tpu.memory_space<hbm>> -> memref<2000xi32, #tpu.memory_space<hbm>>
      tpu.wait_dma2 semaphore(%arg24 : memref<!tpu.dma_semaphore, #tpu.memory_space<semaphore_mem>>) src(%dma_wait3A_138 : memref<2000xi32, #tpu.memory_space<hbm>>) dst(%arg16 : memref<2000xi32, #tpu.memory_space<vmem>>)
      %add3A_139 = arith.constant 1 : i32
      %add3A_140 = arith.addi %add3A_119, %add3A_139 : i32
      %lt3A = arith.constant 100 : i32
      %lt3A_141 = arith.cmpi slt, %add3A_140, %lt3A : i32
      %convert_element_type3A = arith.extui %lt3A_141 : i1 to i32
      %cond3A = arith.constant 0 : i32
      %cond3A_142 = arith.cmpi ne, %convert_element_type3A, %cond3A : i32
      scf.if %cond3A_142 {
        %add3A_214 = arith.constant 1 : i32
        %add3A_215 = arith.addi %add3A_119, %add3A_214 : i32
        %mul3A_216 = arith.constant 2000 : i32
        %mul3A_217 = arith.muli %add3A_215, %mul3A_216 : i32
        %add3A_218 = arith.addi %mul3A_20, %mul3A_217 : i32
        %dma_start3A_219 = tpu.memref_slice %arg2[%add3A_218] : memref<6400000xf32, #tpu.memory_space<hbm>> -> memref<2000xf32, #tpu.memory_space<hbm>>
        %dma_start3A_220 = tpu.memref_slice %arg2[%add3A_218] : memref<6400000xf32, #tpu.memory_space<hbm>> -> memref<2000xf32, #tpu.memory_space<hbm>>
        tpu.enqueue_dma source(%dma_start3A_220 : memref<2000xf32, #tpu.memory_space<hbm>>) target(%arg9 : memref<2000xf32, #tpu.memory_space<vmem>>) target_semaphore(%arg25 : memref<!tpu.dma_semaphore, #tpu.memory_space<semaphore_mem>>)
        %dma_start3A_221 = tpu.memref_slice %arg3[%add3A_218] : memref<6400000xf32, #tpu.memory_space<hbm>> -> memref<2000xf32, #tpu.memory_space<hbm>>
        %dma_start3A_222 = tpu.memref_slice %arg3[%add3A_218] : memref<6400000xf32, #tpu.memory_space<hbm>> -> memref<2000xf32, #tpu.memory_space<hbm>>
        tpu.enqueue_dma source(%dma_start3A_222 : memref<2000xf32, #tpu.memory_space<hbm>>) target(%arg11 : memref<2000xf32, #tpu.memory_space<vmem>>) target_semaphore(%arg25 : memref<!tpu.dma_semaphore, #tpu.memory_space<semaphore_mem>>)
        %dma_start3A_223 = tpu.memref_slice %arg4[%add3A_218] : memref<6400000xf32, #tpu.memory_space<hbm>> -> memref<2000xf32, #tpu.memory_space<hbm>>
        %dma_start3A_224 = tpu.memref_slice %arg4[%add3A_218] : memref<6400000xf32, #tpu.memory_space<hbm>> -> memref<2000xf32, #tpu.memory_space<hbm>>
        tpu.enqueue_dma source(%dma_start3A_224 : memref<2000xf32, #tpu.memory_space<hbm>>) target(%arg13 : memref<2000xf32, #tpu.memory_space<vmem>>) target_semaphore(%arg25 : memref<!tpu.dma_semaphore, #tpu.memory_space<semaphore_mem>>)
        %dma_start3A_225 = tpu.memref_slice %arg5[%add3A_218] : memref<6400000xf32, #tpu.memory_space<hbm>> -> memref<2000xf32, #tpu.memory_space<hbm>>
        %dma_start3A_226 = tpu.memref_slice %arg5[%add3A_218] : memref<6400000xf32, #tpu.memory_space<hbm>> -> memref<2000xf32, #tpu.memory_space<hbm>>
        tpu.enqueue_dma source(%dma_start3A_226 : memref<2000xf32, #tpu.memory_space<hbm>>) target(%arg15 : memref<2000xf32, #tpu.memory_space<vmem>>) target_semaphore(%arg25 : memref<!tpu.dma_semaphore, #tpu.memory_space<semaphore_mem>>)
        %dma_start3A_227 = tpu.memref_slice %arg6[%add3A_218] : memref<6400000xi32, #tpu.memory_space<hbm>> -> memref<2000xi32, #tpu.memory_space<hbm>>
        %dma_start3A_228 = tpu.memref_slice %arg6[%add3A_218] : memref<6400000xi32, #tpu.memory_space<hbm>> -> memref<2000xi32, #tpu.memory_space<hbm>>
        tpu.enqueue_dma source(%dma_start3A_228 : memref<2000xi32, #tpu.memory_space<hbm>>) target(%arg17 : memref<2000xi32, #tpu.memory_space<vmem>>) target_semaphore(%arg25 : memref<!tpu.dma_semaphore, #tpu.memory_space<semaphore_mem>>)
      } else {
      }
      %get3A_143 = arith.constant 1984 : index
      %get3A_144 = tpu.vector_load %arg16[%get3A_143] {strides = array<i32>} : memref<2000xi32, #tpu.memory_space<vmem>>, vector<16xi32>,
      %reduce_max3A_145 = arith.constant true
      %reduce_max3A_146 = vector.broadcast %reduce_max3A_145 : i1 to vector<16xi1>
      %reduce_max3A_147 = arith.constant -2147483648 : i32
      %reduce_max3A_148 = vector.broadcast %reduce_max3A_147 : i32 to vector<16xi32>
      %reduce_max3A_149 = arith.xori %get3A_144, %reduce_max3A_148 : vector<16xi32>
      %reduce_max3A_150 = tpu.scan <max>, %reduce_max3A_149 masked %reduce_max3A_146 : vector<16xi32>, vector<16xi1> -> vector<16xi32>
      %reduce_max3A_151 = arith.xori %reduce_max3A_150, %reduce_max3A_148 : vector<16xi32>
      %reduce_max3A_152 = vector.extract %reduce_max3A_151[15] : i32 from vector<16xi32>
      %sub3A_153 = arith.subi %reduce_max3A_152, %reduce_min3A_28 : i32
      %mul3A_154 = arith.constant 3 : i32
      %mul3A_155 = arith.muli %sub3A_153, %mul3A_154 : i32
      %add3A_156 = arith.constant 2 : i32
      %add3A_157 = arith.addi %mul3A_155, %add3A_156 : i32
      %lt3A_158 = arith.constant 36864 : i32
      %lt3A_159 = arith.cmpi slt, %add3A_157, %lt3A_158 : i32
      %convert_element_type3A_160 = arith.extui %lt3A_159 : i1 to i32
      %cond3A_161 = arith.constant 0 : i32
      %cond3A_162 = arith.cmpi ne, %convert_element_type3A_160, %cond3A_161 : i32
      scf.if %cond3A_162 {
        %mul3A_214 = arith.constant 125 : i32
        %mul3A_215 = vector.broadcast %mul3A_214 : i32 to vector<16xi32>
        %mul3A_216 = arith.muli %iota3A, %mul3A_215 : vector<16xi32>
        %add3A_217 = arith.constant 0 : i32
        %add3A_218 = vector.broadcast %add3A_217 : i32 to vector<16xi32>
        %add3A_219 = arith.addi %mul3A_216, %add3A_218 : vector<16xi32>
        %scan3A_220 = arith.constant 0 : i32
        %scan3A_221 = arith.constant 0 : i32
        %scan3A_222 = arith.constant 5 : i32
        %scan3A_223 = arith.addi %scan3A_221, %scan3A_222 : i32
        %scan3A_224 = arith.constant 1 : i32
        scf.for %scan3A_226 = %scan3A_221 to %scan3A_223 step %scan3A_224  : i32 {
          %mul3A_227 = arith.constant 25 : i32
          %mul3A_228 = arith.muli %mul3A_227, %scan3A_226 : i32
          %add3A_229 = arith.constant 0 : i32
          %add3A_230 = arith.addi %mul3A_228, %add3A_229 : i32
          %add3A_231 = vector.broadcast %add3A_230 : i32 to vector<16xi32>
          %add3A_232 = arith.addi %add3A_219, %add3A_231 : vector<16xi32>
          %gather3A = tpu.vector_load_idx %arg14[%add3A_232] : memref<2000xf32, #tpu.memory_space<vmem>>[vector<16xi32>], vector<16xf32>,
          %gather3A_233 = tpu.vector_load_idx %arg16[%add3A_232] : memref<2000xi32, #tpu.memory_space<vmem>>[vector<16xi32>], vector<16xi32>,
          %mul3A_234 = arith.constant 3 : i32
          %mul3A_235 = vector.broadcast %mul3A_234 : i32 to vector<16xi32>
          %mul3A_236 = arith.muli %gather3A_233, %mul3A_235 : vector<16xi32>
          %sub3A_237 = vector.broadcast %mul3A_30 : i32 to vector<16xi32>
          %sub3A_238 = arith.subi %mul3A_236, %sub3A_237 : vector<16xi32>
          %gather3A_239 = tpu.vector_load_idx %arg8[%add3A_232] : memref<2000xf32, #tpu.memory_space<vmem>>[vector<16xi32>], vector<16xf32>,
          %mul3A_240 = arith.mulf %gather3A_239, %gather3A : vector<16xf32>
          tpu.vector_store_idx %arg22[%sub3A_238], %mul3A_240 {add = true} : memref<36864xf32, #tpu.memory_space<vmem>>[vector<16xi32>], vector<16xf32>,
          %add3A_241 = arith.constant 1 : i32
          %add3A_242 = vector.broadcast %add3A_241 : i32 to vector<16xi32>
          %add3A_243 = arith.addi %sub3A_238, %add3A_242 : vector<16xi32>
          %gather3A_244 = tpu.vector_load_idx %arg10[%add3A_232] : memref<2000xf32, #tpu.memory_space<vmem>>[vector<16xi32>], vector<16xf32>,
          %mul3A_245 = arith.mulf %gather3A_244, %gather3A : vector<16xf32>
          tpu.vector_store_idx %arg22[%add3A_243], %mul3A_245 {add = true} : memref<36864xf32, #tpu.memory_space<vmem>>[vector<16xi32>], vector<16xf32>,
          %add3A_246 = arith.constant 2 : i32
          %add3A_247 = vector.broadcast %add3A_246 : i32 to vector<16xi32>
          %add3A_248 = arith.addi %sub3A_238, %add3A_247 : vector<16xi32>
          %gather3A_249 = tpu.vector_load_idx %arg12[%add3A_232] : memref<2000xf32, #tpu.memory_space<vmem>>[vector<16xi32>], vector<16xf32>,
          %mul3A_250 = arith.mulf %gather3A_249, %gather3A : vector<16xf32>
          tpu.vector_store_idx %arg22[%add3A_248], %mul3A_250 {add = true} : memref<36864xf32, #tpu.memory_space<vmem>>[vector<16xi32>], vector<16xf32>,
          %mul3A_251 = arith.constant 25 : i32
          %mul3A_252 = arith.muli %mul3A_251, %scan3A_226 : i32
          %add3A_253 = arith.constant 1 : i32
          %add3A_254 = arith.addi %mul3A_252, %add3A_253 : i32
          %add3A_255 = vector.broadcast %add3A_254 : i32 to vector<16xi32>
          %add3A_256 = arith.addi %add3A_219, %add3A_255 : vector<16xi32>
          %gather3A_257 = tpu.vector_load_idx %arg14[%add3A_256] : memref<2000xf32, #tpu.memory_space<vmem>>[vector<16xi32>], vector<16xf32>,
          %gather3A_258 = tpu.vector_load_idx %arg16[%add3A_256] : memref<2000xi32, #tpu.memory_space<vmem>>[vector<16xi32>], vector<16xi32>,
          %mul3A_259 = arith.constant 3 : i32
          %mul3A_260 = vector.broadcast %mul3A_259 : i32 to vector<16xi32>
          %mul3A_261 = arith.muli %gather3A_258, %mul3A_260 : vector<16xi32>
          %sub3A_262 = vector.broadcast %mul3A_30 : i32 to vector<16xi32>
          %sub3A_263 = arith.subi %mul3A_261, %sub3A_262 : vector<16xi32>
          %gather3A_264 = tpu.vector_load_idx %arg8[%add3A_256] : memref<2000xf32, #tpu.memory_space<vmem>>[vector<16xi32>], vector<16xf32>,
          %mul3A_265 = arith.mulf %gather3A_264, %gather3A_257 : vector<16xf32>
          tpu.vector_store_idx %arg22[%sub3A_263], %mul3A_265 {add = true} : memref<36864xf32, #tpu.memory_space<vmem>>[vector<16xi32>], vector<16xf32>,
          %add3A_266 = arith.constant 1 : i32
          %add3A_267 = vector.broadcast %add3A_266 : i32 to vector<16xi32>
          %add3A_268 = arith.addi %sub3A_263, %add3A_267 : vector<16xi32>
          %gather3A_269 = tpu.vector_load_idx %arg10[%add3A_256] : memref<2000xf32, #tpu.memory_space<vmem>>[vector<16xi32>], vector<16xf32>,
          %mul3A_270 = arith.mulf %gather3A_269, %gather3A_257 : vector<16xf32>
          tpu.vector_store_idx %arg22[%add3A_268], %mul3A_270 {add = true} : memref<36864xf32, #tpu.memory_space<vmem>>[vector<16xi32>], vector<16xf32>,
          %add3A_271 = arith.constant 2 : i32
          %add3A_272 = vector.broadcast %add3A_271 : i32 to vector<16xi32>
          %add3A_273 = arith.addi %sub3A_263, %add3A_272 : vector<16xi32>
          %gather3A_274 = tpu.vector_load_idx %arg12[%add3A_256] : memref<2000xf32, #tpu.memory_space<vmem>>[vector<16xi32>], vector<16xf32>,
          %mul3A_275 = arith.mulf %gather3A_274, %gather3A_257 : vector<16xf32>
          tpu.vector_store_idx %arg22[%add3A_273], %mul3A_275 {add = true} : memref<36864xf32, #tpu.memory_space<vmem>>[vector<16xi32>], vector<16xf32>,
          %mul3A_276 = arith.constant 25 : i32
          %mul3A_277 = arith.muli %mul3A_276, %scan3A_226 : i32
          %add3A_278 = arith.constant 2 : i32
          %add3A_279 = arith.addi %mul3A_277, %add3A_278 : i32
          %add3A_280 = vector.broadcast %add3A_279 : i32 to vector<16xi32>
          %add3A_281 = arith.addi %add3A_219, %add3A_280 : vector<16xi32>
          %gather3A_282 = tpu.vector_load_idx %arg14[%add3A_281] : memref<2000xf32, #tpu.memory_space<vmem>>[vector<16xi32>], vector<16xf32>,
          %gather3A_283 = tpu.vector_load_idx %arg16[%add3A_281] : memref<2000xi32, #tpu.memory_space<vmem>>[vector<16xi32>], vector<16xi32>,
          %mul3A_284 = arith.constant 3 : i32
          %mul3A_285 = vector.broadcast %mul3A_284 : i32 to vector<16xi32>
          %mul3A_286 = arith.muli %gather3A_283, %mul3A_285 : vector<16xi32>
          %sub3A_287 = vector.broadcast %mul3A_30 : i32 to vector<16xi32>
          %sub3A_288 = arith.subi %mul3A_286, %sub3A_287 : vector<16xi32>
          %gather3A_289 = tpu.vector_load_idx %arg8[%add3A_281] : memref<2000xf32, #tpu.memory_space<vmem>>[vector<16xi32>], vector<16xf32>,
          %mul3A_290 = arith.mulf %gather3A_289, %gather3A_282 : vector<16xf32>
          tpu.vector_store_idx %arg22[%sub3A_288], %mul3A_290 {add = true} : memref<36864xf32, #tpu.memory_space<vmem>>[vector<16xi32>], vector<16xf32>,
          %add3A_291 = arith.constant 1 : i32
          %add3A_292 = vector.broadcast %add3A_291 : i32 to vector<16xi32>
          %add3A_293 = arith.addi %sub3A_288, %add3A_292 : vector<16xi32>
          %gather3A_294 = tpu.vector_load_idx %arg10[%add3A_281] : memref<2000xf32, #tpu.memory_space<vmem>>[vector<16xi32>], vector<16xf32>,
          %mul3A_295 = arith.mulf %gather3A_294, %gather3A_282 : vector<16xf32>
          tpu.vector_store_idx %arg22[%add3A_293], %mul3A_295 {add = true} : memref<36864xf32, #tpu.memory_space<vmem>>[vector<16xi32>], vector<16xf32>,
          %add3A_296 = arith.constant 2 : i32
          %add3A_297 = vector.broadcast %add3A_296 : i32 to vector<16xi32>
          %add3A_298 = arith.addi %sub3A_288, %add3A_297 : vector<16xi32>
          %gather3A_299 = tpu.vector_load_idx %arg12[%add3A_281] : memref<2000xf32, #tpu.memory_space<vmem>>[vector<16xi32>], vector<16xf32>,
          %mul3A_300 = arith.mulf %gather3A_299, %gather3A_282 : vector<16xf32>
          tpu.vector_store_idx %arg22[%add3A_298], %mul3A_300 {add = true} : memref<36864xf32, #tpu.memory_space<vmem>>[vector<16xi32>], vector<16xf32>,
          %mul3A_301 = arith.constant 25 : i32
          %mul3A_302 = arith.muli %mul3A_301, %scan3A_226 : i32
          %add3A_303 = arith.constant 3 : i32
          %add3A_304 = arith.addi %mul3A_302, %add3A_303 : i32
          %add3A_305 = vector.broadcast %add3A_304 : i32 to vector<16xi32>
          %add3A_306 = arith.addi %add3A_219, %add3A_305 : vector<16xi32>
          %gather3A_307 = tpu.vector_load_idx %arg14[%add3A_306] : memref<2000xf32, #tpu.memory_space<vmem>>[vector<16xi32>], vector<16xf32>,
          %gather3A_308 = tpu.vector_load_idx %arg16[%add3A_306] : memref<2000xi32, #tpu.memory_space<vmem>>[vector<16xi32>], vector<16xi32>,
          %mul3A_309 = arith.constant 3 : i32
          %mul3A_310 = vector.broadcast %mul3A_309 : i32 to vector<16xi32>
          %mul3A_311 = arith.muli %gather3A_308, %mul3A_310 : vector<16xi32>
          %sub3A_312 = vector.broadcast %mul3A_30 : i32 to vector<16xi32>
          %sub3A_313 = arith.subi %mul3A_311, %sub3A_312 : vector<16xi32>
          %gather3A_314 = tpu.vector_load_idx %arg8[%add3A_306] : memref<2000xf32, #tpu.memory_space<vmem>>[vector<16xi32>], vector<16xf32>,
          %mul3A_315 = arith.mulf %gather3A_314, %gather3A_307 : vector<16xf32>
          tpu.vector_store_idx %arg22[%sub3A_313], %mul3A_315 {add = true} : memref<36864xf32, #tpu.memory_space<vmem>>[vector<16xi32>], vector<16xf32>,
          %add3A_316 = arith.constant 1 : i32
          %add3A_317 = vector.broadcast %add3A_316 : i32 to vector<16xi32>
          %add3A_318 = arith.addi %sub3A_313, %add3A_317 : vector<16xi32>
          %gather3A_319 = tpu.vector_load_idx %arg10[%add3A_306] : memref<2000xf32, #tpu.memory_space<vmem>>[vector<16xi32>], vector<16xf32>,
          %mul3A_320 = arith.mulf %gather3A_319, %gather3A_307 : vector<16xf32>
          tpu.vector_store_idx %arg22[%add3A_318], %mul3A_320 {add = true} : memref<36864xf32, #tpu.memory_space<vmem>>[vector<16xi32>], vector<16xf32>,
          %add3A_321 = arith.constant 2 : i32
          %add3A_322 = vector.broadcast %add3A_321 : i32 to vector<16xi32>
          %add3A_323 = arith.addi %sub3A_313, %add3A_322 : vector<16xi32>
          %gather3A_324 = tpu.vector_load_idx %arg12[%add3A_306] : memref<2000xf32, #tpu.memory_space<vmem>>[vector<16xi32>], vector<16xf32>,
          %mul3A_325 = arith.mulf %gather3A_324, %gather3A_307 : vector<16xf32>
          tpu.vector_store_idx %arg22[%add3A_323], %mul3A_325 {add = true} : memref<36864xf32, #tpu.memory_space<vmem>>[vector<16xi32>], vector<16xf32>,
          %mul3A_326 = arith.constant 25 : i32
          %mul3A_327 = arith.muli %mul3A_326, %scan3A_226 : i32
          %add3A_328 = arith.constant 4 : i32
          %add3A_329 = arith.addi %mul3A_327, %add3A_328 : i32
          %add3A_330 = vector.broadcast %add3A_329 : i32 to vector<16xi32>
          %add3A_331 = arith.addi %add3A_219, %add3A_330 : vector<16xi32>
          %gather3A_332 = tpu.vector_load_idx %arg14[%add3A_331] : memref<2000xf32, #tpu.memory_space<vmem>>[vector<16xi32>], vector<16xf32>,
          %gather3A_333 = tpu.vector_load_idx %arg16[%add3A_331] : memref<2000xi32, #tpu.memory_space<vmem>>[vector<16xi32>], vector<16xi32>,
          %mul3A_334 = arith.constant 3 : i32
          %mul3A_335 = vector.broadcast %mul3A_334 : i32 to vector<16xi32>
          %mul3A_336 = arith.muli %gather3A_333, %mul3A_335 : vector<16xi32>
          %sub3A_337 = vector.broadcast %mul3A_30 : i32 to vector<16xi32>
          %sub3A_338 = arith.subi %mul3A_336, %sub3A_337 : vector<16xi32>
          %gather3A_339 = tpu.vector_load_idx %arg8[%add3A_331] : memref<2000xf32, #tpu.memory_space<vmem>>[vector<16xi32>], vector<16xf32>,
          %mul3A_340 = arith.mulf %gather3A_339, %gather3A_332 : vector<16xf32>
          tpu.vector_store_idx %arg22[%sub3A_338], %mul3A_340 {add = true} : memref<36864xf32, #tpu.memory_space<vmem>>[vector<16xi32>], vector<16xf32>,
          %add3A_341 = arith.constant 1 : i32
          %add3A_342 = vector.broadcast %add3A_341 : i32 to vector<16xi32>
          %add3A_343 = arith.addi %sub3A_338, %add3A_342 : vector<16xi32>
          %gather3A_344 = tpu.vector_load_idx %arg10[%add3A_331] : memref<2000xf32, #tpu.memory_space<vmem>>[vector<16xi32>], vector<16xf32>,
          %mul3A_345 = arith.mulf %gather3A_344, %gather3A_332 : vector<16xf32>
          tpu.vector_store_idx %arg22[%add3A_343], %mul3A_345 {add = true} : memref<36864xf32, #tpu.memory_space<vmem>>[vector<16xi32>], vector<16xf32>,
          %add3A_346 = arith.constant 2 : i32
          %add3A_347 = vector.broadcast %add3A_346 : i32 to vector<16xi32>
          %add3A_348 = arith.addi %sub3A_338, %add3A_347 : vector<16xi32>
          %gather3A_349 = tpu.vector_load_idx %arg12[%add3A_331] : memref<2000xf32, #tpu.memory_space<vmem>>[vector<16xi32>], vector<16xf32>,
          %mul3A_350 = arith.mulf %gather3A_349, %gather3A_332 : vector<16xf32>
          tpu.vector_store_idx %arg22[%add3A_348], %mul3A_350 {add = true} : memref<36864xf32, #tpu.memory_space<vmem>>[vector<16xi32>], vector<16xf32>,
          %mul3A_351 = arith.constant 25 : i32
          %mul3A_352 = arith.muli %mul3A_351, %scan3A_226 : i32
          %add3A_353 = arith.constant 5 : i32
          %add3A_354 = arith.addi %mul3A_352, %add3A_353 : i32
          %add3A_355 = vector.broadcast %add3A_354 : i32 to vector<16xi32>
          %add3A_356 = arith.addi %add3A_219, %add3A_355 : vector<16xi32>
          %gather3A_357 = tpu.vector_load_idx %arg14[%add3A_356] : memref<2000xf32, #tpu.memory_space<vmem>>[vector<16xi32>], vector<16xf32>,
          %gather3A_358 = tpu.vector_load_idx %arg16[%add3A_356] : memref<2000xi32, #tpu.memory_space<vmem>>[vector<16xi32>], vector<16xi32>,
          %mul3A_359 = arith.constant 3 : i32
          %mul3A_360 = vector.broadcast %mul3A_359 : i32 to vector<16xi32>
          %mul3A_361 = arith.muli %gather3A_358, %mul3A_360 : vector<16xi32>
          %sub3A_362 = vector.broadcast %mul3A_30 : i32 to vector<16xi32>
          %sub3A_363 = arith.subi %mul3A_361, %sub3A_362 : vector<16xi32>
          %gather3A_364 = tpu.vector_load_idx %arg8[%add3A_356] : memref<2000xf32, #tpu.memory_space<vmem>>[vector<16xi32>], vector<16xf32>,
          %mul3A_365 = arith.mulf %gather3A_364, %gather3A_357 : vector<16xf32>
          tpu.vector_store_idx %arg22[%sub3A_363], %mul3A_365 {add = true} : memref<36864xf32, #tpu.memory_space<vmem>>[vector<16xi32>], vector<16xf32>,
          %add3A_366 = arith.constant 1 : i32
          %add3A_367 = vector.broadcast %add3A_366 : i32 to vector<16xi32>
          %add3A_368 = arith.addi %sub3A_363, %add3A_367 : vector<16xi32>
          %gather3A_369 = tpu.vector_load_idx %arg10[%add3A_356] : memref<2000xf32, #tpu.memory_space<vmem>>[vector<16xi32>], vector<16xf32>,
          %mul3A_370 = arith.mulf %gather3A_369, %gather3A_357 : vector<16xf32>
          tpu.vector_store_idx %arg22[%add3A_368], %mul3A_370 {add = true} : memref<36864xf32, #tpu.memory_space<vmem>>[vector<16xi32>], vector<16xf32>,
          %add3A_371 = arith.constant 2 : i32
          %add3A_372 = vector.broadcast %add3A_371 : i32 to vector<16xi32>
          %add3A_373 = arith.addi %sub3A_363, %add3A_372 : vector<16xi32>
          %gather3A_374 = tpu.vector_load_idx %arg12[%add3A_356] : memref<2000xf32, #tpu.memory_space<vmem>>[vector<16xi32>], vector<16xf32>,
          %mul3A_375 = arith.mulf %gather3A_374, %gather3A_357 : vector<16xf32>
          tpu.vector_store_idx %arg22[%add3A_373], %mul3A_375 {add = true} : memref<36864xf32, #tpu.memory_space<vmem>>[vector<16xi32>], vector<16xf32>,
          %mul3A_376 = arith.constant 25 : i32
          %mul3A_377 = arith.muli %mul3A_376, %scan3A_226 : i32
          %add3A_378 = arith.constant 6 : i32
          %add3A_379 = arith.addi %mul3A_377, %add3A_378 : i32
          %add3A_380 = vector.broadcast %add3A_379 : i32 to vector<16xi32>
          %add3A_381 = arith.addi %add3A_219, %add3A_380 : vector<16xi32>
          %gather3A_382 = tpu.vector_load_idx %arg14[%add3A_381] : memref<2000xf32, #tpu.memory_space<vmem>>[vector<16xi32>], vector<16xf32>,
          %gather3A_383 = tpu.vector_load_idx %arg16[%add3A_381] : memref<2000xi32, #tpu.memory_space<vmem>>[vector<16xi32>], vector<16xi32>,
          %mul3A_384 = arith.constant 3 : i32
          %mul3A_385 = vector.broadcast %mul3A_384 : i32 to vector<16xi32>
          %mul3A_386 = arith.muli %gather3A_383, %mul3A_385 : vector<16xi32>
          %sub3A_387 = vector.broadcast %mul3A_30 : i32 to vector<16xi32>
          %sub3A_388 = arith.subi %mul3A_386, %sub3A_387 : vector<16xi32>
          %gather3A_389 = tpu.vector_load_idx %arg8[%add3A_381] : memref<2000xf32, #tpu.memory_space<vmem>>[vector<16xi32>], vector<16xf32>,
          %mul3A_390 = arith.mulf %gather3A_389, %gather3A_382 : vector<16xf32>
          tpu.vector_store_idx %arg22[%sub3A_388], %mul3A_390 {add = true} : memref<36864xf32, #tpu.memory_space<vmem>>[vector<16xi32>], vector<16xf32>,
          %add3A_391 = arith.constant 1 : i32
          %add3A_392 = vector.broadcast %add3A_391 : i32 to vector<16xi32>
          %add3A_393 = arith.addi %sub3A_388, %add3A_392 : vector<16xi32>
          %gather3A_394 = tpu.vector_load_idx %arg10[%add3A_381] : memref<2000xf32, #tpu.memory_space<vmem>>[vector<16xi32>], vector<16xf32>,
          %mul3A_395 = arith.mulf %gather3A_394, %gather3A_382 : vector<16xf32>
          tpu.vector_store_idx %arg22[%add3A_393], %mul3A_395 {add = true} : memref<36864xf32, #tpu.memory_space<vmem>>[vector<16xi32>], vector<16xf32>,
          %add3A_396 = arith.constant 2 : i32
          %add3A_397 = vector.broadcast %add3A_396 : i32 to vector<16xi32>
          %add3A_398 = arith.addi %sub3A_388, %add3A_397 : vector<16xi32>
          %gather3A_399 = tpu.vector_load_idx %arg12[%add3A_381] : memref<2000xf32, #tpu.memory_space<vmem>>[vector<16xi32>], vector<16xf32>,
          %mul3A_400 = arith.mulf %gather3A_399, %gather3A_382 : vector<16xf32>
          tpu.vector_store_idx %arg22[%add3A_398], %mul3A_400 {add = true} : memref<36864xf32, #tpu.memory_space<vmem>>[vector<16xi32>], vector<16xf32>,
          %mul3A_401 = arith.constant 25 : i32
          %mul3A_402 = arith.muli %mul3A_401, %scan3A_226 : i32
          %add3A_403 = arith.constant 7 : i32
          %add3A_404 = arith.addi %mul3A_402, %add3A_403 : i32
          %add3A_405 = vector.broadcast %add3A_404 : i32 to vector<16xi32>
          %add3A_406 = arith.addi %add3A_219, %add3A_405 : vector<16xi32>
          %gather3A_407 = tpu.vector_load_idx %arg14[%add3A_406] : memref<2000xf32, #tpu.memory_space<vmem>>[vector<16xi32>], vector<16xf32>,
          %gather3A_408 = tpu.vector_load_idx %arg16[%add3A_406] : memref<2000xi32, #tpu.memory_space<vmem>>[vector<16xi32>], vector<16xi32>,
          %mul3A_409 = arith.constant 3 : i32
          %mul3A_410 = vector.broadcast %mul3A_409 : i32 to vector<16xi32>
          %mul3A_411 = arith.muli %gather3A_408, %mul3A_410 : vector<16xi32>
          %sub3A_412 = vector.broadcast %mul3A_30 : i32 to vector<16xi32>
          %sub3A_413 = arith.subi %mul3A_411, %sub3A_412 : vector<16xi32>
          %gather3A_414 = tpu.vector_load_idx %arg8[%add3A_406] : memref<2000xf32, #tpu.memory_space<vmem>>[vector<16xi32>], vector<16xf32>,
          %mul3A_415 = arith.mulf %gather3A_414, %gather3A_407 : vector<16xf32>
          tpu.vector_store_idx %arg22[%sub3A_413], %mul3A_415 {add = true} : memref<36864xf32, #tpu.memory_space<vmem>>[vector<16xi32>], vector<16xf32>,
          %add3A_416 = arith.constant 1 : i32
          %add3A_417 = vector.broadcast %add3A_416 : i32 to vector<16xi32>
          %add3A_418 = arith.addi %sub3A_413, %add3A_417 : vector<16xi32>
          %gather3A_419 = tpu.vector_load_idx %arg10[%add3A_406] : memref<2000xf32, #tpu.memory_space<vmem>>[vector<16xi32>], vector<16xf32>,
          %mul3A_420 = arith.mulf %gather3A_419, %gather3A_407 : vector<16xf32>
          tpu.vector_store_idx %arg22[%add3A_418], %mul3A_420 {add = true} : memref<36864xf32, #tpu.memory_space<vmem>>[vector<16xi32>], vector<16xf32>,
          %add3A_421 = arith.constant 2 : i32
          %add3A_422 = vector.broadcast %add3A_421 : i32 to vector<16xi32>
          %add3A_423 = arith.addi %sub3A_413, %add3A_422 : vector<16xi32>
          %gather3A_424 = tpu.vector_load_idx %arg12[%add3A_406] : memref<2000xf32, #tpu.memory_space<vmem>>[vector<16xi32>], vector<16xf32>,
          %mul3A_425 = arith.mulf %gather3A_424, %gather3A_407 : vector<16xf32>
          tpu.vector_store_idx %arg22[%add3A_423], %mul3A_425 {add = true} : memref<36864xf32, #tpu.memory_space<vmem>>[vector<16xi32>], vector<16xf32>,
          %mul3A_426 = arith.constant 25 : i32
          %mul3A_427 = arith.muli %mul3A_426, %scan3A_226 : i32
          %add3A_428 = arith.constant 8 : i32
          %add3A_429 = arith.addi %mul3A_427, %add3A_428 : i32
          %add3A_430 = vector.broadcast %add3A_429 : i32 to vector<16xi32>
          %add3A_431 = arith.addi %add3A_219, %add3A_430 : vector<16xi32>
          %gather3A_432 = tpu.vector_load_idx %arg14[%add3A_431] : memref<2000xf32, #tpu.memory_space<vmem>>[vector<16xi32>], vector<16xf32>,
          %gather3A_433 = tpu.vector_load_idx %arg16[%add3A_431] : memref<2000xi32, #tpu.memory_space<vmem>>[vector<16xi32>], vector<16xi32>,
          %mul3A_434 = arith.constant 3 : i32
          %mul3A_435 = vector.broadcast %mul3A_434 : i32 to vector<16xi32>
          %mul3A_436 = arith.muli %gather3A_433, %mul3A_435 : vector<16xi32>
          %sub3A_437 = vector.broadcast %mul3A_30 : i32 to vector<16xi32>
          %sub3A_438 = arith.subi %mul3A_436, %sub3A_437 : vector<16xi32>
          %gather3A_439 = tpu.vector_load_idx %arg8[%add3A_431] : memref<2000xf32, #tpu.memory_space<vmem>>[vector<16xi32>], vector<16xf32>,
          %mul3A_440 = arith.mulf %gather3A_439, %gather3A_432 : vector<16xf32>
          tpu.vector_store_idx %arg22[%sub3A_438], %mul3A_440 {add = true} : memref<36864xf32, #tpu.memory_space<vmem>>[vector<16xi32>], vector<16xf32>,
          %add3A_441 = arith.constant 1 : i32
          %add3A_442 = vector.broadcast %add3A_441 : i32 to vector<16xi32>
          %add3A_443 = arith.addi %sub3A_438, %add3A_442 : vector<16xi32>
          %gather3A_444 = tpu.vector_load_idx %arg10[%add3A_431] : memref<2000xf32, #tpu.memory_space<vmem>>[vector<16xi32>], vector<16xf32>,
          %mul3A_445 = arith.mulf %gather3A_444, %gather3A_432 : vector<16xf32>
          tpu.vector_store_idx %arg22[%add3A_443], %mul3A_445 {add = true} : memref<36864xf32, #tpu.memory_space<vmem>>[vector<16xi32>], vector<16xf32>,
          %add3A_446 = arith.constant 2 : i32
          %add3A_447 = vector.broadcast %add3A_446 : i32 to vector<16xi32>
          %add3A_448 = arith.addi %sub3A_438, %add3A_447 : vector<16xi32>
          %gather3A_449 = tpu.vector_load_idx %arg12[%add3A_431] : memref<2000xf32, #tpu.memory_space<vmem>>[vector<16xi32>], vector<16xf32>,
          %mul3A_450 = arith.mulf %gather3A_449, %gather3A_432 : vector<16xf32>
          tpu.vector_store_idx %arg22[%add3A_448], %mul3A_450 {add = true} : memref<36864xf32, #tpu.memory_space<vmem>>[vector<16xi32>], vector<16xf32>,
          %mul3A_451 = arith.constant 25 : i32
          %mul3A_452 = arith.muli %mul3A_451, %scan3A_226 : i32
          %add3A_453 = arith.constant 9 : i32
          %add3A_454 = arith.addi %mul3A_452, %add3A_453 : i32
          %add3A_455 = vector.broadcast %add3A_454 : i32 to vector<16xi32>
          %add3A_456 = arith.addi %add3A_219, %add3A_455 : vector<16xi32>
          %gather3A_457 = tpu.vector_load_idx %arg14[%add3A_456] : memref<2000xf32, #tpu.memory_space<vmem>>[vector<16xi32>], vector<16xf32>,
          %gather3A_458 = tpu.vector_load_idx %arg16[%add3A_456] : memref<2000xi32, #tpu.memory_space<vmem>>[vector<16xi32>], vector<16xi32>,
          %mul3A_459 = arith.constant 3 : i32
          %mul3A_460 = vector.broadcast %mul3A_459 : i32 to vector<16xi32>
          %mul3A_461 = arith.muli %gather3A_458, %mul3A_460 : vector<16xi32>
          %sub3A_462 = vector.broadcast %mul3A_30 : i32 to vector<16xi32>
          %sub3A_463 = arith.subi %mul3A_461, %sub3A_462 : vector<16xi32>
          %gather3A_464 = tpu.vector_load_idx %arg8[%add3A_456] : memref<2000xf32, #tpu.memory_space<vmem>>[vector<16xi32>], vector<16xf32>,
          %mul3A_465 = arith.mulf %gather3A_464, %gather3A_457 : vector<16xf32>
          tpu.vector_store_idx %arg22[%sub3A_463], %mul3A_465 {add = true} : memref<36864xf32, #tpu.memory_space<vmem>>[vector<16xi32>], vector<16xf32>,
          %add3A_466 = arith.constant 1 : i32
          %add3A_467 = vector.broadcast %add3A_466 : i32 to vector<16xi32>
          %add3A_468 = arith.addi %sub3A_463, %add3A_467 : vector<16xi32>
          %gather3A_469 = tpu.vector_load_idx %arg10[%add3A_456] : memref<2000xf32, #tpu.memory_space<vmem>>[vector<16xi32>], vector<16xf32>,
          %mul3A_470 = arith.mulf %gather3A_469, %gather3A_457 : vector<16xf32>
          tpu.vector_store_idx %arg22[%add3A_468], %mul3A_470 {add = true} : memref<36864xf32, #tpu.memory_space<vmem>>[vector<16xi32>], vector<16xf32>,
          %add3A_471 = arith.constant 2 : i32
          %add3A_472 = vector.broadcast %add3A_471 : i32 to vector<16xi32>
          %add3A_473 = arith.addi %sub3A_463, %add3A_472 : vector<16xi32>
          %gather3A_474 = tpu.vector_load_idx %arg12[%add3A_456] : memref<2000xf32, #tpu.memory_space<vmem>>[vector<16xi32>], vector<16xf32>,
          %mul3A_475 = arith.mulf %gather3A_474, %gather3A_457 : vector<16xf32>
          tpu.vector_store_idx %arg22[%add3A_473], %mul3A_475 {add = true} : memref<36864xf32, #tpu.memory_space<vmem>>[vector<16xi32>], vector<16xf32>,
          %mul3A_476 = arith.constant 25 : i32
          %mul3A_477 = arith.muli %mul3A_476, %scan3A_226 : i32
          %add3A_478 = arith.constant 10 : i32
          %add3A_479 = arith.addi %mul3A_477, %add3A_478 : i32
          %add3A_480 = vector.broadcast %add3A_479 : i32 to vector<16xi32>
          %add3A_481 = arith.addi %add3A_219, %add3A_480 : vector<16xi32>
          %gather3A_482 = tpu.vector_load_idx %arg14[%add3A_481] : memref<2000xf32, #tpu.memory_space<vmem>>[vector<16xi32>], vector<16xf32>,
          %gather3A_483 = tpu.vector_load_idx %arg16[%add3A_481] : memref<2000xi32, #tpu.memory_space<vmem>>[vector<16xi32>], vector<16xi32>,
          %mul3A_484 = arith.constant 3 : i32
          %mul3A_485 = vector.broadcast %mul3A_484 : i32 to vector<16xi32>
          %mul3A_486 = arith.muli %gather3A_483, %mul3A_485 : vector<16xi32>
          %sub3A_487 = vector.broadcast %mul3A_30 : i32 to vector<16xi32>
          %sub3A_488 = arith.subi %mul3A_486, %sub3A_487 : vector<16xi32>
          %gather3A_489 = tpu.vector_load_idx %arg8[%add3A_481] : memref<2000xf32, #tpu.memory_space<vmem>>[vector<16xi32>], vector<16xf32>,
          %mul3A_490 = arith.mulf %gather3A_489, %gather3A_482 : vector<16xf32>
          tpu.vector_store_idx %arg22[%sub3A_488], %mul3A_490 {add = true} : memref<36864xf32, #tpu.memory_space<vmem>>[vector<16xi32>], vector<16xf32>,
          %add3A_491 = arith.constant 1 : i32
          %add3A_492 = vector.broadcast %add3A_491 : i32 to vector<16xi32>
          %add3A_493 = arith.addi %sub3A_488, %add3A_492 : vector<16xi32>
          %gather3A_494 = tpu.vector_load_idx %arg10[%add3A_481] : memref<2000xf32, #tpu.memory_space<vmem>>[vector<16xi32>], vector<16xf32>,
          %mul3A_495 = arith.mulf %gather3A_494, %gather3A_482 : vector<16xf32>
          tpu.vector_store_idx %arg22[%add3A_493], %mul3A_495 {add = true} : memref<36864xf32, #tpu.memory_space<vmem>>[vector<16xi32>], vector<16xf32>,
          %add3A_496 = arith.constant 2 : i32
          %add3A_497 = vector.broadcast %add3A_496 : i32 to vector<16xi32>
          %add3A_498 = arith.addi %sub3A_488, %add3A_497 : vector<16xi32>
          %gather3A_499 = tpu.vector_load_idx %arg12[%add3A_481] : memref<2000xf32, #tpu.memory_space<vmem>>[vector<16xi32>], vector<16xf32>,
          %mul3A_500 = arith.mulf %gather3A_499, %gather3A_482 : vector<16xf32>
          tpu.vector_store_idx %arg22[%add3A_498], %mul3A_500 {add = true} : memref<36864xf32, #tpu.memory_space<vmem>>[vector<16xi32>], vector<16xf32>,
          %mul3A_501 = arith.constant 25 : i32
          %mul3A_502 = arith.muli %mul3A_501, %scan3A_226 : i32
          %add3A_503 = arith.constant 11 : i32
          %add3A_504 = arith.addi %mul3A_502, %add3A_503 : i32
          %add3A_505 = vector.broadcast %add3A_504 : i32 to vector<16xi32>
          %add3A_506 = arith.addi %add3A_219, %add3A_505 : vector<16xi32>
          %gather3A_507 = tpu.vector_load_idx %arg14[%add3A_506] : memref<2000xf32, #tpu.memory_space<vmem>>[vector<16xi32>], vector<16xf32>,
          %gather3A_508 = tpu.vector_load_idx %arg16[%add3A_506] : memref<2000xi32, #tpu.memory_space<vmem>>[vector<16xi32>], vector<16xi32>,
          %mul3A_509 = arith.constant 3 : i32
          %mul3A_510 = vector.broadcast %mul3A_509 : i32 to vector<16xi32>
          %mul3A_511 = arith.muli %gather3A_508, %mul3A_510 : vector<16xi32>
          %sub3A_512 = vector.broadcast %mul3A_30 : i32 to vector<16xi32>
          %sub3A_513 = arith.subi %mul3A_511, %sub3A_512 : vector<16xi32>
          %gather3A_514 = tpu.vector_load_idx %arg8[%add3A_506] : memref<2000xf32, #tpu.memory_space<vmem>>[vector<16xi32>], vector<16xf32>,
          %mul3A_515 = arith.mulf %gather3A_514, %gather3A_507 : vector<16xf32>
          tpu.vector_store_idx %arg22[%sub3A_513], %mul3A_515 {add = true} : memref<36864xf32, #tpu.memory_space<vmem>>[vector<16xi32>], vector<16xf32>,
          %add3A_516 = arith.constant 1 : i32
          %add3A_517 = vector.broadcast %add3A_516 : i32 to vector<16xi32>
          %add3A_518 = arith.addi %sub3A_513, %add3A_517 : vector<16xi32>
          %gather3A_519 = tpu.vector_load_idx %arg10[%add3A_506] : memref<2000xf32, #tpu.memory_space<vmem>>[vector<16xi32>], vector<16xf32>,
          %mul3A_520 = arith.mulf %gather3A_519, %gather3A_507 : vector<16xf32>
          tpu.vector_store_idx %arg22[%add3A_518], %mul3A_520 {add = true} : memref<36864xf32, #tpu.memory_space<vmem>>[vector<16xi32>], vector<16xf32>,
          %add3A_521 = arith.constant 2 : i32
          %add3A_522 = vector.broadcast %add3A_521 : i32 to vector<16xi32>
          %add3A_523 = arith.addi %sub3A_513, %add3A_522 : vector<16xi32>
          %gather3A_524 = tpu.vector_load_idx %arg12[%add3A_506] : memref<2000xf32, #tpu.memory_space<vmem>>[vector<16xi32>], vector<16xf32>,
          %mul3A_525 = arith.mulf %gather3A_524, %gather3A_507 : vector<16xf32>
          tpu.vector_store_idx %arg22[%add3A_523], %mul3A_525 {add = true} : memref<36864xf32, #tpu.memory_space<vmem>>[vector<16xi32>], vector<16xf32>,
          %mul3A_526 = arith.constant 25 : i32
          %mul3A_527 = arith.muli %mul3A_526, %scan3A_226 : i32
          %add3A_528 = arith.constant 12 : i32
          %add3A_529 = arith.addi %mul3A_527, %add3A_528 : i32
          %add3A_530 = vector.broadcast %add3A_529 : i32 to vector<16xi32>
          %add3A_531 = arith.addi %add3A_219, %add3A_530 : vector<16xi32>
          %gather3A_532 = tpu.vector_load_idx %arg14[%add3A_531] : memref<2000xf32, #tpu.memory_space<vmem>>[vector<16xi32>], vector<16xf32>,
          %gather3A_533 = tpu.vector_load_idx %arg16[%add3A_531] : memref<2000xi32, #tpu.memory_space<vmem>>[vector<16xi32>], vector<16xi32>,
          %mul3A_534 = arith.constant 3 : i32
          %mul3A_535 = vector.broadcast %mul3A_534 : i32 to vector<16xi32>
          %mul3A_536 = arith.muli %gather3A_533, %mul3A_535 : vector<16xi32>
          %sub3A_537 = vector.broadcast %mul3A_30 : i32 to vector<16xi32>
          %sub3A_538 = arith.subi %mul3A_536, %sub3A_537 : vector<16xi32>
          %gather3A_539 = tpu.vector_load_idx %arg8[%add3A_531] : memref<2000xf32, #tpu.memory_space<vmem>>[vector<16xi32>], vector<16xf32>,
          %mul3A_540 = arith.mulf %gather3A_539, %gather3A_532 : vector<16xf32>
          tpu.vector_store_idx %arg22[%sub3A_538], %mul3A_540 {add = true} : memref<36864xf32, #tpu.memory_space<vmem>>[vector<16xi32>], vector<16xf32>,
          %add3A_541 = arith.constant 1 : i32
          %add3A_542 = vector.broadcast %add3A_541 : i32 to vector<16xi32>
          %add3A_543 = arith.addi %sub3A_538, %add3A_542 : vector<16xi32>
          %gather3A_544 = tpu.vector_load_idx %arg10[%add3A_531] : memref<2000xf32, #tpu.memory_space<vmem>>[vector<16xi32>], vector<16xf32>,
          %mul3A_545 = arith.mulf %gather3A_544, %gather3A_532 : vector<16xf32>
          tpu.vector_store_idx %arg22[%add3A_543], %mul3A_545 {add = true} : memref<36864xf32, #tpu.memory_space<vmem>>[vector<16xi32>], vector<16xf32>,
          %add3A_546 = arith.constant 2 : i32
          %add3A_547 = vector.broadcast %add3A_546 : i32 to vector<16xi32>
          %add3A_548 = arith.addi %sub3A_538, %add3A_547 : vector<16xi32>
          %gather3A_549 = tpu.vector_load_idx %arg12[%add3A_531] : memref<2000xf32, #tpu.memory_space<vmem>>[vector<16xi32>], vector<16xf32>,
          %mul3A_550 = arith.mulf %gather3A_549, %gather3A_532 : vector<16xf32>
          tpu.vector_store_idx %arg22[%add3A_548], %mul3A_550 {add = true} : memref<36864xf32, #tpu.memory_space<vmem>>[vector<16xi32>], vector<16xf32>,
          %mul3A_551 = arith.constant 25 : i32
          %mul3A_552 = arith.muli %mul3A_551, %scan3A_226 : i32
          %add3A_553 = arith.constant 13 : i32
          %add3A_554 = arith.addi %mul3A_552, %add3A_553 : i32
          %add3A_555 = vector.broadcast %add3A_554 : i32 to vector<16xi32>
          %add3A_556 = arith.addi %add3A_219, %add3A_555 : vector<16xi32>
          %gather3A_557 = tpu.vector_load_idx %arg14[%add3A_556] : memref<2000xf32, #tpu.memory_space<vmem>>[vector<16xi32>], vector<16xf32>,
          %gather3A_558 = tpu.vector_load_idx %arg16[%add3A_556] : memref<2000xi32, #tpu.memory_space<vmem>>[vector<16xi32>], vector<16xi32>,
          %mul3A_559 = arith.constant 3 : i32
          %mul3A_560 = vector.broadcast %mul3A_559 : i32 to vector<16xi32>
          %mul3A_561 = arith.muli %gather3A_558, %mul3A_560 : vector<16xi32>
          %sub3A_562 = vector.broadcast %mul3A_30 : i32 to vector<16xi32>
          %sub3A_563 = arith.subi %mul3A_561, %sub3A_562 : vector<16xi32>
          %gather3A_564 = tpu.vector_load_idx %arg8[%add3A_556] : memref<2000xf32, #tpu.memory_space<vmem>>[vector<16xi32>], vector<16xf32>,
          %mul3A_565 = arith.mulf %gather3A_564, %gather3A_557 : vector<16xf32>
          tpu.vector_store_idx %arg22[%sub3A_563], %mul3A_565 {add = true} : memref<36864xf32, #tpu.memory_space<vmem>>[vector<16xi32>], vector<16xf32>,
          %add3A_566 = arith.constant 1 : i32
          %add3A_567 = vector.broadcast %add3A_566 : i32 to vector<16xi32>
          %add3A_568 = arith.addi %sub3A_563, %add3A_567 : vector<16xi32>
          %gather3A_569 = tpu.vector_load_idx %arg10[%add3A_556] : memref<2000xf32, #tpu.memory_space<vmem>>[vector<16xi32>], vector<16xf32>,
          %mul3A_570 = arith.mulf %gather3A_569, %gather3A_557 : vector<16xf32>
          tpu.vector_store_idx %arg22[%add3A_568], %mul3A_570 {add = true} : memref<36864xf32, #tpu.memory_space<vmem>>[vector<16xi32>], vector<16xf32>,
          %add3A_571 = arith.constant 2 : i32
          %add3A_572 = vector.broadcast %add3A_571 : i32 to vector<16xi32>
          %add3A_573 = arith.addi %sub3A_563, %add3A_572 : vector<16xi32>
          %gather3A_574 = tpu.vector_load_idx %arg12[%add3A_556] : memref<2000xf32, #tpu.memory_space<vmem>>[vector<16xi32>], vector<16xf32>,
          %mul3A_575 = arith.mulf %gather3A_574, %gather3A_557 : vector<16xf32>
          tpu.vector_store_idx %arg22[%add3A_573], %mul3A_575 {add = true} : memref<36864xf32, #tpu.memory_space<vmem>>[vector<16xi32>], vector<16xf32>,
          %mul3A_576 = arith.constant 25 : i32
          %mul3A_577 = arith.muli %mul3A_576, %scan3A_226 : i32
          %add3A_578 = arith.constant 14 : i32
          %add3A_579 = arith.addi %mul3A_577, %add3A_578 : i32
          %add3A_580 = vector.broadcast %add3A_579 : i32 to vector<16xi32>
          %add3A_581 = arith.addi %add3A_219, %add3A_580 : vector<16xi32>
          %gather3A_582 = tpu.vector_load_idx %arg14[%add3A_581] : memref<2000xf32, #tpu.memory_space<vmem>>[vector<16xi32>], vector<16xf32>,
          %gather3A_583 = tpu.vector_load_idx %arg16[%add3A_581] : memref<2000xi32, #tpu.memory_space<vmem>>[vector<16xi32>], vector<16xi32>,
          %mul3A_584 = arith.constant 3 : i32
          %mul3A_585 = vector.broadcast %mul3A_584 : i32 to vector<16xi32>
          %mul3A_586 = arith.muli %gather3A_583, %mul3A_585 : vector<16xi32>
          %sub3A_587 = vector.broadcast %mul3A_30 : i32 to vector<16xi32>
          %sub3A_588 = arith.subi %mul3A_586, %sub3A_587 : vector<16xi32>
          %gather3A_589 = tpu.vector_load_idx %arg8[%add3A_581] : memref<2000xf32, #tpu.memory_space<vmem>>[vector<16xi32>], vector<16xf32>,
          %mul3A_590 = arith.mulf %gather3A_589, %gather3A_582 : vector<16xf32>
          tpu.vector_store_idx %arg22[%sub3A_588], %mul3A_590 {add = true} : memref<36864xf32, #tpu.memory_space<vmem>>[vector<16xi32>], vector<16xf32>,
          %add3A_591 = arith.constant 1 : i32
          %add3A_592 = vector.broadcast %add3A_591 : i32 to vector<16xi32>
          %add3A_593 = arith.addi %sub3A_588, %add3A_592 : vector<16xi32>
          %gather3A_594 = tpu.vector_load_idx %arg10[%add3A_581] : memref<2000xf32, #tpu.memory_space<vmem>>[vector<16xi32>], vector<16xf32>,
          %mul3A_595 = arith.mulf %gather3A_594, %gather3A_582 : vector<16xf32>
          tpu.vector_store_idx %arg22[%add3A_593], %mul3A_595 {add = true} : memref<36864xf32, #tpu.memory_space<vmem>>[vector<16xi32>], vector<16xf32>,
          %add3A_596 = arith.constant 2 : i32
          %add3A_597 = vector.broadcast %add3A_596 : i32 to vector<16xi32>
          %add3A_598 = arith.addi %sub3A_588, %add3A_597 : vector<16xi32>
          %gather3A_599 = tpu.vector_load_idx %arg12[%add3A_581] : memref<2000xf32, #tpu.memory_space<vmem>>[vector<16xi32>], vector<16xf32>,
          %mul3A_600 = arith.mulf %gather3A_599, %gather3A_582 : vector<16xf32>
          tpu.vector_store_idx %arg22[%add3A_598], %mul3A_600 {add = true} : memref<36864xf32, #tpu.memory_space<vmem>>[vector<16xi32>], vector<16xf32>,
          %mul3A_601 = arith.constant 25 : i32
          %mul3A_602 = arith.muli %mul3A_601, %scan3A_226 : i32
          %add3A_603 = arith.constant 15 : i32
          %add3A_604 = arith.addi %mul3A_602, %add3A_603 : i32
          %add3A_605 = vector.broadcast %add3A_604 : i32 to vector<16xi32>
          %add3A_606 = arith.addi %add3A_219, %add3A_605 : vector<16xi32>
          %gather3A_607 = tpu.vector_load_idx %arg14[%add3A_606] : memref<2000xf32, #tpu.memory_space<vmem>>[vector<16xi32>], vector<16xf32>,
          %gather3A_608 = tpu.vector_load_idx %arg16[%add3A_606] : memref<2000xi32, #tpu.memory_space<vmem>>[vector<16xi32>], vector<16xi32>,
          %mul3A_609 = arith.constant 3 : i32
          %mul3A_610 = vector.broadcast %mul3A_609 : i32 to vector<16xi32>
          %mul3A_611 = arith.muli %gather3A_608, %mul3A_610 : vector<16xi32>
          %sub3A_612 = vector.broadcast %mul3A_30 : i32 to vector<16xi32>
          %sub3A_613 = arith.subi %mul3A_611, %sub3A_612 : vector<16xi32>
          %gather3A_614 = tpu.vector_load_idx %arg8[%add3A_606] : memref<2000xf32, #tpu.memory_space<vmem>>[vector<16xi32>], vector<16xf32>,
          %mul3A_615 = arith.mulf %gather3A_614, %gather3A_607 : vector<16xf32>
          tpu.vector_store_idx %arg22[%sub3A_613], %mul3A_615 {add = true} : memref<36864xf32, #tpu.memory_space<vmem>>[vector<16xi32>], vector<16xf32>,
          %add3A_616 = arith.constant 1 : i32
          %add3A_617 = vector.broadcast %add3A_616 : i32 to vector<16xi32>
          %add3A_618 = arith.addi %sub3A_613, %add3A_617 : vector<16xi32>
          %gather3A_619 = tpu.vector_load_idx %arg10[%add3A_606] : memref<2000xf32, #tpu.memory_space<vmem>>[vector<16xi32>], vector<16xf32>,
          %mul3A_620 = arith.mulf %gather3A_619, %gather3A_607 : vector<16xf32>
          tpu.vector_store_idx %arg22[%add3A_618], %mul3A_620 {add = true} : memref<36864xf32, #tpu.memory_space<vmem>>[vector<16xi32>], vector<16xf32>,
          %add3A_621 = arith.constant 2 : i32
          %add3A_622 = vector.broadcast %add3A_621 : i32 to vector<16xi32>
          %add3A_623 = arith.addi %sub3A_613, %add3A_622 : vector<16xi32>
          %gather3A_624 = tpu.vector_load_idx %arg12[%add3A_606] : memref<2000xf32, #tpu.memory_space<vmem>>[vector<16xi32>], vector<16xf32>,
          %mul3A_625 = arith.mulf %gather3A_624, %gather3A_607 : vector<16xf32>
          tpu.vector_store_idx %arg22[%add3A_623], %mul3A_625 {add = true} : memref<36864xf32, #tpu.memory_space<vmem>>[vector<16xi32>], vector<16xf32>,
          %mul3A_626 = arith.constant 25 : i32
          %mul3A_627 = arith.muli %mul3A_626, %scan3A_226 : i32
          %add3A_628 = arith.constant 16 : i32
          %add3A_629 = arith.addi %mul3A_627, %add3A_628 : i32
          %add3A_630 = vector.broadcast %add3A_629 : i32 to vector<16xi32>
          %add3A_631 = arith.addi %add3A_219, %add3A_630 : vector<16xi32>
          %gather3A_632 = tpu.vector_load_idx %arg14[%add3A_631] : memref<2000xf32, #tpu.memory_space<vmem>>[vector<16xi32>], vector<16xf32>,
          %gather3A_633 = tpu.vector_load_idx %arg16[%add3A_631] : memref<2000xi32, #tpu.memory_space<vmem>>[vector<16xi32>], vector<16xi32>,
          %mul3A_634 = arith.constant 3 : i32
          %mul3A_635 = vector.broadcast %mul3A_634 : i32 to vector<16xi32>
          %mul3A_636 = arith.muli %gather3A_633, %mul3A_635 : vector<16xi32>
          %sub3A_637 = vector.broadcast %mul3A_30 : i32 to vector<16xi32>
          %sub3A_638 = arith.subi %mul3A_636, %sub3A_637 : vector<16xi32>
          %gather3A_639 = tpu.vector_load_idx %arg8[%add3A_631] : memref<2000xf32, #tpu.memory_space<vmem>>[vector<16xi32>], vector<16xf32>,
          %mul3A_640 = arith.mulf %gather3A_639, %gather3A_632 : vector<16xf32>
          tpu.vector_store_idx %arg22[%sub3A_638], %mul3A_640 {add = true} : memref<36864xf32, #tpu.memory_space<vmem>>[vector<16xi32>], vector<16xf32>,
          %add3A_641 = arith.constant 1 : i32
          %add3A_642 = vector.broadcast %add3A_641 : i32 to vector<16xi32>
          %add3A_643 = arith.addi %sub3A_638, %add3A_642 : vector<16xi32>
          %gather3A_644 = tpu.vector_load_idx %arg10[%add3A_631] : memref<2000xf32, #tpu.memory_space<vmem>>[vector<16xi32>], vector<16xf32>,
          %mul3A_645 = arith.mulf %gather3A_644, %gather3A_632 : vector<16xf32>
          tpu.vector_store_idx %arg22[%add3A_643], %mul3A_645 {add = true} : memref<36864xf32, #tpu.memory_space<vmem>>[vector<16xi32>], vector<16xf32>,
          %add3A_646 = arith.constant 2 : i32
          %add3A_647 = vector.broadcast %add3A_646 : i32 to vector<16xi32>
          %add3A_648 = arith.addi %sub3A_638, %add3A_647 : vector<16xi32>
          %gather3A_649 = tpu.vector_load_idx %arg12[%add3A_631] : memref<2000xf32, #tpu.memory_space<vmem>>[vector<16xi32>], vector<16xf32>,
          %mul3A_650 = arith.mulf %gather3A_649, %gather3A_632 : vector<16xf32>
          tpu.vector_store_idx %arg22[%add3A_648], %mul3A_650 {add = true} : memref<36864xf32, #tpu.memory_space<vmem>>[vector<16xi32>], vector<16xf32>,
          %mul3A_651 = arith.constant 25 : i32
          %mul3A_652 = arith.muli %mul3A_651, %scan3A_226 : i32
          %add3A_653 = arith.constant 17 : i32
          %add3A_654 = arith.addi %mul3A_652, %add3A_653 : i32
          %add3A_655 = vector.broadcast %add3A_654 : i32 to vector<16xi32>
          %add3A_656 = arith.addi %add3A_219, %add3A_655 : vector<16xi32>
          %gather3A_657 = tpu.vector_load_idx %arg14[%add3A_656] : memref<2000xf32, #tpu.memory_space<vmem>>[vector<16xi32>], vector<16xf32>,
          %gather3A_658 = tpu.vector_load_idx %arg16[%add3A_656] : memref<2000xi32, #tpu.memory_space<vmem>>[vector<16xi32>], vector<16xi32>,
          %mul3A_659 = arith.constant 3 : i32
          %mul3A_660 = vector.broadcast %mul3A_659 : i32 to vector<16xi32>
          %mul3A_661 = arith.muli %gather3A_658, %mul3A_660 : vector<16xi32>
          %sub3A_662 = vector.broadcast %mul3A_30 : i32 to vector<16xi32>
          %sub3A_663 = arith.subi %mul3A_661, %sub3A_662 : vector<16xi32>
          %gather3A_664 = tpu.vector_load_idx %arg8[%add3A_656] : memref<2000xf32, #tpu.memory_space<vmem>>[vector<16xi32>], vector<16xf32>,
          %mul3A_665 = arith.mulf %gather3A_664, %gather3A_657 : vector<16xf32>
          tpu.vector_store_idx %arg22[%sub3A_663], %mul3A_665 {add = true} : memref<36864xf32, #tpu.memory_space<vmem>>[vector<16xi32>], vector<16xf32>,
          %add3A_666 = arith.constant 1 : i32
          %add3A_667 = vector.broadcast %add3A_666 : i32 to vector<16xi32>
          %add3A_668 = arith.addi %sub3A_663, %add3A_667 : vector<16xi32>
          %gather3A_669 = tpu.vector_load_idx %arg10[%add3A_656] : memref<2000xf32, #tpu.memory_space<vmem>>[vector<16xi32>], vector<16xf32>,
          %mul3A_670 = arith.mulf %gather3A_669, %gather3A_657 : vector<16xf32>
          tpu.vector_store_idx %arg22[%add3A_668], %mul3A_670 {add = true} : memref<36864xf32, #tpu.memory_space<vmem>>[vector<16xi32>], vector<16xf32>,
          %add3A_671 = arith.constant 2 : i32
          %add3A_672 = vector.broadcast %add3A_671 : i32 to vector<16xi32>
          %add3A_673 = arith.addi %sub3A_663, %add3A_672 : vector<16xi32>
          %gather3A_674 = tpu.vector_load_idx %arg12[%add3A_656] : memref<2000xf32, #tpu.memory_space<vmem>>[vector<16xi32>], vector<16xf32>,
          %mul3A_675 = arith.mulf %gather3A_674, %gather3A_657 : vector<16xf32>
          tpu.vector_store_idx %arg22[%add3A_673], %mul3A_675 {add = true} : memref<36864xf32, #tpu.memory_space<vmem>>[vector<16xi32>], vector<16xf32>,
          %mul3A_676 = arith.constant 25 : i32
          %mul3A_677 = arith.muli %mul3A_676, %scan3A_226 : i32
          %add3A_678 = arith.constant 18 : i32
          %add3A_679 = arith.addi %mul3A_677, %add3A_678 : i32
          %add3A_680 = vector.broadcast %add3A_679 : i32 to vector<16xi32>
          %add3A_681 = arith.addi %add3A_219, %add3A_680 : vector<16xi32>
          %gather3A_682 = tpu.vector_load_idx %arg14[%add3A_681] : memref<2000xf32, #tpu.memory_space<vmem>>[vector<16xi32>], vector<16xf32>,
          %gather3A_683 = tpu.vector_load_idx %arg16[%add3A_681] : memref<2000xi32, #tpu.memory_space<vmem>>[vector<16xi32>], vector<16xi32>,
          %mul3A_684 = arith.constant 3 : i32
          %mul3A_685 = vector.broadcast %mul3A_684 : i32 to vector<16xi32>
          %mul3A_686 = arith.muli %gather3A_683, %mul3A_685 : vector<16xi32>
          %sub3A_687 = vector.broadcast %mul3A_30 : i32 to vector<16xi32>
          %sub3A_688 = arith.subi %mul3A_686, %sub3A_687 : vector<16xi32>
          %gather3A_689 = tpu.vector_load_idx %arg8[%add3A_681] : memref<2000xf32, #tpu.memory_space<vmem>>[vector<16xi32>], vector<16xf32>,
          %mul3A_690 = arith.mulf %gather3A_689, %gather3A_682 : vector<16xf32>
          tpu.vector_store_idx %arg22[%sub3A_688], %mul3A_690 {add = true} : memref<36864xf32, #tpu.memory_space<vmem>>[vector<16xi32>], vector<16xf32>,
          %add3A_691 = arith.constant 1 : i32
          %add3A_692 = vector.broadcast %add3A_691 : i32 to vector<16xi32>
          %add3A_693 = arith.addi %sub3A_688, %add3A_692 : vector<16xi32>
          %gather3A_694 = tpu.vector_load_idx %arg10[%add3A_681] : memref<2000xf32, #tpu.memory_space<vmem>>[vector<16xi32>], vector<16xf32>,
          %mul3A_695 = arith.mulf %gather3A_694, %gather3A_682 : vector<16xf32>
          tpu.vector_store_idx %arg22[%add3A_693], %mul3A_695 {add = true} : memref<36864xf32, #tpu.memory_space<vmem>>[vector<16xi32>], vector<16xf32>,
          %add3A_696 = arith.constant 2 : i32
          %add3A_697 = vector.broadcast %add3A_696 : i32 to vector<16xi32>
          %add3A_698 = arith.addi %sub3A_688, %add3A_697 : vector<16xi32>
          %gather3A_699 = tpu.vector_load_idx %arg12[%add3A_681] : memref<2000xf32, #tpu.memory_space<vmem>>[vector<16xi32>], vector<16xf32>,
          %mul3A_700 = arith.mulf %gather3A_699, %gather3A_682 : vector<16xf32>
          tpu.vector_store_idx %arg22[%add3A_698], %mul3A_700 {add = true} : memref<36864xf32, #tpu.memory_space<vmem>>[vector<16xi32>], vector<16xf32>,
          %mul3A_701 = arith.constant 25 : i32
          %mul3A_702 = arith.muli %mul3A_701, %scan3A_226 : i32
          %add3A_703 = arith.constant 19 : i32
          %add3A_704 = arith.addi %mul3A_702, %add3A_703 : i32
          %add3A_705 = vector.broadcast %add3A_704 : i32 to vector<16xi32>
          %add3A_706 = arith.addi %add3A_219, %add3A_705 : vector<16xi32>
          %gather3A_707 = tpu.vector_load_idx %arg14[%add3A_706] : memref<2000xf32, #tpu.memory_space<vmem>>[vector<16xi32>], vector<16xf32>,
          %gather3A_708 = tpu.vector_load_idx %arg16[%add3A_706] : memref<2000xi32, #tpu.memory_space<vmem>>[vector<16xi32>], vector<16xi32>,
          %mul3A_709 = arith.constant 3 : i32
          %mul3A_710 = vector.broadcast %mul3A_709 : i32 to vector<16xi32>
          %mul3A_711 = arith.muli %gather3A_708, %mul3A_710 : vector<16xi32>
          %sub3A_712 = vector.broadcast %mul3A_30 : i32 to vector<16xi32>
          %sub3A_713 = arith.subi %mul3A_711, %sub3A_712 : vector<16xi32>
          %gather3A_714 = tpu.vector_load_idx %arg8[%add3A_706] : memref<2000xf32, #tpu.memory_space<vmem>>[vector<16xi32>], vector<16xf32>,
          %mul3A_715 = arith.mulf %gather3A_714, %gather3A_707 : vector<16xf32>
          tpu.vector_store_idx %arg22[%sub3A_713], %mul3A_715 {add = true} : memref<36864xf32, #tpu.memory_space<vmem>>[vector<16xi32>], vector<16xf32>,
          %add3A_716 = arith.constant 1 : i32
          %add3A_717 = vector.broadcast %add3A_716 : i32 to vector<16xi32>
          %add3A_718 = arith.addi %sub3A_713, %add3A_717 : vector<16xi32>
          %gather3A_719 = tpu.vector_load_idx %arg10[%add3A_706] : memref<2000xf32, #tpu.memory_space<vmem>>[vector<16xi32>], vector<16xf32>,
          %mul3A_720 = arith.mulf %gather3A_719, %gather3A_707 : vector<16xf32>
          tpu.vector_store_idx %arg22[%add3A_718], %mul3A_720 {add = true} : memref<36864xf32, #tpu.memory_space<vmem>>[vector<16xi32>], vector<16xf32>,
          %add3A_721 = arith.constant 2 : i32
          %add3A_722 = vector.broadcast %add3A_721 : i32 to vector<16xi32>
          %add3A_723 = arith.addi %sub3A_713, %add3A_722 : vector<16xi32>
          %gather3A_724 = tpu.vector_load_idx %arg12[%add3A_706] : memref<2000xf32, #tpu.memory_space<vmem>>[vector<16xi32>], vector<16xf32>,
          %mul3A_725 = arith.mulf %gather3A_724, %gather3A_707 : vector<16xf32>
          tpu.vector_store_idx %arg22[%add3A_723], %mul3A_725 {add = true} : memref<36864xf32, #tpu.memory_space<vmem>>[vector<16xi32>], vector<16xf32>,
          %mul3A_726 = arith.constant 25 : i32
          %mul3A_727 = arith.muli %mul3A_726, %scan3A_226 : i32
          %add3A_728 = arith.constant 20 : i32
          %add3A_729 = arith.addi %mul3A_727, %add3A_728 : i32
          %add3A_730 = vector.broadcast %add3A_729 : i32 to vector<16xi32>
          %add3A_731 = arith.addi %add3A_219, %add3A_730 : vector<16xi32>
          %gather3A_732 = tpu.vector_load_idx %arg14[%add3A_731] : memref<2000xf32, #tpu.memory_space<vmem>>[vector<16xi32>], vector<16xf32>,
          %gather3A_733 = tpu.vector_load_idx %arg16[%add3A_731] : memref<2000xi32, #tpu.memory_space<vmem>>[vector<16xi32>], vector<16xi32>,
          %mul3A_734 = arith.constant 3 : i32
          %mul3A_735 = vector.broadcast %mul3A_734 : i32 to vector<16xi32>
          %mul3A_736 = arith.muli %gather3A_733, %mul3A_735 : vector<16xi32>
          %sub3A_737 = vector.broadcast %mul3A_30 : i32 to vector<16xi32>
          %sub3A_738 = arith.subi %mul3A_736, %sub3A_737 : vector<16xi32>
          %gather3A_739 = tpu.vector_load_idx %arg8[%add3A_731] : memref<2000xf32, #tpu.memory_space<vmem>>[vector<16xi32>], vector<16xf32>,
          %mul3A_740 = arith.mulf %gather3A_739, %gather3A_732 : vector<16xf32>
          tpu.vector_store_idx %arg22[%sub3A_738], %mul3A_740 {add = true} : memref<36864xf32, #tpu.memory_space<vmem>>[vector<16xi32>], vector<16xf32>,
          %add3A_741 = arith.constant 1 : i32
          %add3A_742 = vector.broadcast %add3A_741 : i32 to vector<16xi32>
          %add3A_743 = arith.addi %sub3A_738, %add3A_742 : vector<16xi32>
          %gather3A_744 = tpu.vector_load_idx %arg10[%add3A_731] : memref<2000xf32, #tpu.memory_space<vmem>>[vector<16xi32>], vector<16xf32>,
          %mul3A_745 = arith.mulf %gather3A_744, %gather3A_732 : vector<16xf32>
          tpu.vector_store_idx %arg22[%add3A_743], %mul3A_745 {add = true} : memref<36864xf32, #tpu.memory_space<vmem>>[vector<16xi32>], vector<16xf32>,
          %add3A_746 = arith.constant 2 : i32
          %add3A_747 = vector.broadcast %add3A_746 : i32 to vector<16xi32>
          %add3A_748 = arith.addi %sub3A_738, %add3A_747 : vector<16xi32>
          %gather3A_749 = tpu.vector_load_idx %arg12[%add3A_731] : memref<2000xf32, #tpu.memory_space<vmem>>[vector<16xi32>], vector<16xf32>,
          %mul3A_750 = arith.mulf %gather3A_749, %gather3A_732 : vector<16xf32>
          tpu.vector_store_idx %arg22[%add3A_748], %mul3A_750 {add = true} : memref<36864xf32, #tpu.memory_space<vmem>>[vector<16xi32>], vector<16xf32>,
          %mul3A_751 = arith.constant 25 : i32
          %mul3A_752 = arith.muli %mul3A_751, %scan3A_226 : i32
          %add3A_753 = arith.constant 21 : i32
          %add3A_754 = arith.addi %mul3A_752, %add3A_753 : i32
          %add3A_755 = vector.broadcast %add3A_754 : i32 to vector<16xi32>
          %add3A_756 = arith.addi %add3A_219, %add3A_755 : vector<16xi32>
          %gather3A_757 = tpu.vector_load_idx %arg14[%add3A_756] : memref<2000xf32, #tpu.memory_space<vmem>>[vector<16xi32>], vector<16xf32>,
          %gather3A_758 = tpu.vector_load_idx %arg16[%add3A_756] : memref<2000xi32, #tpu.memory_space<vmem>>[vector<16xi32>], vector<16xi32>,
          %mul3A_759 = arith.constant 3 : i32
          %mul3A_760 = vector.broadcast %mul3A_759 : i32 to vector<16xi32>
          %mul3A_761 = arith.muli %gather3A_758, %mul3A_760 : vector<16xi32>
          %sub3A_762 = vector.broadcast %mul3A_30 : i32 to vector<16xi32>
          %sub3A_763 = arith.subi %mul3A_761, %sub3A_762 : vector<16xi32>
          %gather3A_764 = tpu.vector_load_idx %arg8[%add3A_756] : memref<2000xf32, #tpu.memory_space<vmem>>[vector<16xi32>], vector<16xf32>,
          %mul3A_765 = arith.mulf %gather3A_764, %gather3A_757 : vector<16xf32>
          tpu.vector_store_idx %arg22[%sub3A_763], %mul3A_765 {add = true} : memref<36864xf32, #tpu.memory_space<vmem>>[vector<16xi32>], vector<16xf32>,
          %add3A_766 = arith.constant 1 : i32
          %add3A_767 = vector.broadcast %add3A_766 : i32 to vector<16xi32>
          %add3A_768 = arith.addi %sub3A_763, %add3A_767 : vector<16xi32>
          %gather3A_769 = tpu.vector_load_idx %arg10[%add3A_756] : memref<2000xf32, #tpu.memory_space<vmem>>[vector<16xi32>], vector<16xf32>,
          %mul3A_770 = arith.mulf %gather3A_769, %gather3A_757 : vector<16xf32>
          tpu.vector_store_idx %arg22[%add3A_768], %mul3A_770 {add = true} : memref<36864xf32, #tpu.memory_space<vmem>>[vector<16xi32>], vector<16xf32>,
          %add3A_771 = arith.constant 2 : i32
          %add3A_772 = vector.broadcast %add3A_771 : i32 to vector<16xi32>
          %add3A_773 = arith.addi %sub3A_763, %add3A_772 : vector<16xi32>
          %gather3A_774 = tpu.vector_load_idx %arg12[%add3A_756] : memref<2000xf32, #tpu.memory_space<vmem>>[vector<16xi32>], vector<16xf32>,
          %mul3A_775 = arith.mulf %gather3A_774, %gather3A_757 : vector<16xf32>
          tpu.vector_store_idx %arg22[%add3A_773], %mul3A_775 {add = true} : memref<36864xf32, #tpu.memory_space<vmem>>[vector<16xi32>], vector<16xf32>,
          %mul3A_776 = arith.constant 25 : i32
          %mul3A_777 = arith.muli %mul3A_776, %scan3A_226 : i32
          %add3A_778 = arith.constant 22 : i32
          %add3A_779 = arith.addi %mul3A_777, %add3A_778 : i32
          %add3A_780 = vector.broadcast %add3A_779 : i32 to vector<16xi32>
          %add3A_781 = arith.addi %add3A_219, %add3A_780 : vector<16xi32>
          %gather3A_782 = tpu.vector_load_idx %arg14[%add3A_781] : memref<2000xf32, #tpu.memory_space<vmem>>[vector<16xi32>], vector<16xf32>,
          %gather3A_783 = tpu.vector_load_idx %arg16[%add3A_781] : memref<2000xi32, #tpu.memory_space<vmem>>[vector<16xi32>], vector<16xi32>,
          %mul3A_784 = arith.constant 3 : i32
          %mul3A_785 = vector.broadcast %mul3A_784 : i32 to vector<16xi32>
          %mul3A_786 = arith.muli %gather3A_783, %mul3A_785 : vector<16xi32>
          %sub3A_787 = vector.broadcast %mul3A_30 : i32 to vector<16xi32>
          %sub3A_788 = arith.subi %mul3A_786, %sub3A_787 : vector<16xi32>
          %gather3A_789 = tpu.vector_load_idx %arg8[%add3A_781] : memref<2000xf32, #tpu.memory_space<vmem>>[vector<16xi32>], vector<16xf32>,
          %mul3A_790 = arith.mulf %gather3A_789, %gather3A_782 : vector<16xf32>
          tpu.vector_store_idx %arg22[%sub3A_788], %mul3A_790 {add = true} : memref<36864xf32, #tpu.memory_space<vmem>>[vector<16xi32>], vector<16xf32>,
          %add3A_791 = arith.constant 1 : i32
          %add3A_792 = vector.broadcast %add3A_791 : i32 to vector<16xi32>
          %add3A_793 = arith.addi %sub3A_788, %add3A_792 : vector<16xi32>
          %gather3A_794 = tpu.vector_load_idx %arg10[%add3A_781] : memref<2000xf32, #tpu.memory_space<vmem>>[vector<16xi32>], vector<16xf32>,
          %mul3A_795 = arith.mulf %gather3A_794, %gather3A_782 : vector<16xf32>
          tpu.vector_store_idx %arg22[%add3A_793], %mul3A_795 {add = true} : memref<36864xf32, #tpu.memory_space<vmem>>[vector<16xi32>], vector<16xf32>,
          %add3A_796 = arith.constant 2 : i32
          %add3A_797 = vector.broadcast %add3A_796 : i32 to vector<16xi32>
          %add3A_798 = arith.addi %sub3A_788, %add3A_797 : vector<16xi32>
          %gather3A_799 = tpu.vector_load_idx %arg12[%add3A_781] : memref<2000xf32, #tpu.memory_space<vmem>>[vector<16xi32>], vector<16xf32>,
          %mul3A_800 = arith.mulf %gather3A_799, %gather3A_782 : vector<16xf32>
          tpu.vector_store_idx %arg22[%add3A_798], %mul3A_800 {add = true} : memref<36864xf32, #tpu.memory_space<vmem>>[vector<16xi32>], vector<16xf32>,
          %mul3A_801 = arith.constant 25 : i32
          %mul3A_802 = arith.muli %mul3A_801, %scan3A_226 : i32
          %add3A_803 = arith.constant 23 : i32
          %add3A_804 = arith.addi %mul3A_802, %add3A_803 : i32
          %add3A_805 = vector.broadcast %add3A_804 : i32 to vector<16xi32>
          %add3A_806 = arith.addi %add3A_219, %add3A_805 : vector<16xi32>
          %gather3A_807 = tpu.vector_load_idx %arg14[%add3A_806] : memref<2000xf32, #tpu.memory_space<vmem>>[vector<16xi32>], vector<16xf32>,
          %gather3A_808 = tpu.vector_load_idx %arg16[%add3A_806] : memref<2000xi32, #tpu.memory_space<vmem>>[vector<16xi32>], vector<16xi32>,
          %mul3A_809 = arith.constant 3 : i32
          %mul3A_810 = vector.broadcast %mul3A_809 : i32 to vector<16xi32>
          %mul3A_811 = arith.muli %gather3A_808, %mul3A_810 : vector<16xi32>
          %sub3A_812 = vector.broadcast %mul3A_30 : i32 to vector<16xi32>
          %sub3A_813 = arith.subi %mul3A_811, %sub3A_812 : vector<16xi32>
          %gather3A_814 = tpu.vector_load_idx %arg8[%add3A_806] : memref<2000xf32, #tpu.memory_space<vmem>>[vector<16xi32>], vector<16xf32>,
          %mul3A_815 = arith.mulf %gather3A_814, %gather3A_807 : vector<16xf32>
          tpu.vector_store_idx %arg22[%sub3A_813], %mul3A_815 {add = true} : memref<36864xf32, #tpu.memory_space<vmem>>[vector<16xi32>], vector<16xf32>,
          %add3A_816 = arith.constant 1 : i32
          %add3A_817 = vector.broadcast %add3A_816 : i32 to vector<16xi32>
          %add3A_818 = arith.addi %sub3A_813, %add3A_817 : vector<16xi32>
          %gather3A_819 = tpu.vector_load_idx %arg10[%add3A_806] : memref<2000xf32, #tpu.memory_space<vmem>>[vector<16xi32>], vector<16xf32>,
          %mul3A_820 = arith.mulf %gather3A_819, %gather3A_807 : vector<16xf32>
          tpu.vector_store_idx %arg22[%add3A_818], %mul3A_820 {add = true} : memref<36864xf32, #tpu.memory_space<vmem>>[vector<16xi32>], vector<16xf32>,
          %add3A_821 = arith.constant 2 : i32
          %add3A_822 = vector.broadcast %add3A_821 : i32 to vector<16xi32>
          %add3A_823 = arith.addi %sub3A_813, %add3A_822 : vector<16xi32>
          %gather3A_824 = tpu.vector_load_idx %arg12[%add3A_806] : memref<2000xf32, #tpu.memory_space<vmem>>[vector<16xi32>], vector<16xf32>,
          %mul3A_825 = arith.mulf %gather3A_824, %gather3A_807 : vector<16xf32>
          tpu.vector_store_idx %arg22[%add3A_823], %mul3A_825 {add = true} : memref<36864xf32, #tpu.memory_space<vmem>>[vector<16xi32>], vector<16xf32>,
          %mul3A_826 = arith.constant 25 : i32
          %mul3A_827 = arith.muli %mul3A_826, %scan3A_226 : i32
          %add3A_828 = arith.constant 24 : i32
          %add3A_829 = arith.addi %mul3A_827, %add3A_828 : i32
          %add3A_830 = vector.broadcast %add3A_829 : i32 to vector<16xi32>
          %add3A_831 = arith.addi %add3A_219, %add3A_830 : vector<16xi32>
          %gather3A_832 = tpu.vector_load_idx %arg14[%add3A_831] : memref<2000xf32, #tpu.memory_space<vmem>>[vector<16xi32>], vector<16xf32>,
          %gather3A_833 = tpu.vector_load_idx %arg16[%add3A_831] : memref<2000xi32, #tpu.memory_space<vmem>>[vector<16xi32>], vector<16xi32>,
          %mul3A_834 = arith.constant 3 : i32
          %mul3A_835 = vector.broadcast %mul3A_834 : i32 to vector<16xi32>
          %mul3A_836 = arith.muli %gather3A_833, %mul3A_835 : vector<16xi32>
          %sub3A_837 = vector.broadcast %mul3A_30 : i32 to vector<16xi32>
          %sub3A_838 = arith.subi %mul3A_836, %sub3A_837 : vector<16xi32>
          %gather3A_839 = tpu.vector_load_idx %arg8[%add3A_831] : memref<2000xf32, #tpu.memory_space<vmem>>[vector<16xi32>], vector<16xf32>,
          %mul3A_840 = arith.mulf %gather3A_839, %gather3A_832 : vector<16xf32>
          tpu.vector_store_idx %arg22[%sub3A_838], %mul3A_840 {add = true} : memref<36864xf32, #tpu.memory_space<vmem>>[vector<16xi32>], vector<16xf32>,
          %add3A_841 = arith.constant 1 : i32
          %add3A_842 = vector.broadcast %add3A_841 : i32 to vector<16xi32>
          %add3A_843 = arith.addi %sub3A_838, %add3A_842 : vector<16xi32>
          %gather3A_844 = tpu.vector_load_idx %arg10[%add3A_831] : memref<2000xf32, #tpu.memory_space<vmem>>[vector<16xi32>], vector<16xf32>,
          %mul3A_845 = arith.mulf %gather3A_844, %gather3A_832 : vector<16xf32>
          tpu.vector_store_idx %arg22[%add3A_843], %mul3A_845 {add = true} : memref<36864xf32, #tpu.memory_space<vmem>>[vector<16xi32>], vector<16xf32>,
          %add3A_846 = arith.constant 2 : i32
          %add3A_847 = vector.broadcast %add3A_846 : i32 to vector<16xi32>
          %add3A_848 = arith.addi %sub3A_838, %add3A_847 : vector<16xi32>
          %gather3A_849 = tpu.vector_load_idx %arg12[%add3A_831] : memref<2000xf32, #tpu.memory_space<vmem>>[vector<16xi32>], vector<16xf32>,
          %mul3A_850 = arith.mulf %gather3A_849, %gather3A_832 : vector<16xf32>
          tpu.vector_store_idx %arg22[%add3A_848], %mul3A_850 {add = true} : memref<36864xf32, #tpu.memory_space<vmem>>[vector<16xi32>], vector<16xf32>,
        }
        %scan3A_225 = arith.constant 5 : i32
      } else {
        %scan3A_214 = arith.constant 0 : i32
        %scan3A_215 = arith.constant 0 : i32
        %scan3A_216 = arith.constant 125 : i32
        %scan3A_217 = arith.addi %scan3A_215, %scan3A_216 : i32
        %scan3A_218 = arith.constant 1 : i32
        scf.for %scan3A_220 = %scan3A_215 to %scan3A_217 step %scan3A_218  : i32 {
          %mul3A_221 = arith.constant 16 : i32
          %mul3A_222 = arith.muli %mul3A_221, %scan3A_220 : i32
          %add3A_223 = arith.constant 0 : i32
          %add3A_224 = arith.addi %add3A_223, %mul3A_222 : i32
          %get3A_225 = arith.index_cast %add3A_224 : i32 to index
          %get3A_226 = tpu.vector_load %arg14[%get3A_225] {strides = array<i32>} : memref<2000xf32, #tpu.memory_space<vmem>>, vector<16xf32>,
          %add3A_227 = arith.constant 0 : i32
          %add3A_228 = arith.addi %add3A_227, %mul3A_222 : i32
          %get3A_229 = arith.index_cast %add3A_228 : i32 to index
          %get3A_230 = tpu.vector_load %arg16[%get3A_229] {strides = array<i32>} : memref<2000xi32, #tpu.memory_space<vmem>>, vector<16xi32>,
          %mul3A_231 = arith.constant 3 : i32
          %mul3A_232 = vector.broadcast %mul3A_231 : i32 to vector<16xi32>
          %mul3A_233 = arith.muli %get3A_230, %mul3A_232 : vector<16xi32>
          %add3A_234 = arith.constant 0 : i32
          %add3A_235 = arith.addi %add3A_234, %mul3A_222 : i32
          %get3A_236 = arith.index_cast %add3A_235 : i32 to index
          %get3A_237 = tpu.vector_load %arg8[%get3A_236] {strides = array<i32>} : memref<2000xf32, #tpu.memory_space<vmem>>, vector<16xf32>,
          %mul3A_238 = arith.mulf %get3A_237, %get3A_226 : vector<16xf32>
          %swap3A = arith.index_cast %mul3A_222 : i32 to index
          %swap3A_239 = tpu.vector_load %arg18[%swap3A] {strides = array<i32>} : memref<6000xf32, #tpu.memory_space<vmem>>, vector<16xf32>,
          tpu.vector_store %arg18[%swap3A], %mul3A_238 {strides = array<i32>} : memref<6000xf32, #tpu.memory_space<vmem>>, vector<16xf32>,
          %swap3A_240 = arith.index_cast %mul3A_222 : i32 to index
          %swap3A_241 = tpu.vector_load %arg19[%swap3A_240] {strides = array<i32>} : memref<6000xi32, #tpu.memory_space<vmem>>, vector<16xi32>,
          tpu.vector_store %arg19[%swap3A_240], %mul3A_233 {strides = array<i32>} : memref<6000xi32, #tpu.memory_space<vmem>>, vector<16xi32>,
          %add3A_242 = arith.constant 0 : i32
          %add3A_243 = arith.addi %add3A_242, %mul3A_222 : i32
          %get3A_244 = arith.index_cast %add3A_243 : i32 to index
          %get3A_245 = tpu.vector_load %arg10[%get3A_244] {strides = array<i32>} : memref<2000xf32, #tpu.memory_space<vmem>>, vector<16xf32>,
          %mul3A_246 = arith.mulf %get3A_245, %get3A_226 : vector<16xf32>
          %add3A_247 = arith.constant 2000 : i32
          %add3A_248 = arith.addi %add3A_247, %mul3A_222 : i32
          %swap3A_249 = arith.index_cast %add3A_248 : i32 to index
          %swap3A_250 = tpu.vector_load %arg18[%swap3A_249] {strides = array<i32>} : memref<6000xf32, #tpu.memory_space<vmem>>, vector<16xf32>,
          tpu.vector_store %arg18[%swap3A_249], %mul3A_246 {strides = array<i32>} : memref<6000xf32, #tpu.memory_space<vmem>>, vector<16xf32>,
          %add3A_251 = arith.constant 1 : i32
          %add3A_252 = vector.broadcast %add3A_251 : i32 to vector<16xi32>
          %add3A_253 = arith.addi %mul3A_233, %add3A_252 : vector<16xi32>
          %add3A_254 = arith.constant 2000 : i32
          %add3A_255 = arith.addi %add3A_254, %mul3A_222 : i32
          %swap3A_256 = arith.index_cast %add3A_255 : i32 to index
          %swap3A_257 = tpu.vector_load %arg19[%swap3A_256] {strides = array<i32>} : memref<6000xi32, #tpu.memory_space<vmem>>, vector<16xi32>,
          tpu.vector_store %arg19[%swap3A_256], %add3A_253 {strides = array<i32>} : memref<6000xi32, #tpu.memory_space<vmem>>, vector<16xi32>,
          %add3A_258 = arith.constant 0 : i32
          %add3A_259 = arith.addi %add3A_258, %mul3A_222 : i32
          %get3A_260 = arith.index_cast %add3A_259 : i32 to index
          %get3A_261 = tpu.vector_load %arg12[%get3A_260] {strides = array<i32>} : memref<2000xf32, #tpu.memory_space<vmem>>, vector<16xf32>,
          %mul3A_262 = arith.mulf %get3A_261, %get3A_226 : vector<16xf32>
          %add3A_263 = arith.constant 4000 : i32
          %add3A_264 = arith.addi %add3A_263, %mul3A_222 : i32
          %swap3A_265 = arith.index_cast %add3A_264 : i32 to index
          %swap3A_266 = tpu.vector_load %arg18[%swap3A_265] {strides = array<i32>} : memref<6000xf32, #tpu.memory_space<vmem>>, vector<16xf32>,
          tpu.vector_store %arg18[%swap3A_265], %mul3A_262 {strides = array<i32>} : memref<6000xf32, #tpu.memory_space<vmem>>, vector<16xf32>,
          %add3A_267 = arith.constant 2 : i32
          %add3A_268 = vector.broadcast %add3A_267 : i32 to vector<16xi32>
          %add3A_269 = arith.addi %mul3A_233, %add3A_268 : vector<16xi32>
          %add3A_270 = arith.constant 4000 : i32
          %add3A_271 = arith.addi %add3A_270, %mul3A_222 : i32
          %swap3A_272 = arith.index_cast %add3A_271 : i32 to index
          %swap3A_273 = tpu.vector_load %arg19[%swap3A_272] {strides = array<i32>} : memref<6000xi32, #tpu.memory_space<vmem>>, vector<16xi32>,
          tpu.vector_store %arg19[%swap3A_272], %add3A_269 {strides = array<i32>} : memref<6000xi32, #tpu.memory_space<vmem>>, vector<16xi32>,
        }
        %scan3A_219 = arith.constant 125 : i32
        "tpu.region"() ({
          %run_scoped3A = tpu.sem_alloc : memref<!tpu.dma_semaphore, #tpu.memory_space<semaphore_mem>>
          %dma_start3A_220 = arith.constant 0 : i32
          %dma_start3A_221 = tpu.memref_slice %arg23[%dma_start3A_220] : memref<300032xf32, #tpu.memory_space<vmem_shared>> -> memref<300032xf32, #tpu.memory_space<vmem_shared>>
          tpu.enqueue_indirect_dma source(%arg18 : memref<6000xf32, #tpu.memory_space<vmem>>) target(%dma_start3A_221 : memref<300032xf32, #tpu.memory_space<vmem_shared>>) offsets(%arg19 : memref<6000xi32, #tpu.memory_space<vmem>>) semaphore(%run_scoped3A : memref<!tpu.dma_semaphore, #tpu.memory_space<semaphore_mem>>) {add = true}
          %dma_wait3A_222 = arith.constant 0 : i32
          %dma_wait3A_223 = tpu.memref_slice %arg23[%dma_wait3A_222] : memref<300032xf32, #tpu.memory_space<vmem_shared>> -> memref<300032xf32, #tpu.memory_space<vmem_shared>>
          tpu.wait_indirect_dma semaphore(%run_scoped3A : memref<!tpu.dma_semaphore, #tpu.memory_space<semaphore_mem>>) src(%arg18 : memref<6000xf32, #tpu.memory_space<vmem>>) dst(%dma_wait3A_223 : memref<300032xf32, #tpu.memory_space<vmem_shared>>)
          tpu.yield
        }) : () -> ()
      }
      %mul3A_163 = arith.constant 2 : i32
      %mul3A_164 = arith.muli %mul3A_163, %scan3A_115 : i32
      %add3A_165 = arith.constant 1 : i32
      %add3A_166 = arith.addi %mul3A_164, %add3A_165 : i32
      %dma_wait3A_167 = arith.constant 0 : i32
      %dma_wait3A_168 = tpu.memref_slice %arg2[%dma_wait3A_167] : memref<6400000xf32, #tpu.memory_space<hbm>> -> memref<2000xf32, #tpu.memory_space<hbm>>
      %dma_wait3A_169 = arith.constant 0 : i32
      %dma_wait3A_170 = tpu.memref_slice %arg2[%dma_wait3A_169] : memref<6400000xf32, #tpu.memory_space<hbm>> -> memref<2000xf32, #tpu.memory_space<hbm>>
      tpu.wait_dma2 semaphore(%arg25 : memref<!tpu.dma_semaphore, #tpu.memory_space<semaphore_mem>>) src(%dma_wait3A_170 : memref<2000xf32, #tpu.memory_space<hbm>>) dst(%arg9 : memref<2000xf32, #tpu.memory_space<vmem>>)
      %dma_wait3A_171 = arith.constant 0 : i32
      %dma_wait3A_172 = tpu.memref_slice %arg3[%dma_wait3A_171] : memref<6400000xf32, #tpu.memory_space<hbm>> -> memref<2000xf32, #tpu.memory_space<hbm>>
      %dma_wait3A_173 = arith.constant 0 : i32
      %dma_wait3A_174 = tpu.memref_slice %arg3[%dma_wait3A_173] : memref<6400000xf32, #tpu.memory_space<hbm>> -> memref<2000xf32, #tpu.memory_space<hbm>>
      tpu.wait_dma2 semaphore(%arg25 : memref<!tpu.dma_semaphore, #tpu.memory_space<semaphore_mem>>) src(%dma_wait3A_174 : memref<2000xf32, #tpu.memory_space<hbm>>) dst(%arg11 : memref<2000xf32, #tpu.memory_space<vmem>>)
      %dma_wait3A_175 = arith.constant 0 : i32
      %dma_wait3A_176 = tpu.memref_slice %arg4[%dma_wait3A_175] : memref<6400000xf32, #tpu.memory_space<hbm>> -> memref<2000xf32, #tpu.memory_space<hbm>>
      %dma_wait3A_177 = arith.constant 0 : i32
      %dma_wait3A_178 = tpu.memref_slice %arg4[%dma_wait3A_177] : memref<6400000xf32, #tpu.memory_space<hbm>> -> memref<2000xf32, #tpu.memory_space<hbm>>
      tpu.wait_dma2 semaphore(%arg25 : memref<!tpu.dma_semaphore, #tpu.memory_space<semaphore_mem>>) src(%dma_wait3A_178 : memref<2000xf32, #tpu.memory_space<hbm>>) dst(%arg13 : memref<2000xf32, #tpu.memory_space<vmem>>)
      %dma_wait3A_179 = arith.constant 0 : i32
      %dma_wait3A_180 = tpu.memref_slice %arg5[%dma_wait3A_179] : memref<6400000xf32, #tpu.memory_space<hbm>> -> memref<2000xf32, #tpu.memory_space<hbm>>
      %dma_wait3A_181 = arith.constant 0 : i32
      %dma_wait3A_182 = tpu.memref_slice %arg5[%dma_wait3A_181] : memref<6400000xf32, #tpu.memory_space<hbm>> -> memref<2000xf32, #tpu.memory_space<hbm>>
      tpu.wait_dma2 semaphore(%arg25 : memref<!tpu.dma_semaphore, #tpu.memory_space<semaphore_mem>>) src(%dma_wait3A_182 : memref<2000xf32, #tpu.memory_space<hbm>>) dst(%arg15 : memref<2000xf32, #tpu.memory_space<vmem>>)
      %dma_wait3A_183 = arith.constant 0 : i32
      %dma_wait3A_184 = tpu.memref_slice %arg6[%dma_wait3A_183] : memref<6400000xi32, #tpu.memory_space<hbm>> -> memref<2000xi32, #tpu.memory_space<hbm>>
      %dma_wait3A_185 = arith.constant 0 : i32
      %dma_wait3A_186 = tpu.memref_slice %arg6[%dma_wait3A_185] : memref<6400000xi32, #tpu.memory_space<hbm>> -> memref<2000xi32, #tpu.memory_space<hbm>>
      tpu.wait_dma2 semaphore(%arg25 : memref<!tpu.dma_semaphore, #tpu.memory_space<semaphore_mem>>) src(%dma_wait3A_186 : memref<2000xi32, #tpu.memory_space<hbm>>) dst(%arg17 : memref<2000xi32, #tpu.memory_space<vmem>>)
      %add3A_187 = arith.constant 1 : i32
      %add3A_188 = arith.addi %add3A_166, %add3A_187 : i32
      %lt3A_189 = arith.constant 100 : i32
      %lt3A_190 = arith.cmpi slt, %add3A_188, %lt3A_189 : i32
      %convert_element_type3A_191 = arith.extui %lt3A_190 : i1 to i32
      %cond3A_192 = arith.constant 0 : i32
      %cond3A_193 = arith.cmpi ne, %convert_element_type3A_191, %cond3A_192 : i32
      scf.if %cond3A_193 {
        %add3A_214 = arith.constant 1 : i32
        %add3A_215 = arith.addi %add3A_166, %add3A_214 : i32
        %mul3A_216 = arith.constant 2000 : i32
        %mul3A_217 = arith.muli %add3A_215, %mul3A_216 : i32
        %add3A_218 = arith.addi %mul3A_20, %mul3A_217 : i32
        %dma_start3A_219 = tpu.memref_slice %arg2[%add3A_218] : memref<6400000xf32, #tpu.memory_space<hbm>> -> memref<2000xf32, #tpu.memory_space<hbm>>
        %dma_start3A_220 = tpu.memref_slice %arg2[%add3A_218] : memref<6400000xf32, #tpu.memory_space<hbm>> -> memref<2000xf32, #tpu.memory_space<hbm>>
        tpu.enqueue_dma source(%dma_start3A_220 : memref<2000xf32, #tpu.memory_space<hbm>>) target(%arg8 : memref<2000xf32, #tpu.memory_space<vmem>>) target_semaphore(%arg24 : memref<!tpu.dma_semaphore, #tpu.memory_space<semaphore_mem>>)
        %dma_start3A_221 = tpu.memref_slice %arg3[%add3A_218] : memref<6400000xf32, #tpu.memory_space<hbm>> -> memref<2000xf32, #tpu.memory_space<hbm>>
        %dma_start3A_222 = tpu.memref_slice %arg3[%add3A_218] : memref<6400000xf32, #tpu.memory_space<hbm>> -> memref<2000xf32, #tpu.memory_space<hbm>>
        tpu.enqueue_dma source(%dma_start3A_222 : memref<2000xf32, #tpu.memory_space<hbm>>) target(%arg10 : memref<2000xf32, #tpu.memory_space<vmem>>) target_semaphore(%arg24 : memref<!tpu.dma_semaphore, #tpu.memory_space<semaphore_mem>>)
        %dma_start3A_223 = tpu.memref_slice %arg4[%add3A_218] : memref<6400000xf32, #tpu.memory_space<hbm>> -> memref<2000xf32, #tpu.memory_space<hbm>>
        %dma_start3A_224 = tpu.memref_slice %arg4[%add3A_218] : memref<6400000xf32, #tpu.memory_space<hbm>> -> memref<2000xf32, #tpu.memory_space<hbm>>
        tpu.enqueue_dma source(%dma_start3A_224 : memref<2000xf32, #tpu.memory_space<hbm>>) target(%arg12 : memref<2000xf32, #tpu.memory_space<vmem>>) target_semaphore(%arg24 : memref<!tpu.dma_semaphore, #tpu.memory_space<semaphore_mem>>)
        %dma_start3A_225 = tpu.memref_slice %arg5[%add3A_218] : memref<6400000xf32, #tpu.memory_space<hbm>> -> memref<2000xf32, #tpu.memory_space<hbm>>
        %dma_start3A_226 = tpu.memref_slice %arg5[%add3A_218] : memref<6400000xf32, #tpu.memory_space<hbm>> -> memref<2000xf32, #tpu.memory_space<hbm>>
        tpu.enqueue_dma source(%dma_start3A_226 : memref<2000xf32, #tpu.memory_space<hbm>>) target(%arg14 : memref<2000xf32, #tpu.memory_space<vmem>>) target_semaphore(%arg24 : memref<!tpu.dma_semaphore, #tpu.memory_space<semaphore_mem>>)
        %dma_start3A_227 = tpu.memref_slice %arg6[%add3A_218] : memref<6400000xi32, #tpu.memory_space<hbm>> -> memref<2000xi32, #tpu.memory_space<hbm>>
        %dma_start3A_228 = tpu.memref_slice %arg6[%add3A_218] : memref<6400000xi32, #tpu.memory_space<hbm>> -> memref<2000xi32, #tpu.memory_space<hbm>>
        tpu.enqueue_dma source(%dma_start3A_228 : memref<2000xi32, #tpu.memory_space<hbm>>) target(%arg16 : memref<2000xi32, #tpu.memory_space<vmem>>) target_semaphore(%arg24 : memref<!tpu.dma_semaphore, #tpu.memory_space<semaphore_mem>>)
      } else {
      }
      %get3A_194 = arith.constant 1984 : index
      %get3A_195 = tpu.vector_load %arg17[%get3A_194] {strides = array<i32>} : memref<2000xi32, #tpu.memory_space<vmem>>, vector<16xi32>,
      %reduce_max3A_196 = arith.constant true
      %reduce_max3A_197 = vector.broadcast %reduce_max3A_196 : i1 to vector<16xi1>
      %reduce_max3A_198 = arith.constant -2147483648 : i32
      %reduce_max3A_199 = vector.broadcast %reduce_max3A_198 : i32 to vector<16xi32>
      %reduce_max3A_200 = arith.xori %get3A_195, %reduce_max3A_199 : vector<16xi32>
      %reduce_max3A_201 = tpu.scan <max>, %reduce_max3A_200 masked %reduce_max3A_197 : vector<16xi32>, vector<16xi1> -> vector<16xi32>
      %reduce_max3A_202 = arith.xori %reduce_max3A_201, %reduce_max3A_199 : vector<16xi32>
      %reduce_max3A_203 = vector.extract %reduce_max3A_202[15] : i32 from vector<16xi32>
      %sub3A_204 = arith.subi %reduce_max3A_203, %reduce_min3A_28 : i32
      %mul3A_205 = arith.constant 3 : i32
      %mul3A_206 = arith.muli %sub3A_204, %mul3A_205 : i32
      %add3A_207 = arith.constant 2 : i32
      %add3A_208 = arith.addi %mul3A_206, %add3A_207 : i32
      %lt3A_209 = arith.constant 36864 : i32
      %lt3A_210 = arith.cmpi slt, %add3A_208, %lt3A_209 : i32
      %convert_element_type3A_211 = arith.extui %lt3A_210 : i1 to i32
      %cond3A_212 = arith.constant 0 : i32
      %cond3A_213 = arith.cmpi ne, %convert_element_type3A_211, %cond3A_212 : i32
      scf.if %cond3A_213 {
        %mul3A_214 = arith.constant 125 : i32
        %mul3A_215 = vector.broadcast %mul3A_214 : i32 to vector<16xi32>
        %mul3A_216 = arith.muli %iota3A, %mul3A_215 : vector<16xi32>
        %add3A_217 = arith.constant 0 : i32
        %add3A_218 = vector.broadcast %add3A_217 : i32 to vector<16xi32>
        %add3A_219 = arith.addi %mul3A_216, %add3A_218 : vector<16xi32>
        %scan3A_220 = arith.constant 0 : i32
        %scan3A_221 = arith.constant 0 : i32
        %scan3A_222 = arith.constant 5 : i32
        %scan3A_223 = arith.addi %scan3A_221, %scan3A_222 : i32
        %scan3A_224 = arith.constant 1 : i32
        scf.for %scan3A_226 = %scan3A_221 to %scan3A_223 step %scan3A_224  : i32 {
          %mul3A_227 = arith.constant 25 : i32
          %mul3A_228 = arith.muli %mul3A_227, %scan3A_226 : i32
          %add3A_229 = arith.constant 0 : i32
          %add3A_230 = arith.addi %mul3A_228, %add3A_229 : i32
          %add3A_231 = vector.broadcast %add3A_230 : i32 to vector<16xi32>
          %add3A_232 = arith.addi %add3A_219, %add3A_231 : vector<16xi32>
          %gather3A = tpu.vector_load_idx %arg15[%add3A_232] : memref<2000xf32, #tpu.memory_space<vmem>>[vector<16xi32>], vector<16xf32>,
          %gather3A_233 = tpu.vector_load_idx %arg17[%add3A_232] : memref<2000xi32, #tpu.memory_space<vmem>>[vector<16xi32>], vector<16xi32>,
          %mul3A_234 = arith.constant 3 : i32
          %mul3A_235 = vector.broadcast %mul3A_234 : i32 to vector<16xi32>
          %mul3A_236 = arith.muli %gather3A_233, %mul3A_235 : vector<16xi32>
          %sub3A_237 = vector.broadcast %mul3A_30 : i32 to vector<16xi32>
          %sub3A_238 = arith.subi %mul3A_236, %sub3A_237 : vector<16xi32>
          %gather3A_239 = tpu.vector_load_idx %arg9[%add3A_232] : memref<2000xf32, #tpu.memory_space<vmem>>[vector<16xi32>], vector<16xf32>,
          %mul3A_240 = arith.mulf %gather3A_239, %gather3A : vector<16xf32>
          tpu.vector_store_idx %arg22[%sub3A_238], %mul3A_240 {add = true} : memref<36864xf32, #tpu.memory_space<vmem>>[vector<16xi32>], vector<16xf32>,
          %add3A_241 = arith.constant 1 : i32
          %add3A_242 = vector.broadcast %add3A_241 : i32 to vector<16xi32>
          %add3A_243 = arith.addi %sub3A_238, %add3A_242 : vector<16xi32>
          %gather3A_244 = tpu.vector_load_idx %arg11[%add3A_232] : memref<2000xf32, #tpu.memory_space<vmem>>[vector<16xi32>], vector<16xf32>,
          %mul3A_245 = arith.mulf %gather3A_244, %gather3A : vector<16xf32>
          tpu.vector_store_idx %arg22[%add3A_243], %mul3A_245 {add = true} : memref<36864xf32, #tpu.memory_space<vmem>>[vector<16xi32>], vector<16xf32>,
          %add3A_246 = arith.constant 2 : i32
          %add3A_247 = vector.broadcast %add3A_246 : i32 to vector<16xi32>
          %add3A_248 = arith.addi %sub3A_238, %add3A_247 : vector<16xi32>
          %gather3A_249 = tpu.vector_load_idx %arg13[%add3A_232] : memref<2000xf32, #tpu.memory_space<vmem>>[vector<16xi32>], vector<16xf32>,
          %mul3A_250 = arith.mulf %gather3A_249, %gather3A : vector<16xf32>
          tpu.vector_store_idx %arg22[%add3A_248], %mul3A_250 {add = true} : memref<36864xf32, #tpu.memory_space<vmem>>[vector<16xi32>], vector<16xf32>,
          %mul3A_251 = arith.constant 25 : i32
          %mul3A_252 = arith.muli %mul3A_251, %scan3A_226 : i32
          %add3A_253 = arith.constant 1 : i32
          %add3A_254 = arith.addi %mul3A_252, %add3A_253 : i32
          %add3A_255 = vector.broadcast %add3A_254 : i32 to vector<16xi32>
          %add3A_256 = arith.addi %add3A_219, %add3A_255 : vector<16xi32>
          %gather3A_257 = tpu.vector_load_idx %arg15[%add3A_256] : memref<2000xf32, #tpu.memory_space<vmem>>[vector<16xi32>], vector<16xf32>,
          %gather3A_258 = tpu.vector_load_idx %arg17[%add3A_256] : memref<2000xi32, #tpu.memory_space<vmem>>[vector<16xi32>], vector<16xi32>,
          %mul3A_259 = arith.constant 3 : i32
          %mul3A_260 = vector.broadcast %mul3A_259 : i32 to vector<16xi32>
          %mul3A_261 = arith.muli %gather3A_258, %mul3A_260 : vector<16xi32>
          %sub3A_262 = vector.broadcast %mul3A_30 : i32 to vector<16xi32>
          %sub3A_263 = arith.subi %mul3A_261, %sub3A_262 : vector<16xi32>
          %gather3A_264 = tpu.vector_load_idx %arg9[%add3A_256] : memref<2000xf32, #tpu.memory_space<vmem>>[vector<16xi32>], vector<16xf32>,
          %mul3A_265 = arith.mulf %gather3A_264, %gather3A_257 : vector<16xf32>
          tpu.vector_store_idx %arg22[%sub3A_263], %mul3A_265 {add = true} : memref<36864xf32, #tpu.memory_space<vmem>>[vector<16xi32>], vector<16xf32>,
          %add3A_266 = arith.constant 1 : i32
          %add3A_267 = vector.broadcast %add3A_266 : i32 to vector<16xi32>
          %add3A_268 = arith.addi %sub3A_263, %add3A_267 : vector<16xi32>
          %gather3A_269 = tpu.vector_load_idx %arg11[%add3A_256] : memref<2000xf32, #tpu.memory_space<vmem>>[vector<16xi32>], vector<16xf32>,
          %mul3A_270 = arith.mulf %gather3A_269, %gather3A_257 : vector<16xf32>
          tpu.vector_store_idx %arg22[%add3A_268], %mul3A_270 {add = true} : memref<36864xf32, #tpu.memory_space<vmem>>[vector<16xi32>], vector<16xf32>,
          %add3A_271 = arith.constant 2 : i32
          %add3A_272 = vector.broadcast %add3A_271 : i32 to vector<16xi32>
          %add3A_273 = arith.addi %sub3A_263, %add3A_272 : vector<16xi32>
          %gather3A_274 = tpu.vector_load_idx %arg13[%add3A_256] : memref<2000xf32, #tpu.memory_space<vmem>>[vector<16xi32>], vector<16xf32>,
          %mul3A_275 = arith.mulf %gather3A_274, %gather3A_257 : vector<16xf32>
          tpu.vector_store_idx %arg22[%add3A_273], %mul3A_275 {add = true} : memref<36864xf32, #tpu.memory_space<vmem>>[vector<16xi32>], vector<16xf32>,
          %mul3A_276 = arith.constant 25 : i32
          %mul3A_277 = arith.muli %mul3A_276, %scan3A_226 : i32
          %add3A_278 = arith.constant 2 : i32
          %add3A_279 = arith.addi %mul3A_277, %add3A_278 : i32
          %add3A_280 = vector.broadcast %add3A_279 : i32 to vector<16xi32>
          %add3A_281 = arith.addi %add3A_219, %add3A_280 : vector<16xi32>
          %gather3A_282 = tpu.vector_load_idx %arg15[%add3A_281] : memref<2000xf32, #tpu.memory_space<vmem>>[vector<16xi32>], vector<16xf32>,
          %gather3A_283 = tpu.vector_load_idx %arg17[%add3A_281] : memref<2000xi32, #tpu.memory_space<vmem>>[vector<16xi32>], vector<16xi32>,
          %mul3A_284 = arith.constant 3 : i32
          %mul3A_285 = vector.broadcast %mul3A_284 : i32 to vector<16xi32>
          %mul3A_286 = arith.muli %gather3A_283, %mul3A_285 : vector<16xi32>
          %sub3A_287 = vector.broadcast %mul3A_30 : i32 to vector<16xi32>
          %sub3A_288 = arith.subi %mul3A_286, %sub3A_287 : vector<16xi32>
          %gather3A_289 = tpu.vector_load_idx %arg9[%add3A_281] : memref<2000xf32, #tpu.memory_space<vmem>>[vector<16xi32>], vector<16xf32>,
          %mul3A_290 = arith.mulf %gather3A_289, %gather3A_282 : vector<16xf32>
          tpu.vector_store_idx %arg22[%sub3A_288], %mul3A_290 {add = true} : memref<36864xf32, #tpu.memory_space<vmem>>[vector<16xi32>], vector<16xf32>,
          %add3A_291 = arith.constant 1 : i32
          %add3A_292 = vector.broadcast %add3A_291 : i32 to vector<16xi32>
          %add3A_293 = arith.addi %sub3A_288, %add3A_292 : vector<16xi32>
          %gather3A_294 = tpu.vector_load_idx %arg11[%add3A_281] : memref<2000xf32, #tpu.memory_space<vmem>>[vector<16xi32>], vector<16xf32>,
          %mul3A_295 = arith.mulf %gather3A_294, %gather3A_282 : vector<16xf32>
          tpu.vector_store_idx %arg22[%add3A_293], %mul3A_295 {add = true} : memref<36864xf32, #tpu.memory_space<vmem>>[vector<16xi32>], vector<16xf32>,
          %add3A_296 = arith.constant 2 : i32
          %add3A_297 = vector.broadcast %add3A_296 : i32 to vector<16xi32>
          %add3A_298 = arith.addi %sub3A_288, %add3A_297 : vector<16xi32>
          %gather3A_299 = tpu.vector_load_idx %arg13[%add3A_281] : memref<2000xf32, #tpu.memory_space<vmem>>[vector<16xi32>], vector<16xf32>,
          %mul3A_300 = arith.mulf %gather3A_299, %gather3A_282 : vector<16xf32>
          tpu.vector_store_idx %arg22[%add3A_298], %mul3A_300 {add = true} : memref<36864xf32, #tpu.memory_space<vmem>>[vector<16xi32>], vector<16xf32>,
          %mul3A_301 = arith.constant 25 : i32
          %mul3A_302 = arith.muli %mul3A_301, %scan3A_226 : i32
          %add3A_303 = arith.constant 3 : i32
          %add3A_304 = arith.addi %mul3A_302, %add3A_303 : i32
          %add3A_305 = vector.broadcast %add3A_304 : i32 to vector<16xi32>
          %add3A_306 = arith.addi %add3A_219, %add3A_305 : vector<16xi32>
          %gather3A_307 = tpu.vector_load_idx %arg15[%add3A_306] : memref<2000xf32, #tpu.memory_space<vmem>>[vector<16xi32>], vector<16xf32>,
          %gather3A_308 = tpu.vector_load_idx %arg17[%add3A_306] : memref<2000xi32, #tpu.memory_space<vmem>>[vector<16xi32>], vector<16xi32>,
          %mul3A_309 = arith.constant 3 : i32
          %mul3A_310 = vector.broadcast %mul3A_309 : i32 to vector<16xi32>
          %mul3A_311 = arith.muli %gather3A_308, %mul3A_310 : vector<16xi32>
          %sub3A_312 = vector.broadcast %mul3A_30 : i32 to vector<16xi32>
          %sub3A_313 = arith.subi %mul3A_311, %sub3A_312 : vector<16xi32>
          %gather3A_314 = tpu.vector_load_idx %arg9[%add3A_306] : memref<2000xf32, #tpu.memory_space<vmem>>[vector<16xi32>], vector<16xf32>,
          %mul3A_315 = arith.mulf %gather3A_314, %gather3A_307 : vector<16xf32>
          tpu.vector_store_idx %arg22[%sub3A_313], %mul3A_315 {add = true} : memref<36864xf32, #tpu.memory_space<vmem>>[vector<16xi32>], vector<16xf32>,
          %add3A_316 = arith.constant 1 : i32
          %add3A_317 = vector.broadcast %add3A_316 : i32 to vector<16xi32>
          %add3A_318 = arith.addi %sub3A_313, %add3A_317 : vector<16xi32>
          %gather3A_319 = tpu.vector_load_idx %arg11[%add3A_306] : memref<2000xf32, #tpu.memory_space<vmem>>[vector<16xi32>], vector<16xf32>,
          %mul3A_320 = arith.mulf %gather3A_319, %gather3A_307 : vector<16xf32>
          tpu.vector_store_idx %arg22[%add3A_318], %mul3A_320 {add = true} : memref<36864xf32, #tpu.memory_space<vmem>>[vector<16xi32>], vector<16xf32>,
          %add3A_321 = arith.constant 2 : i32
          %add3A_322 = vector.broadcast %add3A_321 : i32 to vector<16xi32>
          %add3A_323 = arith.addi %sub3A_313, %add3A_322 : vector<16xi32>
          %gather3A_324 = tpu.vector_load_idx %arg13[%add3A_306] : memref<2000xf32, #tpu.memory_space<vmem>>[vector<16xi32>], vector<16xf32>,
          %mul3A_325 = arith.mulf %gather3A_324, %gather3A_307 : vector<16xf32>
          tpu.vector_store_idx %arg22[%add3A_323], %mul3A_325 {add = true} : memref<36864xf32, #tpu.memory_space<vmem>>[vector<16xi32>], vector<16xf32>,
          %mul3A_326 = arith.constant 25 : i32
          %mul3A_327 = arith.muli %mul3A_326, %scan3A_226 : i32
          %add3A_328 = arith.constant 4 : i32
          %add3A_329 = arith.addi %mul3A_327, %add3A_328 : i32
          %add3A_330 = vector.broadcast %add3A_329 : i32 to vector<16xi32>
          %add3A_331 = arith.addi %add3A_219, %add3A_330 : vector<16xi32>
          %gather3A_332 = tpu.vector_load_idx %arg15[%add3A_331] : memref<2000xf32, #tpu.memory_space<vmem>>[vector<16xi32>], vector<16xf32>,
          %gather3A_333 = tpu.vector_load_idx %arg17[%add3A_331] : memref<2000xi32, #tpu.memory_space<vmem>>[vector<16xi32>], vector<16xi32>,
          %mul3A_334 = arith.constant 3 : i32
          %mul3A_335 = vector.broadcast %mul3A_334 : i32 to vector<16xi32>
          %mul3A_336 = arith.muli %gather3A_333, %mul3A_335 : vector<16xi32>
          %sub3A_337 = vector.broadcast %mul3A_30 : i32 to vector<16xi32>
          %sub3A_338 = arith.subi %mul3A_336, %sub3A_337 : vector<16xi32>
          %gather3A_339 = tpu.vector_load_idx %arg9[%add3A_331] : memref<2000xf32, #tpu.memory_space<vmem>>[vector<16xi32>], vector<16xf32>,
          %mul3A_340 = arith.mulf %gather3A_339, %gather3A_332 : vector<16xf32>
          tpu.vector_store_idx %arg22[%sub3A_338], %mul3A_340 {add = true} : memref<36864xf32, #tpu.memory_space<vmem>>[vector<16xi32>], vector<16xf32>,
          %add3A_341 = arith.constant 1 : i32
          %add3A_342 = vector.broadcast %add3A_341 : i32 to vector<16xi32>
          %add3A_343 = arith.addi %sub3A_338, %add3A_342 : vector<16xi32>
          %gather3A_344 = tpu.vector_load_idx %arg11[%add3A_331] : memref<2000xf32, #tpu.memory_space<vmem>>[vector<16xi32>], vector<16xf32>,
          %mul3A_345 = arith.mulf %gather3A_344, %gather3A_332 : vector<16xf32>
          tpu.vector_store_idx %arg22[%add3A_343], %mul3A_345 {add = true} : memref<36864xf32, #tpu.memory_space<vmem>>[vector<16xi32>], vector<16xf32>,
          %add3A_346 = arith.constant 2 : i32
          %add3A_347 = vector.broadcast %add3A_346 : i32 to vector<16xi32>
          %add3A_348 = arith.addi %sub3A_338, %add3A_347 : vector<16xi32>
          %gather3A_349 = tpu.vector_load_idx %arg13[%add3A_331] : memref<2000xf32, #tpu.memory_space<vmem>>[vector<16xi32>], vector<16xf32>,
          %mul3A_350 = arith.mulf %gather3A_349, %gather3A_332 : vector<16xf32>
          tpu.vector_store_idx %arg22[%add3A_348], %mul3A_350 {add = true} : memref<36864xf32, #tpu.memory_space<vmem>>[vector<16xi32>], vector<16xf32>,
          %mul3A_351 = arith.constant 25 : i32
          %mul3A_352 = arith.muli %mul3A_351, %scan3A_226 : i32
          %add3A_353 = arith.constant 5 : i32
          %add3A_354 = arith.addi %mul3A_352, %add3A_353 : i32
          %add3A_355 = vector.broadcast %add3A_354 : i32 to vector<16xi32>
          %add3A_356 = arith.addi %add3A_219, %add3A_355 : vector<16xi32>
          %gather3A_357 = tpu.vector_load_idx %arg15[%add3A_356] : memref<2000xf32, #tpu.memory_space<vmem>>[vector<16xi32>], vector<16xf32>,
          %gather3A_358 = tpu.vector_load_idx %arg17[%add3A_356] : memref<2000xi32, #tpu.memory_space<vmem>>[vector<16xi32>], vector<16xi32>,
          %mul3A_359 = arith.constant 3 : i32
          %mul3A_360 = vector.broadcast %mul3A_359 : i32 to vector<16xi32>
          %mul3A_361 = arith.muli %gather3A_358, %mul3A_360 : vector<16xi32>
          %sub3A_362 = vector.broadcast %mul3A_30 : i32 to vector<16xi32>
          %sub3A_363 = arith.subi %mul3A_361, %sub3A_362 : vector<16xi32>
          %gather3A_364 = tpu.vector_load_idx %arg9[%add3A_356] : memref<2000xf32, #tpu.memory_space<vmem>>[vector<16xi32>], vector<16xf32>,
          %mul3A_365 = arith.mulf %gather3A_364, %gather3A_357 : vector<16xf32>
          tpu.vector_store_idx %arg22[%sub3A_363], %mul3A_365 {add = true} : memref<36864xf32, #tpu.memory_space<vmem>>[vector<16xi32>], vector<16xf32>,
          %add3A_366 = arith.constant 1 : i32
          %add3A_367 = vector.broadcast %add3A_366 : i32 to vector<16xi32>
          %add3A_368 = arith.addi %sub3A_363, %add3A_367 : vector<16xi32>
          %gather3A_369 = tpu.vector_load_idx %arg11[%add3A_356] : memref<2000xf32, #tpu.memory_space<vmem>>[vector<16xi32>], vector<16xf32>,
          %mul3A_370 = arith.mulf %gather3A_369, %gather3A_357 : vector<16xf32>
          tpu.vector_store_idx %arg22[%add3A_368], %mul3A_370 {add = true} : memref<36864xf32, #tpu.memory_space<vmem>>[vector<16xi32>], vector<16xf32>,
          %add3A_371 = arith.constant 2 : i32
          %add3A_372 = vector.broadcast %add3A_371 : i32 to vector<16xi32>
          %add3A_373 = arith.addi %sub3A_363, %add3A_372 : vector<16xi32>
          %gather3A_374 = tpu.vector_load_idx %arg13[%add3A_356] : memref<2000xf32, #tpu.memory_space<vmem>>[vector<16xi32>], vector<16xf32>,
          %mul3A_375 = arith.mulf %gather3A_374, %gather3A_357 : vector<16xf32>
          tpu.vector_store_idx %arg22[%add3A_373], %mul3A_375 {add = true} : memref<36864xf32, #tpu.memory_space<vmem>>[vector<16xi32>], vector<16xf32>,
          %mul3A_376 = arith.constant 25 : i32
          %mul3A_377 = arith.muli %mul3A_376, %scan3A_226 : i32
          %add3A_378 = arith.constant 6 : i32
          %add3A_379 = arith.addi %mul3A_377, %add3A_378 : i32
          %add3A_380 = vector.broadcast %add3A_379 : i32 to vector<16xi32>
          %add3A_381 = arith.addi %add3A_219, %add3A_380 : vector<16xi32>
          %gather3A_382 = tpu.vector_load_idx %arg15[%add3A_381] : memref<2000xf32, #tpu.memory_space<vmem>>[vector<16xi32>], vector<16xf32>,
          %gather3A_383 = tpu.vector_load_idx %arg17[%add3A_381] : memref<2000xi32, #tpu.memory_space<vmem>>[vector<16xi32>], vector<16xi32>,
          %mul3A_384 = arith.constant 3 : i32
          %mul3A_385 = vector.broadcast %mul3A_384 : i32 to vector<16xi32>
          %mul3A_386 = arith.muli %gather3A_383, %mul3A_385 : vector<16xi32>
          %sub3A_387 = vector.broadcast %mul3A_30 : i32 to vector<16xi32>
          %sub3A_388 = arith.subi %mul3A_386, %sub3A_387 : vector<16xi32>
          %gather3A_389 = tpu.vector_load_idx %arg9[%add3A_381] : memref<2000xf32, #tpu.memory_space<vmem>>[vector<16xi32>], vector<16xf32>,
          %mul3A_390 = arith.mulf %gather3A_389, %gather3A_382 : vector<16xf32>
          tpu.vector_store_idx %arg22[%sub3A_388], %mul3A_390 {add = true} : memref<36864xf32, #tpu.memory_space<vmem>>[vector<16xi32>], vector<16xf32>,
          %add3A_391 = arith.constant 1 : i32
          %add3A_392 = vector.broadcast %add3A_391 : i32 to vector<16xi32>
          %add3A_393 = arith.addi %sub3A_388, %add3A_392 : vector<16xi32>
          %gather3A_394 = tpu.vector_load_idx %arg11[%add3A_381] : memref<2000xf32, #tpu.memory_space<vmem>>[vector<16xi32>], vector<16xf32>,
          %mul3A_395 = arith.mulf %gather3A_394, %gather3A_382 : vector<16xf32>
          tpu.vector_store_idx %arg22[%add3A_393], %mul3A_395 {add = true} : memref<36864xf32, #tpu.memory_space<vmem>>[vector<16xi32>], vector<16xf32>,
          %add3A_396 = arith.constant 2 : i32
          %add3A_397 = vector.broadcast %add3A_396 : i32 to vector<16xi32>
          %add3A_398 = arith.addi %sub3A_388, %add3A_397 : vector<16xi32>
          %gather3A_399 = tpu.vector_load_idx %arg13[%add3A_381] : memref<2000xf32, #tpu.memory_space<vmem>>[vector<16xi32>], vector<16xf32>,
          %mul3A_400 = arith.mulf %gather3A_399, %gather3A_382 : vector<16xf32>
          tpu.vector_store_idx %arg22[%add3A_398], %mul3A_400 {add = true} : memref<36864xf32, #tpu.memory_space<vmem>>[vector<16xi32>], vector<16xf32>,
          %mul3A_401 = arith.constant 25 : i32
          %mul3A_402 = arith.muli %mul3A_401, %scan3A_226 : i32
          %add3A_403 = arith.constant 7 : i32
          %add3A_404 = arith.addi %mul3A_402, %add3A_403 : i32
          %add3A_405 = vector.broadcast %add3A_404 : i32 to vector<16xi32>
          %add3A_406 = arith.addi %add3A_219, %add3A_405 : vector<16xi32>
          %gather3A_407 = tpu.vector_load_idx %arg15[%add3A_406] : memref<2000xf32, #tpu.memory_space<vmem>>[vector<16xi32>], vector<16xf32>,
          %gather3A_408 = tpu.vector_load_idx %arg17[%add3A_406] : memref<2000xi32, #tpu.memory_space<vmem>>[vector<16xi32>], vector<16xi32>,
          %mul3A_409 = arith.constant 3 : i32
          %mul3A_410 = vector.broadcast %mul3A_409 : i32 to vector<16xi32>
          %mul3A_411 = arith.muli %gather3A_408, %mul3A_410 : vector<16xi32>
          %sub3A_412 = vector.broadcast %mul3A_30 : i32 to vector<16xi32>
          %sub3A_413 = arith.subi %mul3A_411, %sub3A_412 : vector<16xi32>
          %gather3A_414 = tpu.vector_load_idx %arg9[%add3A_406] : memref<2000xf32, #tpu.memory_space<vmem>>[vector<16xi32>], vector<16xf32>,
          %mul3A_415 = arith.mulf %gather3A_414, %gather3A_407 : vector<16xf32>
          tpu.vector_store_idx %arg22[%sub3A_413], %mul3A_415 {add = true} : memref<36864xf32, #tpu.memory_space<vmem>>[vector<16xi32>], vector<16xf32>,
          %add3A_416 = arith.constant 1 : i32
          %add3A_417 = vector.broadcast %add3A_416 : i32 to vector<16xi32>
          %add3A_418 = arith.addi %sub3A_413, %add3A_417 : vector<16xi32>
          %gather3A_419 = tpu.vector_load_idx %arg11[%add3A_406] : memref<2000xf32, #tpu.memory_space<vmem>>[vector<16xi32>], vector<16xf32>,
          %mul3A_420 = arith.mulf %gather3A_419, %gather3A_407 : vector<16xf32>
          tpu.vector_store_idx %arg22[%add3A_418], %mul3A_420 {add = true} : memref<36864xf32, #tpu.memory_space<vmem>>[vector<16xi32>], vector<16xf32>,
          %add3A_421 = arith.constant 2 : i32
          %add3A_422 = vector.broadcast %add3A_421 : i32 to vector<16xi32>
          %add3A_423 = arith.addi %sub3A_413, %add3A_422 : vector<16xi32>
          %gather3A_424 = tpu.vector_load_idx %arg13[%add3A_406] : memref<2000xf32, #tpu.memory_space<vmem>>[vector<16xi32>], vector<16xf32>,
          %mul3A_425 = arith.mulf %gather3A_424, %gather3A_407 : vector<16xf32>
          tpu.vector_store_idx %arg22[%add3A_423], %mul3A_425 {add = true} : memref<36864xf32, #tpu.memory_space<vmem>>[vector<16xi32>], vector<16xf32>,
          %mul3A_426 = arith.constant 25 : i32
          %mul3A_427 = arith.muli %mul3A_426, %scan3A_226 : i32
          %add3A_428 = arith.constant 8 : i32
          %add3A_429 = arith.addi %mul3A_427, %add3A_428 : i32
          %add3A_430 = vector.broadcast %add3A_429 : i32 to vector<16xi32>
          %add3A_431 = arith.addi %add3A_219, %add3A_430 : vector<16xi32>
          %gather3A_432 = tpu.vector_load_idx %arg15[%add3A_431] : memref<2000xf32, #tpu.memory_space<vmem>>[vector<16xi32>], vector<16xf32>,
          %gather3A_433 = tpu.vector_load_idx %arg17[%add3A_431] : memref<2000xi32, #tpu.memory_space<vmem>>[vector<16xi32>], vector<16xi32>,
          %mul3A_434 = arith.constant 3 : i32
          %mul3A_435 = vector.broadcast %mul3A_434 : i32 to vector<16xi32>
          %mul3A_436 = arith.muli %gather3A_433, %mul3A_435 : vector<16xi32>
          %sub3A_437 = vector.broadcast %mul3A_30 : i32 to vector<16xi32>
          %sub3A_438 = arith.subi %mul3A_436, %sub3A_437 : vector<16xi32>
          %gather3A_439 = tpu.vector_load_idx %arg9[%add3A_431] : memref<2000xf32, #tpu.memory_space<vmem>>[vector<16xi32>], vector<16xf32>,
          %mul3A_440 = arith.mulf %gather3A_439, %gather3A_432 : vector<16xf32>
          tpu.vector_store_idx %arg22[%sub3A_438], %mul3A_440 {add = true} : memref<36864xf32, #tpu.memory_space<vmem>>[vector<16xi32>], vector<16xf32>,
          %add3A_441 = arith.constant 1 : i32
          %add3A_442 = vector.broadcast %add3A_441 : i32 to vector<16xi32>
          %add3A_443 = arith.addi %sub3A_438, %add3A_442 : vector<16xi32>
          %gather3A_444 = tpu.vector_load_idx %arg11[%add3A_431] : memref<2000xf32, #tpu.memory_space<vmem>>[vector<16xi32>], vector<16xf32>,
          %mul3A_445 = arith.mulf %gather3A_444, %gather3A_432 : vector<16xf32>
          tpu.vector_store_idx %arg22[%add3A_443], %mul3A_445 {add = true} : memref<36864xf32, #tpu.memory_space<vmem>>[vector<16xi32>], vector<16xf32>,
          %add3A_446 = arith.constant 2 : i32
          %add3A_447 = vector.broadcast %add3A_446 : i32 to vector<16xi32>
          %add3A_448 = arith.addi %sub3A_438, %add3A_447 : vector<16xi32>
          %gather3A_449 = tpu.vector_load_idx %arg13[%add3A_431] : memref<2000xf32, #tpu.memory_space<vmem>>[vector<16xi32>], vector<16xf32>,
          %mul3A_450 = arith.mulf %gather3A_449, %gather3A_432 : vector<16xf32>
          tpu.vector_store_idx %arg22[%add3A_448], %mul3A_450 {add = true} : memref<36864xf32, #tpu.memory_space<vmem>>[vector<16xi32>], vector<16xf32>,
          %mul3A_451 = arith.constant 25 : i32
          %mul3A_452 = arith.muli %mul3A_451, %scan3A_226 : i32
          %add3A_453 = arith.constant 9 : i32
          %add3A_454 = arith.addi %mul3A_452, %add3A_453 : i32
          %add3A_455 = vector.broadcast %add3A_454 : i32 to vector<16xi32>
          %add3A_456 = arith.addi %add3A_219, %add3A_455 : vector<16xi32>
          %gather3A_457 = tpu.vector_load_idx %arg15[%add3A_456] : memref<2000xf32, #tpu.memory_space<vmem>>[vector<16xi32>], vector<16xf32>,
          %gather3A_458 = tpu.vector_load_idx %arg17[%add3A_456] : memref<2000xi32, #tpu.memory_space<vmem>>[vector<16xi32>], vector<16xi32>,
          %mul3A_459 = arith.constant 3 : i32
          %mul3A_460 = vector.broadcast %mul3A_459 : i32 to vector<16xi32>
          %mul3A_461 = arith.muli %gather3A_458, %mul3A_460 : vector<16xi32>
          %sub3A_462 = vector.broadcast %mul3A_30 : i32 to vector<16xi32>
          %sub3A_463 = arith.subi %mul3A_461, %sub3A_462 : vector<16xi32>
          %gather3A_464 = tpu.vector_load_idx %arg9[%add3A_456] : memref<2000xf32, #tpu.memory_space<vmem>>[vector<16xi32>], vector<16xf32>,
          %mul3A_465 = arith.mulf %gather3A_464, %gather3A_457 : vector<16xf32>
          tpu.vector_store_idx %arg22[%sub3A_463], %mul3A_465 {add = true} : memref<36864xf32, #tpu.memory_space<vmem>>[vector<16xi32>], vector<16xf32>,
          %add3A_466 = arith.constant 1 : i32
          %add3A_467 = vector.broadcast %add3A_466 : i32 to vector<16xi32>
          %add3A_468 = arith.addi %sub3A_463, %add3A_467 : vector<16xi32>
          %gather3A_469 = tpu.vector_load_idx %arg11[%add3A_456] : memref<2000xf32, #tpu.memory_space<vmem>>[vector<16xi32>], vector<16xf32>,
          %mul3A_470 = arith.mulf %gather3A_469, %gather3A_457 : vector<16xf32>
          tpu.vector_store_idx %arg22[%add3A_468], %mul3A_470 {add = true} : memref<36864xf32, #tpu.memory_space<vmem>>[vector<16xi32>], vector<16xf32>,
          %add3A_471 = arith.constant 2 : i32
          %add3A_472 = vector.broadcast %add3A_471 : i32 to vector<16xi32>
          %add3A_473 = arith.addi %sub3A_463, %add3A_472 : vector<16xi32>
          %gather3A_474 = tpu.vector_load_idx %arg13[%add3A_456] : memref<2000xf32, #tpu.memory_space<vmem>>[vector<16xi32>], vector<16xf32>,
          %mul3A_475 = arith.mulf %gather3A_474, %gather3A_457 : vector<16xf32>
          tpu.vector_store_idx %arg22[%add3A_473], %mul3A_475 {add = true} : memref<36864xf32, #tpu.memory_space<vmem>>[vector<16xi32>], vector<16xf32>,
          %mul3A_476 = arith.constant 25 : i32
          %mul3A_477 = arith.muli %mul3A_476, %scan3A_226 : i32
          %add3A_478 = arith.constant 10 : i32
          %add3A_479 = arith.addi %mul3A_477, %add3A_478 : i32
          %add3A_480 = vector.broadcast %add3A_479 : i32 to vector<16xi32>
          %add3A_481 = arith.addi %add3A_219, %add3A_480 : vector<16xi32>
          %gather3A_482 = tpu.vector_load_idx %arg15[%add3A_481] : memref<2000xf32, #tpu.memory_space<vmem>>[vector<16xi32>], vector<16xf32>,
          %gather3A_483 = tpu.vector_load_idx %arg17[%add3A_481] : memref<2000xi32, #tpu.memory_space<vmem>>[vector<16xi32>], vector<16xi32>,
          %mul3A_484 = arith.constant 3 : i32
          %mul3A_485 = vector.broadcast %mul3A_484 : i32 to vector<16xi32>
          %mul3A_486 = arith.muli %gather3A_483, %mul3A_485 : vector<16xi32>
          %sub3A_487 = vector.broadcast %mul3A_30 : i32 to vector<16xi32>
          %sub3A_488 = arith.subi %mul3A_486, %sub3A_487 : vector<16xi32>
          %gather3A_489 = tpu.vector_load_idx %arg9[%add3A_481] : memref<2000xf32, #tpu.memory_space<vmem>>[vector<16xi32>], vector<16xf32>,
          %mul3A_490 = arith.mulf %gather3A_489, %gather3A_482 : vector<16xf32>
          tpu.vector_store_idx %arg22[%sub3A_488], %mul3A_490 {add = true} : memref<36864xf32, #tpu.memory_space<vmem>>[vector<16xi32>], vector<16xf32>,
          %add3A_491 = arith.constant 1 : i32
          %add3A_492 = vector.broadcast %add3A_491 : i32 to vector<16xi32>
          %add3A_493 = arith.addi %sub3A_488, %add3A_492 : vector<16xi32>
          %gather3A_494 = tpu.vector_load_idx %arg11[%add3A_481] : memref<2000xf32, #tpu.memory_space<vmem>>[vector<16xi32>], vector<16xf32>,
          %mul3A_495 = arith.mulf %gather3A_494, %gather3A_482 : vector<16xf32>
          tpu.vector_store_idx %arg22[%add3A_493], %mul3A_495 {add = true} : memref<36864xf32, #tpu.memory_space<vmem>>[vector<16xi32>], vector<16xf32>,
          %add3A_496 = arith.constant 2 : i32
          %add3A_497 = vector.broadcast %add3A_496 : i32 to vector<16xi32>
          %add3A_498 = arith.addi %sub3A_488, %add3A_497 : vector<16xi32>
          %gather3A_499 = tpu.vector_load_idx %arg13[%add3A_481] : memref<2000xf32, #tpu.memory_space<vmem>>[vector<16xi32>], vector<16xf32>,
          %mul3A_500 = arith.mulf %gather3A_499, %gather3A_482 : vector<16xf32>
          tpu.vector_store_idx %arg22[%add3A_498], %mul3A_500 {add = true} : memref<36864xf32, #tpu.memory_space<vmem>>[vector<16xi32>], vector<16xf32>,
          %mul3A_501 = arith.constant 25 : i32
          %mul3A_502 = arith.muli %mul3A_501, %scan3A_226 : i32
          %add3A_503 = arith.constant 11 : i32
          %add3A_504 = arith.addi %mul3A_502, %add3A_503 : i32
          %add3A_505 = vector.broadcast %add3A_504 : i32 to vector<16xi32>
          %add3A_506 = arith.addi %add3A_219, %add3A_505 : vector<16xi32>
          %gather3A_507 = tpu.vector_load_idx %arg15[%add3A_506] : memref<2000xf32, #tpu.memory_space<vmem>>[vector<16xi32>], vector<16xf32>,
          %gather3A_508 = tpu.vector_load_idx %arg17[%add3A_506] : memref<2000xi32, #tpu.memory_space<vmem>>[vector<16xi32>], vector<16xi32>,
          %mul3A_509 = arith.constant 3 : i32
          %mul3A_510 = vector.broadcast %mul3A_509 : i32 to vector<16xi32>
          %mul3A_511 = arith.muli %gather3A_508, %mul3A_510 : vector<16xi32>
          %sub3A_512 = vector.broadcast %mul3A_30 : i32 to vector<16xi32>
          %sub3A_513 = arith.subi %mul3A_511, %sub3A_512 : vector<16xi32>
          %gather3A_514 = tpu.vector_load_idx %arg9[%add3A_506] : memref<2000xf32, #tpu.memory_space<vmem>>[vector<16xi32>], vector<16xf32>,
          %mul3A_515 = arith.mulf %gather3A_514, %gather3A_507 : vector<16xf32>
          tpu.vector_store_idx %arg22[%sub3A_513], %mul3A_515 {add = true} : memref<36864xf32, #tpu.memory_space<vmem>>[vector<16xi32>], vector<16xf32>,
          %add3A_516 = arith.constant 1 : i32
          %add3A_517 = vector.broadcast %add3A_516 : i32 to vector<16xi32>
          %add3A_518 = arith.addi %sub3A_513, %add3A_517 : vector<16xi32>
          %gather3A_519 = tpu.vector_load_idx %arg11[%add3A_506] : memref<2000xf32, #tpu.memory_space<vmem>>[vector<16xi32>], vector<16xf32>,
          %mul3A_520 = arith.mulf %gather3A_519, %gather3A_507 : vector<16xf32>
          tpu.vector_store_idx %arg22[%add3A_518], %mul3A_520 {add = true} : memref<36864xf32, #tpu.memory_space<vmem>>[vector<16xi32>], vector<16xf32>,
          %add3A_521 = arith.constant 2 : i32
          %add3A_522 = vector.broadcast %add3A_521 : i32 to vector<16xi32>
          %add3A_523 = arith.addi %sub3A_513, %add3A_522 : vector<16xi32>
          %gather3A_524 = tpu.vector_load_idx %arg13[%add3A_506] : memref<2000xf32, #tpu.memory_space<vmem>>[vector<16xi32>], vector<16xf32>,
          %mul3A_525 = arith.mulf %gather3A_524, %gather3A_507 : vector<16xf32>
          tpu.vector_store_idx %arg22[%add3A_523], %mul3A_525 {add = true} : memref<36864xf32, #tpu.memory_space<vmem>>[vector<16xi32>], vector<16xf32>,
          %mul3A_526 = arith.constant 25 : i32
          %mul3A_527 = arith.muli %mul3A_526, %scan3A_226 : i32
          %add3A_528 = arith.constant 12 : i32
          %add3A_529 = arith.addi %mul3A_527, %add3A_528 : i32
          %add3A_530 = vector.broadcast %add3A_529 : i32 to vector<16xi32>
          %add3A_531 = arith.addi %add3A_219, %add3A_530 : vector<16xi32>
          %gather3A_532 = tpu.vector_load_idx %arg15[%add3A_531] : memref<2000xf32, #tpu.memory_space<vmem>>[vector<16xi32>], vector<16xf32>,
          %gather3A_533 = tpu.vector_load_idx %arg17[%add3A_531] : memref<2000xi32, #tpu.memory_space<vmem>>[vector<16xi32>], vector<16xi32>,
          %mul3A_534 = arith.constant 3 : i32
          %mul3A_535 = vector.broadcast %mul3A_534 : i32 to vector<16xi32>
          %mul3A_536 = arith.muli %gather3A_533, %mul3A_535 : vector<16xi32>
          %sub3A_537 = vector.broadcast %mul3A_30 : i32 to vector<16xi32>
          %sub3A_538 = arith.subi %mul3A_536, %sub3A_537 : vector<16xi32>
          %gather3A_539 = tpu.vector_load_idx %arg9[%add3A_531] : memref<2000xf32, #tpu.memory_space<vmem>>[vector<16xi32>], vector<16xf32>,
          %mul3A_540 = arith.mulf %gather3A_539, %gather3A_532 : vector<16xf32>
          tpu.vector_store_idx %arg22[%sub3A_538], %mul3A_540 {add = true} : memref<36864xf32, #tpu.memory_space<vmem>>[vector<16xi32>], vector<16xf32>,
          %add3A_541 = arith.constant 1 : i32
          %add3A_542 = vector.broadcast %add3A_541 : i32 to vector<16xi32>
          %add3A_543 = arith.addi %sub3A_538, %add3A_542 : vector<16xi32>
          %gather3A_544 = tpu.vector_load_idx %arg11[%add3A_531] : memref<2000xf32, #tpu.memory_space<vmem>>[vector<16xi32>], vector<16xf32>,
          %mul3A_545 = arith.mulf %gather3A_544, %gather3A_532 : vector<16xf32>
          tpu.vector_store_idx %arg22[%add3A_543], %mul3A_545 {add = true} : memref<36864xf32, #tpu.memory_space<vmem>>[vector<16xi32>], vector<16xf32>,
          %add3A_546 = arith.constant 2 : i32
          %add3A_547 = vector.broadcast %add3A_546 : i32 to vector<16xi32>
          %add3A_548 = arith.addi %sub3A_538, %add3A_547 : vector<16xi32>
          %gather3A_549 = tpu.vector_load_idx %arg13[%add3A_531] : memref<2000xf32, #tpu.memory_space<vmem>>[vector<16xi32>], vector<16xf32>,
          %mul3A_550 = arith.mulf %gather3A_549, %gather3A_532 : vector<16xf32>
          tpu.vector_store_idx %arg22[%add3A_548], %mul3A_550 {add = true} : memref<36864xf32, #tpu.memory_space<vmem>>[vector<16xi32>], vector<16xf32>,
          %mul3A_551 = arith.constant 25 : i32
          %mul3A_552 = arith.muli %mul3A_551, %scan3A_226 : i32
          %add3A_553 = arith.constant 13 : i32
          %add3A_554 = arith.addi %mul3A_552, %add3A_553 : i32
          %add3A_555 = vector.broadcast %add3A_554 : i32 to vector<16xi32>
          %add3A_556 = arith.addi %add3A_219, %add3A_555 : vector<16xi32>
          %gather3A_557 = tpu.vector_load_idx %arg15[%add3A_556] : memref<2000xf32, #tpu.memory_space<vmem>>[vector<16xi32>], vector<16xf32>,
          %gather3A_558 = tpu.vector_load_idx %arg17[%add3A_556] : memref<2000xi32, #tpu.memory_space<vmem>>[vector<16xi32>], vector<16xi32>,
          %mul3A_559 = arith.constant 3 : i32
          %mul3A_560 = vector.broadcast %mul3A_559 : i32 to vector<16xi32>
          %mul3A_561 = arith.muli %gather3A_558, %mul3A_560 : vector<16xi32>
          %sub3A_562 = vector.broadcast %mul3A_30 : i32 to vector<16xi32>
          %sub3A_563 = arith.subi %mul3A_561, %sub3A_562 : vector<16xi32>
          %gather3A_564 = tpu.vector_load_idx %arg9[%add3A_556] : memref<2000xf32, #tpu.memory_space<vmem>>[vector<16xi32>], vector<16xf32>,
          %mul3A_565 = arith.mulf %gather3A_564, %gather3A_557 : vector<16xf32>
          tpu.vector_store_idx %arg22[%sub3A_563], %mul3A_565 {add = true} : memref<36864xf32, #tpu.memory_space<vmem>>[vector<16xi32>], vector<16xf32>,
          %add3A_566 = arith.constant 1 : i32
          %add3A_567 = vector.broadcast %add3A_566 : i32 to vector<16xi32>
          %add3A_568 = arith.addi %sub3A_563, %add3A_567 : vector<16xi32>
          %gather3A_569 = tpu.vector_load_idx %arg11[%add3A_556] : memref<2000xf32, #tpu.memory_space<vmem>>[vector<16xi32>], vector<16xf32>,
          %mul3A_570 = arith.mulf %gather3A_569, %gather3A_557 : vector<16xf32>
          tpu.vector_store_idx %arg22[%add3A_568], %mul3A_570 {add = true} : memref<36864xf32, #tpu.memory_space<vmem>>[vector<16xi32>], vector<16xf32>,
          %add3A_571 = arith.constant 2 : i32
          %add3A_572 = vector.broadcast %add3A_571 : i32 to vector<16xi32>
          %add3A_573 = arith.addi %sub3A_563, %add3A_572 : vector<16xi32>
          %gather3A_574 = tpu.vector_load_idx %arg13[%add3A_556] : memref<2000xf32, #tpu.memory_space<vmem>>[vector<16xi32>], vector<16xf32>,
          %mul3A_575 = arith.mulf %gather3A_574, %gather3A_557 : vector<16xf32>
          tpu.vector_store_idx %arg22[%add3A_573], %mul3A_575 {add = true} : memref<36864xf32, #tpu.memory_space<vmem>>[vector<16xi32>], vector<16xf32>,
          %mul3A_576 = arith.constant 25 : i32
          %mul3A_577 = arith.muli %mul3A_576, %scan3A_226 : i32
          %add3A_578 = arith.constant 14 : i32
          %add3A_579 = arith.addi %mul3A_577, %add3A_578 : i32
          %add3A_580 = vector.broadcast %add3A_579 : i32 to vector<16xi32>
          %add3A_581 = arith.addi %add3A_219, %add3A_580 : vector<16xi32>
          %gather3A_582 = tpu.vector_load_idx %arg15[%add3A_581] : memref<2000xf32, #tpu.memory_space<vmem>>[vector<16xi32>], vector<16xf32>,
          %gather3A_583 = tpu.vector_load_idx %arg17[%add3A_581] : memref<2000xi32, #tpu.memory_space<vmem>>[vector<16xi32>], vector<16xi32>,
          %mul3A_584 = arith.constant 3 : i32
          %mul3A_585 = vector.broadcast %mul3A_584 : i32 to vector<16xi32>
          %mul3A_586 = arith.muli %gather3A_583, %mul3A_585 : vector<16xi32>
          %sub3A_587 = vector.broadcast %mul3A_30 : i32 to vector<16xi32>
          %sub3A_588 = arith.subi %mul3A_586, %sub3A_587 : vector<16xi32>
          %gather3A_589 = tpu.vector_load_idx %arg9[%add3A_581] : memref<2000xf32, #tpu.memory_space<vmem>>[vector<16xi32>], vector<16xf32>,
          %mul3A_590 = arith.mulf %gather3A_589, %gather3A_582 : vector<16xf32>
          tpu.vector_store_idx %arg22[%sub3A_588], %mul3A_590 {add = true} : memref<36864xf32, #tpu.memory_space<vmem>>[vector<16xi32>], vector<16xf32>,
          %add3A_591 = arith.constant 1 : i32
          %add3A_592 = vector.broadcast %add3A_591 : i32 to vector<16xi32>
          %add3A_593 = arith.addi %sub3A_588, %add3A_592 : vector<16xi32>
          %gather3A_594 = tpu.vector_load_idx %arg11[%add3A_581] : memref<2000xf32, #tpu.memory_space<vmem>>[vector<16xi32>], vector<16xf32>,
          %mul3A_595 = arith.mulf %gather3A_594, %gather3A_582 : vector<16xf32>
          tpu.vector_store_idx %arg22[%add3A_593], %mul3A_595 {add = true} : memref<36864xf32, #tpu.memory_space<vmem>>[vector<16xi32>], vector<16xf32>,
          %add3A_596 = arith.constant 2 : i32
          %add3A_597 = vector.broadcast %add3A_596 : i32 to vector<16xi32>
          %add3A_598 = arith.addi %sub3A_588, %add3A_597 : vector<16xi32>
          %gather3A_599 = tpu.vector_load_idx %arg13[%add3A_581] : memref<2000xf32, #tpu.memory_space<vmem>>[vector<16xi32>], vector<16xf32>,
          %mul3A_600 = arith.mulf %gather3A_599, %gather3A_582 : vector<16xf32>
          tpu.vector_store_idx %arg22[%add3A_598], %mul3A_600 {add = true} : memref<36864xf32, #tpu.memory_space<vmem>>[vector<16xi32>], vector<16xf32>,
          %mul3A_601 = arith.constant 25 : i32
          %mul3A_602 = arith.muli %mul3A_601, %scan3A_226 : i32
          %add3A_603 = arith.constant 15 : i32
          %add3A_604 = arith.addi %mul3A_602, %add3A_603 : i32
          %add3A_605 = vector.broadcast %add3A_604 : i32 to vector<16xi32>
          %add3A_606 = arith.addi %add3A_219, %add3A_605 : vector<16xi32>
          %gather3A_607 = tpu.vector_load_idx %arg15[%add3A_606] : memref<2000xf32, #tpu.memory_space<vmem>>[vector<16xi32>], vector<16xf32>,
          %gather3A_608 = tpu.vector_load_idx %arg17[%add3A_606] : memref<2000xi32, #tpu.memory_space<vmem>>[vector<16xi32>], vector<16xi32>,
          %mul3A_609 = arith.constant 3 : i32
          %mul3A_610 = vector.broadcast %mul3A_609 : i32 to vector<16xi32>
          %mul3A_611 = arith.muli %gather3A_608, %mul3A_610 : vector<16xi32>
          %sub3A_612 = vector.broadcast %mul3A_30 : i32 to vector<16xi32>
          %sub3A_613 = arith.subi %mul3A_611, %sub3A_612 : vector<16xi32>
          %gather3A_614 = tpu.vector_load_idx %arg9[%add3A_606] : memref<2000xf32, #tpu.memory_space<vmem>>[vector<16xi32>], vector<16xf32>,
          %mul3A_615 = arith.mulf %gather3A_614, %gather3A_607 : vector<16xf32>
          tpu.vector_store_idx %arg22[%sub3A_613], %mul3A_615 {add = true} : memref<36864xf32, #tpu.memory_space<vmem>>[vector<16xi32>], vector<16xf32>,
          %add3A_616 = arith.constant 1 : i32
          %add3A_617 = vector.broadcast %add3A_616 : i32 to vector<16xi32>
          %add3A_618 = arith.addi %sub3A_613, %add3A_617 : vector<16xi32>
          %gather3A_619 = tpu.vector_load_idx %arg11[%add3A_606] : memref<2000xf32, #tpu.memory_space<vmem>>[vector<16xi32>], vector<16xf32>,
          %mul3A_620 = arith.mulf %gather3A_619, %gather3A_607 : vector<16xf32>
          tpu.vector_store_idx %arg22[%add3A_618], %mul3A_620 {add = true} : memref<36864xf32, #tpu.memory_space<vmem>>[vector<16xi32>], vector<16xf32>,
          %add3A_621 = arith.constant 2 : i32
          %add3A_622 = vector.broadcast %add3A_621 : i32 to vector<16xi32>
          %add3A_623 = arith.addi %sub3A_613, %add3A_622 : vector<16xi32>
          %gather3A_624 = tpu.vector_load_idx %arg13[%add3A_606] : memref<2000xf32, #tpu.memory_space<vmem>>[vector<16xi32>], vector<16xf32>,
          %mul3A_625 = arith.mulf %gather3A_624, %gather3A_607 : vector<16xf32>
          tpu.vector_store_idx %arg22[%add3A_623], %mul3A_625 {add = true} : memref<36864xf32, #tpu.memory_space<vmem>>[vector<16xi32>], vector<16xf32>,
          %mul3A_626 = arith.constant 25 : i32
          %mul3A_627 = arith.muli %mul3A_626, %scan3A_226 : i32
          %add3A_628 = arith.constant 16 : i32
          %add3A_629 = arith.addi %mul3A_627, %add3A_628 : i32
          %add3A_630 = vector.broadcast %add3A_629 : i32 to vector<16xi32>
          %add3A_631 = arith.addi %add3A_219, %add3A_630 : vector<16xi32>
          %gather3A_632 = tpu.vector_load_idx %arg15[%add3A_631] : memref<2000xf32, #tpu.memory_space<vmem>>[vector<16xi32>], vector<16xf32>,
          %gather3A_633 = tpu.vector_load_idx %arg17[%add3A_631] : memref<2000xi32, #tpu.memory_space<vmem>>[vector<16xi32>], vector<16xi32>,
          %mul3A_634 = arith.constant 3 : i32
          %mul3A_635 = vector.broadcast %mul3A_634 : i32 to vector<16xi32>
          %mul3A_636 = arith.muli %gather3A_633, %mul3A_635 : vector<16xi32>
          %sub3A_637 = vector.broadcast %mul3A_30 : i32 to vector<16xi32>
          %sub3A_638 = arith.subi %mul3A_636, %sub3A_637 : vector<16xi32>
          %gather3A_639 = tpu.vector_load_idx %arg9[%add3A_631] : memref<2000xf32, #tpu.memory_space<vmem>>[vector<16xi32>], vector<16xf32>,
          %mul3A_640 = arith.mulf %gather3A_639, %gather3A_632 : vector<16xf32>
          tpu.vector_store_idx %arg22[%sub3A_638], %mul3A_640 {add = true} : memref<36864xf32, #tpu.memory_space<vmem>>[vector<16xi32>], vector<16xf32>,
          %add3A_641 = arith.constant 1 : i32
          %add3A_642 = vector.broadcast %add3A_641 : i32 to vector<16xi32>
          %add3A_643 = arith.addi %sub3A_638, %add3A_642 : vector<16xi32>
          %gather3A_644 = tpu.vector_load_idx %arg11[%add3A_631] : memref<2000xf32, #tpu.memory_space<vmem>>[vector<16xi32>], vector<16xf32>,
          %mul3A_645 = arith.mulf %gather3A_644, %gather3A_632 : vector<16xf32>
          tpu.vector_store_idx %arg22[%add3A_643], %mul3A_645 {add = true} : memref<36864xf32, #tpu.memory_space<vmem>>[vector<16xi32>], vector<16xf32>,
          %add3A_646 = arith.constant 2 : i32
          %add3A_647 = vector.broadcast %add3A_646 : i32 to vector<16xi32>
          %add3A_648 = arith.addi %sub3A_638, %add3A_647 : vector<16xi32>
          %gather3A_649 = tpu.vector_load_idx %arg13[%add3A_631] : memref<2000xf32, #tpu.memory_space<vmem>>[vector<16xi32>], vector<16xf32>,
          %mul3A_650 = arith.mulf %gather3A_649, %gather3A_632 : vector<16xf32>
          tpu.vector_store_idx %arg22[%add3A_648], %mul3A_650 {add = true} : memref<36864xf32, #tpu.memory_space<vmem>>[vector<16xi32>], vector<16xf32>,
          %mul3A_651 = arith.constant 25 : i32
          %mul3A_652 = arith.muli %mul3A_651, %scan3A_226 : i32
          %add3A_653 = arith.constant 17 : i32
          %add3A_654 = arith.addi %mul3A_652, %add3A_653 : i32
          %add3A_655 = vector.broadcast %add3A_654 : i32 to vector<16xi32>
          %add3A_656 = arith.addi %add3A_219, %add3A_655 : vector<16xi32>
          %gather3A_657 = tpu.vector_load_idx %arg15[%add3A_656] : memref<2000xf32, #tpu.memory_space<vmem>>[vector<16xi32>], vector<16xf32>,
          %gather3A_658 = tpu.vector_load_idx %arg17[%add3A_656] : memref<2000xi32, #tpu.memory_space<vmem>>[vector<16xi32>], vector<16xi32>,
          %mul3A_659 = arith.constant 3 : i32
          %mul3A_660 = vector.broadcast %mul3A_659 : i32 to vector<16xi32>
          %mul3A_661 = arith.muli %gather3A_658, %mul3A_660 : vector<16xi32>
          %sub3A_662 = vector.broadcast %mul3A_30 : i32 to vector<16xi32>
          %sub3A_663 = arith.subi %mul3A_661, %sub3A_662 : vector<16xi32>
          %gather3A_664 = tpu.vector_load_idx %arg9[%add3A_656] : memref<2000xf32, #tpu.memory_space<vmem>>[vector<16xi32>], vector<16xf32>,
          %mul3A_665 = arith.mulf %gather3A_664, %gather3A_657 : vector<16xf32>
          tpu.vector_store_idx %arg22[%sub3A_663], %mul3A_665 {add = true} : memref<36864xf32, #tpu.memory_space<vmem>>[vector<16xi32>], vector<16xf32>,
          %add3A_666 = arith.constant 1 : i32
          %add3A_667 = vector.broadcast %add3A_666 : i32 to vector<16xi32>
          %add3A_668 = arith.addi %sub3A_663, %add3A_667 : vector<16xi32>
          %gather3A_669 = tpu.vector_load_idx %arg11[%add3A_656] : memref<2000xf32, #tpu.memory_space<vmem>>[vector<16xi32>], vector<16xf32>,
          %mul3A_670 = arith.mulf %gather3A_669, %gather3A_657 : vector<16xf32>
          tpu.vector_store_idx %arg22[%add3A_668], %mul3A_670 {add = true} : memref<36864xf32, #tpu.memory_space<vmem>>[vector<16xi32>], vector<16xf32>,
          %add3A_671 = arith.constant 2 : i32
          %add3A_672 = vector.broadcast %add3A_671 : i32 to vector<16xi32>
          %add3A_673 = arith.addi %sub3A_663, %add3A_672 : vector<16xi32>
          %gather3A_674 = tpu.vector_load_idx %arg13[%add3A_656] : memref<2000xf32, #tpu.memory_space<vmem>>[vector<16xi32>], vector<16xf32>,
          %mul3A_675 = arith.mulf %gather3A_674, %gather3A_657 : vector<16xf32>
          tpu.vector_store_idx %arg22[%add3A_673], %mul3A_675 {add = true} : memref<36864xf32, #tpu.memory_space<vmem>>[vector<16xi32>], vector<16xf32>,
          %mul3A_676 = arith.constant 25 : i32
          %mul3A_677 = arith.muli %mul3A_676, %scan3A_226 : i32
          %add3A_678 = arith.constant 18 : i32
          %add3A_679 = arith.addi %mul3A_677, %add3A_678 : i32
          %add3A_680 = vector.broadcast %add3A_679 : i32 to vector<16xi32>
          %add3A_681 = arith.addi %add3A_219, %add3A_680 : vector<16xi32>
          %gather3A_682 = tpu.vector_load_idx %arg15[%add3A_681] : memref<2000xf32, #tpu.memory_space<vmem>>[vector<16xi32>], vector<16xf32>,
          %gather3A_683 = tpu.vector_load_idx %arg17[%add3A_681] : memref<2000xi32, #tpu.memory_space<vmem>>[vector<16xi32>], vector<16xi32>,
          %mul3A_684 = arith.constant 3 : i32
          %mul3A_685 = vector.broadcast %mul3A_684 : i32 to vector<16xi32>
          %mul3A_686 = arith.muli %gather3A_683, %mul3A_685 : vector<16xi32>
          %sub3A_687 = vector.broadcast %mul3A_30 : i32 to vector<16xi32>
          %sub3A_688 = arith.subi %mul3A_686, %sub3A_687 : vector<16xi32>
          %gather3A_689 = tpu.vector_load_idx %arg9[%add3A_681] : memref<2000xf32, #tpu.memory_space<vmem>>[vector<16xi32>], vector<16xf32>,
          %mul3A_690 = arith.mulf %gather3A_689, %gather3A_682 : vector<16xf32>
          tpu.vector_store_idx %arg22[%sub3A_688], %mul3A_690 {add = true} : memref<36864xf32, #tpu.memory_space<vmem>>[vector<16xi32>], vector<16xf32>,
          %add3A_691 = arith.constant 1 : i32
          %add3A_692 = vector.broadcast %add3A_691 : i32 to vector<16xi32>
          %add3A_693 = arith.addi %sub3A_688, %add3A_692 : vector<16xi32>
          %gather3A_694 = tpu.vector_load_idx %arg11[%add3A_681] : memref<2000xf32, #tpu.memory_space<vmem>>[vector<16xi32>], vector<16xf32>,
          %mul3A_695 = arith.mulf %gather3A_694, %gather3A_682 : vector<16xf32>
          tpu.vector_store_idx %arg22[%add3A_693], %mul3A_695 {add = true} : memref<36864xf32, #tpu.memory_space<vmem>>[vector<16xi32>], vector<16xf32>,
          %add3A_696 = arith.constant 2 : i32
          %add3A_697 = vector.broadcast %add3A_696 : i32 to vector<16xi32>
          %add3A_698 = arith.addi %sub3A_688, %add3A_697 : vector<16xi32>
          %gather3A_699 = tpu.vector_load_idx %arg13[%add3A_681] : memref<2000xf32, #tpu.memory_space<vmem>>[vector<16xi32>], vector<16xf32>,
          %mul3A_700 = arith.mulf %gather3A_699, %gather3A_682 : vector<16xf32>
          tpu.vector_store_idx %arg22[%add3A_698], %mul3A_700 {add = true} : memref<36864xf32, #tpu.memory_space<vmem>>[vector<16xi32>], vector<16xf32>,
          %mul3A_701 = arith.constant 25 : i32
          %mul3A_702 = arith.muli %mul3A_701, %scan3A_226 : i32
          %add3A_703 = arith.constant 19 : i32
          %add3A_704 = arith.addi %mul3A_702, %add3A_703 : i32
          %add3A_705 = vector.broadcast %add3A_704 : i32 to vector<16xi32>
          %add3A_706 = arith.addi %add3A_219, %add3A_705 : vector<16xi32>
          %gather3A_707 = tpu.vector_load_idx %arg15[%add3A_706] : memref<2000xf32, #tpu.memory_space<vmem>>[vector<16xi32>], vector<16xf32>,
          %gather3A_708 = tpu.vector_load_idx %arg17[%add3A_706] : memref<2000xi32, #tpu.memory_space<vmem>>[vector<16xi32>], vector<16xi32>,
          %mul3A_709 = arith.constant 3 : i32
          %mul3A_710 = vector.broadcast %mul3A_709 : i32 to vector<16xi32>
          %mul3A_711 = arith.muli %gather3A_708, %mul3A_710 : vector<16xi32>
          %sub3A_712 = vector.broadcast %mul3A_30 : i32 to vector<16xi32>
          %sub3A_713 = arith.subi %mul3A_711, %sub3A_712 : vector<16xi32>
          %gather3A_714 = tpu.vector_load_idx %arg9[%add3A_706] : memref<2000xf32, #tpu.memory_space<vmem>>[vector<16xi32>], vector<16xf32>,
          %mul3A_715 = arith.mulf %gather3A_714, %gather3A_707 : vector<16xf32>
          tpu.vector_store_idx %arg22[%sub3A_713], %mul3A_715 {add = true} : memref<36864xf32, #tpu.memory_space<vmem>>[vector<16xi32>], vector<16xf32>,
          %add3A_716 = arith.constant 1 : i32
          %add3A_717 = vector.broadcast %add3A_716 : i32 to vector<16xi32>
          %add3A_718 = arith.addi %sub3A_713, %add3A_717 : vector<16xi32>
          %gather3A_719 = tpu.vector_load_idx %arg11[%add3A_706] : memref<2000xf32, #tpu.memory_space<vmem>>[vector<16xi32>], vector<16xf32>,
          %mul3A_720 = arith.mulf %gather3A_719, %gather3A_707 : vector<16xf32>
          tpu.vector_store_idx %arg22[%add3A_718], %mul3A_720 {add = true} : memref<36864xf32, #tpu.memory_space<vmem>>[vector<16xi32>], vector<16xf32>,
          %add3A_721 = arith.constant 2 : i32
          %add3A_722 = vector.broadcast %add3A_721 : i32 to vector<16xi32>
          %add3A_723 = arith.addi %sub3A_713, %add3A_722 : vector<16xi32>
          %gather3A_724 = tpu.vector_load_idx %arg13[%add3A_706] : memref<2000xf32, #tpu.memory_space<vmem>>[vector<16xi32>], vector<16xf32>,
          %mul3A_725 = arith.mulf %gather3A_724, %gather3A_707 : vector<16xf32>
          tpu.vector_store_idx %arg22[%add3A_723], %mul3A_725 {add = true} : memref<36864xf32, #tpu.memory_space<vmem>>[vector<16xi32>], vector<16xf32>,
          %mul3A_726 = arith.constant 25 : i32
          %mul3A_727 = arith.muli %mul3A_726, %scan3A_226 : i32
          %add3A_728 = arith.constant 20 : i32
          %add3A_729 = arith.addi %mul3A_727, %add3A_728 : i32
          %add3A_730 = vector.broadcast %add3A_729 : i32 to vector<16xi32>
          %add3A_731 = arith.addi %add3A_219, %add3A_730 : vector<16xi32>
          %gather3A_732 = tpu.vector_load_idx %arg15[%add3A_731] : memref<2000xf32, #tpu.memory_space<vmem>>[vector<16xi32>], vector<16xf32>,
          %gather3A_733 = tpu.vector_load_idx %arg17[%add3A_731] : memref<2000xi32, #tpu.memory_space<vmem>>[vector<16xi32>], vector<16xi32>,
          %mul3A_734 = arith.constant 3 : i32
          %mul3A_735 = vector.broadcast %mul3A_734 : i32 to vector<16xi32>
          %mul3A_736 = arith.muli %gather3A_733, %mul3A_735 : vector<16xi32>
          %sub3A_737 = vector.broadcast %mul3A_30 : i32 to vector<16xi32>
          %sub3A_738 = arith.subi %mul3A_736, %sub3A_737 : vector<16xi32>
          %gather3A_739 = tpu.vector_load_idx %arg9[%add3A_731] : memref<2000xf32, #tpu.memory_space<vmem>>[vector<16xi32>], vector<16xf32>,
          %mul3A_740 = arith.mulf %gather3A_739, %gather3A_732 : vector<16xf32>
          tpu.vector_store_idx %arg22[%sub3A_738], %mul3A_740 {add = true} : memref<36864xf32, #tpu.memory_space<vmem>>[vector<16xi32>], vector<16xf32>,
          %add3A_741 = arith.constant 1 : i32
          %add3A_742 = vector.broadcast %add3A_741 : i32 to vector<16xi32>
          %add3A_743 = arith.addi %sub3A_738, %add3A_742 : vector<16xi32>
          %gather3A_744 = tpu.vector_load_idx %arg11[%add3A_731] : memref<2000xf32, #tpu.memory_space<vmem>>[vector<16xi32>], vector<16xf32>,
          %mul3A_745 = arith.mulf %gather3A_744, %gather3A_732 : vector<16xf32>
          tpu.vector_store_idx %arg22[%add3A_743], %mul3A_745 {add = true} : memref<36864xf32, #tpu.memory_space<vmem>>[vector<16xi32>], vector<16xf32>,
          %add3A_746 = arith.constant 2 : i32
          %add3A_747 = vector.broadcast %add3A_746 : i32 to vector<16xi32>
          %add3A_748 = arith.addi %sub3A_738, %add3A_747 : vector<16xi32>
          %gather3A_749 = tpu.vector_load_idx %arg13[%add3A_731] : memref<2000xf32, #tpu.memory_space<vmem>>[vector<16xi32>], vector<16xf32>,
          %mul3A_750 = arith.mulf %gather3A_749, %gather3A_732 : vector<16xf32>
          tpu.vector_store_idx %arg22[%add3A_748], %mul3A_750 {add = true} : memref<36864xf32, #tpu.memory_space<vmem>>[vector<16xi32>], vector<16xf32>,
          %mul3A_751 = arith.constant 25 : i32
          %mul3A_752 = arith.muli %mul3A_751, %scan3A_226 : i32
          %add3A_753 = arith.constant 21 : i32
          %add3A_754 = arith.addi %mul3A_752, %add3A_753 : i32
          %add3A_755 = vector.broadcast %add3A_754 : i32 to vector<16xi32>
          %add3A_756 = arith.addi %add3A_219, %add3A_755 : vector<16xi32>
          %gather3A_757 = tpu.vector_load_idx %arg15[%add3A_756] : memref<2000xf32, #tpu.memory_space<vmem>>[vector<16xi32>], vector<16xf32>,
          %gather3A_758 = tpu.vector_load_idx %arg17[%add3A_756] : memref<2000xi32, #tpu.memory_space<vmem>>[vector<16xi32>], vector<16xi32>,
          %mul3A_759 = arith.constant 3 : i32
          %mul3A_760 = vector.broadcast %mul3A_759 : i32 to vector<16xi32>
          %mul3A_761 = arith.muli %gather3A_758, %mul3A_760 : vector<16xi32>
          %sub3A_762 = vector.broadcast %mul3A_30 : i32 to vector<16xi32>
          %sub3A_763 = arith.subi %mul3A_761, %sub3A_762 : vector<16xi32>
          %gather3A_764 = tpu.vector_load_idx %arg9[%add3A_756] : memref<2000xf32, #tpu.memory_space<vmem>>[vector<16xi32>], vector<16xf32>,
          %mul3A_765 = arith.mulf %gather3A_764, %gather3A_757 : vector<16xf32>
          tpu.vector_store_idx %arg22[%sub3A_763], %mul3A_765 {add = true} : memref<36864xf32, #tpu.memory_space<vmem>>[vector<16xi32>], vector<16xf32>,
          %add3A_766 = arith.constant 1 : i32
          %add3A_767 = vector.broadcast %add3A_766 : i32 to vector<16xi32>
          %add3A_768 = arith.addi %sub3A_763, %add3A_767 : vector<16xi32>
          %gather3A_769 = tpu.vector_load_idx %arg11[%add3A_756] : memref<2000xf32, #tpu.memory_space<vmem>>[vector<16xi32>], vector<16xf32>,
          %mul3A_770 = arith.mulf %gather3A_769, %gather3A_757 : vector<16xf32>
          tpu.vector_store_idx %arg22[%add3A_768], %mul3A_770 {add = true} : memref<36864xf32, #tpu.memory_space<vmem>>[vector<16xi32>], vector<16xf32>,
          %add3A_771 = arith.constant 2 : i32
          %add3A_772 = vector.broadcast %add3A_771 : i32 to vector<16xi32>
          %add3A_773 = arith.addi %sub3A_763, %add3A_772 : vector<16xi32>
          %gather3A_774 = tpu.vector_load_idx %arg13[%add3A_756] : memref<2000xf32, #tpu.memory_space<vmem>>[vector<16xi32>], vector<16xf32>,
          %mul3A_775 = arith.mulf %gather3A_774, %gather3A_757 : vector<16xf32>
          tpu.vector_store_idx %arg22[%add3A_773], %mul3A_775 {add = true} : memref<36864xf32, #tpu.memory_space<vmem>>[vector<16xi32>], vector<16xf32>,
          %mul3A_776 = arith.constant 25 : i32
          %mul3A_777 = arith.muli %mul3A_776, %scan3A_226 : i32
          %add3A_778 = arith.constant 22 : i32
          %add3A_779 = arith.addi %mul3A_777, %add3A_778 : i32
          %add3A_780 = vector.broadcast %add3A_779 : i32 to vector<16xi32>
          %add3A_781 = arith.addi %add3A_219, %add3A_780 : vector<16xi32>
          %gather3A_782 = tpu.vector_load_idx %arg15[%add3A_781] : memref<2000xf32, #tpu.memory_space<vmem>>[vector<16xi32>], vector<16xf32>,
          %gather3A_783 = tpu.vector_load_idx %arg17[%add3A_781] : memref<2000xi32, #tpu.memory_space<vmem>>[vector<16xi32>], vector<16xi32>,
          %mul3A_784 = arith.constant 3 : i32
          %mul3A_785 = vector.broadcast %mul3A_784 : i32 to vector<16xi32>
          %mul3A_786 = arith.muli %gather3A_783, %mul3A_785 : vector<16xi32>
          %sub3A_787 = vector.broadcast %mul3A_30 : i32 to vector<16xi32>
          %sub3A_788 = arith.subi %mul3A_786, %sub3A_787 : vector<16xi32>
          %gather3A_789 = tpu.vector_load_idx %arg9[%add3A_781] : memref<2000xf32, #tpu.memory_space<vmem>>[vector<16xi32>], vector<16xf32>,
          %mul3A_790 = arith.mulf %gather3A_789, %gather3A_782 : vector<16xf32>
          tpu.vector_store_idx %arg22[%sub3A_788], %mul3A_790 {add = true} : memref<36864xf32, #tpu.memory_space<vmem>>[vector<16xi32>], vector<16xf32>,
          %add3A_791 = arith.constant 1 : i32
          %add3A_792 = vector.broadcast %add3A_791 : i32 to vector<16xi32>
          %add3A_793 = arith.addi %sub3A_788, %add3A_792 : vector<16xi32>
          %gather3A_794 = tpu.vector_load_idx %arg11[%add3A_781] : memref<2000xf32, #tpu.memory_space<vmem>>[vector<16xi32>], vector<16xf32>,
          %mul3A_795 = arith.mulf %gather3A_794, %gather3A_782 : vector<16xf32>
          tpu.vector_store_idx %arg22[%add3A_793], %mul3A_795 {add = true} : memref<36864xf32, #tpu.memory_space<vmem>>[vector<16xi32>], vector<16xf32>,
          %add3A_796 = arith.constant 2 : i32
          %add3A_797 = vector.broadcast %add3A_796 : i32 to vector<16xi32>
          %add3A_798 = arith.addi %sub3A_788, %add3A_797 : vector<16xi32>
          %gather3A_799 = tpu.vector_load_idx %arg13[%add3A_781] : memref<2000xf32, #tpu.memory_space<vmem>>[vector<16xi32>], vector<16xf32>,
          %mul3A_800 = arith.mulf %gather3A_799, %gather3A_782 : vector<16xf32>
          tpu.vector_store_idx %arg22[%add3A_798], %mul3A_800 {add = true} : memref<36864xf32, #tpu.memory_space<vmem>>[vector<16xi32>], vector<16xf32>,
          %mul3A_801 = arith.constant 25 : i32
          %mul3A_802 = arith.muli %mul3A_801, %scan3A_226 : i32
          %add3A_803 = arith.constant 23 : i32
          %add3A_804 = arith.addi %mul3A_802, %add3A_803 : i32
          %add3A_805 = vector.broadcast %add3A_804 : i32 to vector<16xi32>
          %add3A_806 = arith.addi %add3A_219, %add3A_805 : vector<16xi32>
          %gather3A_807 = tpu.vector_load_idx %arg15[%add3A_806] : memref<2000xf32, #tpu.memory_space<vmem>>[vector<16xi32>], vector<16xf32>,
          %gather3A_808 = tpu.vector_load_idx %arg17[%add3A_806] : memref<2000xi32, #tpu.memory_space<vmem>>[vector<16xi32>], vector<16xi32>,
          %mul3A_809 = arith.constant 3 : i32
          %mul3A_810 = vector.broadcast %mul3A_809 : i32 to vector<16xi32>
          %mul3A_811 = arith.muli %gather3A_808, %mul3A_810 : vector<16xi32>
          %sub3A_812 = vector.broadcast %mul3A_30 : i32 to vector<16xi32>
          %sub3A_813 = arith.subi %mul3A_811, %sub3A_812 : vector<16xi32>
          %gather3A_814 = tpu.vector_load_idx %arg9[%add3A_806] : memref<2000xf32, #tpu.memory_space<vmem>>[vector<16xi32>], vector<16xf32>,
          %mul3A_815 = arith.mulf %gather3A_814, %gather3A_807 : vector<16xf32>
          tpu.vector_store_idx %arg22[%sub3A_813], %mul3A_815 {add = true} : memref<36864xf32, #tpu.memory_space<vmem>>[vector<16xi32>], vector<16xf32>,
          %add3A_816 = arith.constant 1 : i32
          %add3A_817 = vector.broadcast %add3A_816 : i32 to vector<16xi32>
          %add3A_818 = arith.addi %sub3A_813, %add3A_817 : vector<16xi32>
          %gather3A_819 = tpu.vector_load_idx %arg11[%add3A_806] : memref<2000xf32, #tpu.memory_space<vmem>>[vector<16xi32>], vector<16xf32>,
          %mul3A_820 = arith.mulf %gather3A_819, %gather3A_807 : vector<16xf32>
          tpu.vector_store_idx %arg22[%add3A_818], %mul3A_820 {add = true} : memref<36864xf32, #tpu.memory_space<vmem>>[vector<16xi32>], vector<16xf32>,
          %add3A_821 = arith.constant 2 : i32
          %add3A_822 = vector.broadcast %add3A_821 : i32 to vector<16xi32>
          %add3A_823 = arith.addi %sub3A_813, %add3A_822 : vector<16xi32>
          %gather3A_824 = tpu.vector_load_idx %arg13[%add3A_806] : memref<2000xf32, #tpu.memory_space<vmem>>[vector<16xi32>], vector<16xf32>,
          %mul3A_825 = arith.mulf %gather3A_824, %gather3A_807 : vector<16xf32>
          tpu.vector_store_idx %arg22[%add3A_823], %mul3A_825 {add = true} : memref<36864xf32, #tpu.memory_space<vmem>>[vector<16xi32>], vector<16xf32>,
          %mul3A_826 = arith.constant 25 : i32
          %mul3A_827 = arith.muli %mul3A_826, %scan3A_226 : i32
          %add3A_828 = arith.constant 24 : i32
          %add3A_829 = arith.addi %mul3A_827, %add3A_828 : i32
          %add3A_830 = vector.broadcast %add3A_829 : i32 to vector<16xi32>
          %add3A_831 = arith.addi %add3A_219, %add3A_830 : vector<16xi32>
          %gather3A_832 = tpu.vector_load_idx %arg15[%add3A_831] : memref<2000xf32, #tpu.memory_space<vmem>>[vector<16xi32>], vector<16xf32>,
          %gather3A_833 = tpu.vector_load_idx %arg17[%add3A_831] : memref<2000xi32, #tpu.memory_space<vmem>>[vector<16xi32>], vector<16xi32>,
          %mul3A_834 = arith.constant 3 : i32
          %mul3A_835 = vector.broadcast %mul3A_834 : i32 to vector<16xi32>
          %mul3A_836 = arith.muli %gather3A_833, %mul3A_835 : vector<16xi32>
          %sub3A_837 = vector.broadcast %mul3A_30 : i32 to vector<16xi32>
          %sub3A_838 = arith.subi %mul3A_836, %sub3A_837 : vector<16xi32>
          %gather3A_839 = tpu.vector_load_idx %arg9[%add3A_831] : memref<2000xf32, #tpu.memory_space<vmem>>[vector<16xi32>], vector<16xf32>,
          %mul3A_840 = arith.mulf %gather3A_839, %gather3A_832 : vector<16xf32>
          tpu.vector_store_idx %arg22[%sub3A_838], %mul3A_840 {add = true} : memref<36864xf32, #tpu.memory_space<vmem>>[vector<16xi32>], vector<16xf32>,
          %add3A_841 = arith.constant 1 : i32
          %add3A_842 = vector.broadcast %add3A_841 : i32 to vector<16xi32>
          %add3A_843 = arith.addi %sub3A_838, %add3A_842 : vector<16xi32>
          %gather3A_844 = tpu.vector_load_idx %arg11[%add3A_831] : memref<2000xf32, #tpu.memory_space<vmem>>[vector<16xi32>], vector<16xf32>,
          %mul3A_845 = arith.mulf %gather3A_844, %gather3A_832 : vector<16xf32>
          tpu.vector_store_idx %arg22[%add3A_843], %mul3A_845 {add = true} : memref<36864xf32, #tpu.memory_space<vmem>>[vector<16xi32>], vector<16xf32>,
          %add3A_846 = arith.constant 2 : i32
          %add3A_847 = vector.broadcast %add3A_846 : i32 to vector<16xi32>
          %add3A_848 = arith.addi %sub3A_838, %add3A_847 : vector<16xi32>
          %gather3A_849 = tpu.vector_load_idx %arg13[%add3A_831] : memref<2000xf32, #tpu.memory_space<vmem>>[vector<16xi32>], vector<16xf32>,
          %mul3A_850 = arith.mulf %gather3A_849, %gather3A_832 : vector<16xf32>
          tpu.vector_store_idx %arg22[%add3A_848], %mul3A_850 {add = true} : memref<36864xf32, #tpu.memory_space<vmem>>[vector<16xi32>], vector<16xf32>,
        }
        %scan3A_225 = arith.constant 5 : i32
      } else {
        %scan3A_214 = arith.constant 0 : i32
        %scan3A_215 = arith.constant 0 : i32
        %scan3A_216 = arith.constant 125 : i32
        %scan3A_217 = arith.addi %scan3A_215, %scan3A_216 : i32
        %scan3A_218 = arith.constant 1 : i32
        scf.for %scan3A_220 = %scan3A_215 to %scan3A_217 step %scan3A_218  : i32 {
          %mul3A_221 = arith.constant 16 : i32
          %mul3A_222 = arith.muli %mul3A_221, %scan3A_220 : i32
          %add3A_223 = arith.constant 0 : i32
          %add3A_224 = arith.addi %add3A_223, %mul3A_222 : i32
          %get3A_225 = arith.index_cast %add3A_224 : i32 to index
          %get3A_226 = tpu.vector_load %arg15[%get3A_225] {strides = array<i32>} : memref<2000xf32, #tpu.memory_space<vmem>>, vector<16xf32>,
          %add3A_227 = arith.constant 0 : i32
          %add3A_228 = arith.addi %add3A_227, %mul3A_222 : i32
          %get3A_229 = arith.index_cast %add3A_228 : i32 to index
          %get3A_230 = tpu.vector_load %arg17[%get3A_229] {strides = array<i32>} : memref<2000xi32, #tpu.memory_space<vmem>>, vector<16xi32>,
          %mul3A_231 = arith.constant 3 : i32
          %mul3A_232 = vector.broadcast %mul3A_231 : i32 to vector<16xi32>
          %mul3A_233 = arith.muli %get3A_230, %mul3A_232 : vector<16xi32>
          %add3A_234 = arith.constant 0 : i32
          %add3A_235 = arith.addi %add3A_234, %mul3A_222 : i32
          %get3A_236 = arith.index_cast %add3A_235 : i32 to index
          %get3A_237 = tpu.vector_load %arg9[%get3A_236] {strides = array<i32>} : memref<2000xf32, #tpu.memory_space<vmem>>, vector<16xf32>,
          %mul3A_238 = arith.mulf %get3A_237, %get3A_226 : vector<16xf32>
          %swap3A = arith.index_cast %mul3A_222 : i32 to index
          %swap3A_239 = tpu.vector_load %arg18[%swap3A] {strides = array<i32>} : memref<6000xf32, #tpu.memory_space<vmem>>, vector<16xf32>,
          tpu.vector_store %arg18[%swap3A], %mul3A_238 {strides = array<i32>} : memref<6000xf32, #tpu.memory_space<vmem>>, vector<16xf32>,
          %swap3A_240 = arith.index_cast %mul3A_222 : i32 to index
          %swap3A_241 = tpu.vector_load %arg19[%swap3A_240] {strides = array<i32>} : memref<6000xi32, #tpu.memory_space<vmem>>, vector<16xi32>,
          tpu.vector_store %arg19[%swap3A_240], %mul3A_233 {strides = array<i32>} : memref<6000xi32, #tpu.memory_space<vmem>>, vector<16xi32>,
          %add3A_242 = arith.constant 0 : i32
          %add3A_243 = arith.addi %add3A_242, %mul3A_222 : i32
          %get3A_244 = arith.index_cast %add3A_243 : i32 to index
          %get3A_245 = tpu.vector_load %arg11[%get3A_244] {strides = array<i32>} : memref<2000xf32, #tpu.memory_space<vmem>>, vector<16xf32>,
          %mul3A_246 = arith.mulf %get3A_245, %get3A_226 : vector<16xf32>
          %add3A_247 = arith.constant 2000 : i32
          %add3A_248 = arith.addi %add3A_247, %mul3A_222 : i32
          %swap3A_249 = arith.index_cast %add3A_248 : i32 to index
          %swap3A_250 = tpu.vector_load %arg18[%swap3A_249] {strides = array<i32>} : memref<6000xf32, #tpu.memory_space<vmem>>, vector<16xf32>,
          tpu.vector_store %arg18[%swap3A_249], %mul3A_246 {strides = array<i32>} : memref<6000xf32, #tpu.memory_space<vmem>>, vector<16xf32>,
          %add3A_251 = arith.constant 1 : i32
          %add3A_252 = vector.broadcast %add3A_251 : i32 to vector<16xi32>
          %add3A_253 = arith.addi %mul3A_233, %add3A_252 : vector<16xi32>
          %add3A_254 = arith.constant 2000 : i32
          %add3A_255 = arith.addi %add3A_254, %mul3A_222 : i32
          %swap3A_256 = arith.index_cast %add3A_255 : i32 to index
          %swap3A_257 = tpu.vector_load %arg19[%swap3A_256] {strides = array<i32>} : memref<6000xi32, #tpu.memory_space<vmem>>, vector<16xi32>,
          tpu.vector_store %arg19[%swap3A_256], %add3A_253 {strides = array<i32>} : memref<6000xi32, #tpu.memory_space<vmem>>, vector<16xi32>,
          %add3A_258 = arith.constant 0 : i32
          %add3A_259 = arith.addi %add3A_258, %mul3A_222 : i32
          %get3A_260 = arith.index_cast %add3A_259 : i32 to index
          %get3A_261 = tpu.vector_load %arg13[%get3A_260] {strides = array<i32>} : memref<2000xf32, #tpu.memory_space<vmem>>, vector<16xf32>,
          %mul3A_262 = arith.mulf %get3A_261, %get3A_226 : vector<16xf32>
          %add3A_263 = arith.constant 4000 : i32
          %add3A_264 = arith.addi %add3A_263, %mul3A_222 : i32
          %swap3A_265 = arith.index_cast %add3A_264 : i32 to index
          %swap3A_266 = tpu.vector_load %arg18[%swap3A_265] {strides = array<i32>} : memref<6000xf32, #tpu.memory_space<vmem>>, vector<16xf32>,
          tpu.vector_store %arg18[%swap3A_265], %mul3A_262 {strides = array<i32>} : memref<6000xf32, #tpu.memory_space<vmem>>, vector<16xf32>,
          %add3A_267 = arith.constant 2 : i32
          %add3A_268 = vector.broadcast %add3A_267 : i32 to vector<16xi32>
          %add3A_269 = arith.addi %mul3A_233, %add3A_268 : vector<16xi32>
          %add3A_270 = arith.constant 4000 : i32
          %add3A_271 = arith.addi %add3A_270, %mul3A_222 : i32
          %swap3A_272 = arith.index_cast %add3A_271 : i32 to index
          %swap3A_273 = tpu.vector_load %arg19[%swap3A_272] {strides = array<i32>} : memref<6000xi32, #tpu.memory_space<vmem>>, vector<16xi32>,
          tpu.vector_store %arg19[%swap3A_272], %add3A_269 {strides = array<i32>} : memref<6000xi32, #tpu.memory_space<vmem>>, vector<16xi32>,
        }
        %scan3A_219 = arith.constant 125 : i32
        "tpu.region"() ({
          %run_scoped3A = tpu.sem_alloc : memref<!tpu.dma_semaphore, #tpu.memory_space<semaphore_mem>>
          %dma_start3A_220 = arith.constant 0 : i32
          %dma_start3A_221 = tpu.memref_slice %arg23[%dma_start3A_220] : memref<300032xf32, #tpu.memory_space<vmem_shared>> -> memref<300032xf32, #tpu.memory_space<vmem_shared>>
          tpu.enqueue_indirect_dma source(%arg18 : memref<6000xf32, #tpu.memory_space<vmem>>) target(%dma_start3A_221 : memref<300032xf32, #tpu.memory_space<vmem_shared>>) offsets(%arg19 : memref<6000xi32, #tpu.memory_space<vmem>>) semaphore(%run_scoped3A : memref<!tpu.dma_semaphore, #tpu.memory_space<semaphore_mem>>) {add = true}
          %dma_wait3A_222 = arith.constant 0 : i32
          %dma_wait3A_223 = tpu.memref_slice %arg23[%dma_wait3A_222] : memref<300032xf32, #tpu.memory_space<vmem_shared>> -> memref<300032xf32, #tpu.memory_space<vmem_shared>>
          tpu.wait_indirect_dma semaphore(%run_scoped3A : memref<!tpu.dma_semaphore, #tpu.memory_space<semaphore_mem>>) src(%arg18 : memref<6000xf32, #tpu.memory_space<vmem>>) dst(%dma_wait3A_223 : memref<300032xf32, #tpu.memory_space<vmem_shared>>)
          tpu.yield
        }) : () -> ()
      }
    }
    %scan3A_47 = arith.constant 50 : i32
    %get3A_48 = arith.constant 1984 : index
    %get3A_49 = tpu.vector_load %arg17[%get3A_48] {strides = array<i32>} : memref<2000xi32, #tpu.memory_space<vmem>>, vector<16xi32>,
    %reduce_max3A = arith.constant true
    %reduce_max3A_50 = vector.broadcast %reduce_max3A : i1 to vector<16xi1>
    %reduce_max3A_51 = arith.constant -2147483648 : i32
    %reduce_max3A_52 = vector.broadcast %reduce_max3A_51 : i32 to vector<16xi32>
    %reduce_max3A_53 = arith.xori %get3A_49, %reduce_max3A_52 : vector<16xi32>
    %reduce_max3A_54 = tpu.scan <max>, %reduce_max3A_53 masked %reduce_max3A_50 : vector<16xi32>, vector<16xi1> -> vector<16xi32>
    %reduce_max3A_55 = arith.xori %reduce_max3A_54, %reduce_max3A_52 : vector<16xi32>
    %reduce_max3A_56 = vector.extract %reduce_max3A_55[15] : i32 from vector<16xi32>
    %sub3A = arith.subi %reduce_max3A_56, %reduce_min3A_28 : i32
    %add3A_57 = arith.constant 1 : i32
    %add3A_58 = arith.addi %sub3A, %add3A_57 : i32
    %mul3A_59 = arith.constant 3 : i32
    %mul3A_60 = arith.muli %add3A_58, %mul3A_59 : i32
    %min3A = arith.constant 36864 : i32
    %min3A_61 = arith.minsi %mul3A_60, %min3A : i32
    %add3A_62 = arith.constant 768 : i32
    %add3A_63 = arith.addi %min3A_61, %add3A_62 : i32
    %sub3A_64 = arith.constant 1 : i32
    %sub3A_65 = arith.subi %add3A_63, %sub3A_64 : i32
    %jit3A = arith.constant 768 : i32
    %div3A = arith.divsi %sub3A_65, %jit3A : i32
    %sign3A = arith.constant 0 : i32
    %sign3A_66 = arith.cmpi sgt, %sub3A_65, %sign3A : i32
    %sign3A_67 = arith.extui %sign3A_66 : i1 to i32
    %sign3A_68 = arith.constant 0 : i32
    %sign3A_69 = arith.cmpi slt, %sub3A_65, %sign3A_68 : i32
    %sign3A_70 = arith.extui %sign3A_69 : i1 to i32
    %sign3A_71 = arith.subi %sign3A_67, %sign3A_70 : i32
    %sign3A_72 = arith.constant 0 : i32
    %sign3A_73 = arith.cmpi sgt, %jit3A, %sign3A_72 : i32
    %sign3A_74 = arith.extui %sign3A_73 : i1 to i32
    %sign3A_75 = arith.constant 0 : i32
    %sign3A_76 = arith.cmpi slt, %jit3A, %sign3A_75 : i32
    %sign3A_77 = arith.extui %sign3A_76 : i1 to i32
    %sign3A_78 = arith.subi %sign3A_74, %sign3A_77 : i32
    %ne3A = arith.cmpi ne, %sign3A_71, %sign3A_78 : i32
    %rem3A = arith.remsi %sub3A_65, %jit3A : i32
    %ne3A_79 = arith.constant 0 : i32
    %ne3A_80 = arith.cmpi ne, %rem3A, %ne3A_79 : i32
    %and3A = arith.andi %ne3A, %ne3A_80 : i1
    %sub3A_81 = arith.constant 1 : i32
    %sub3A_82 = arith.subi %div3A, %sub3A_81 : i32
    %select_n3A = arith.select %and3A, %sub3A_82, %div3A : i32
    %while3A = arith.constant 0 : i32
    %while3A_83 = arith.constant 0 : i32
    %while3A_84 = arith.subi %select_n3A, %while3A_83 : i32
    %while3A_85 = arith.addi %while3A_83, %while3A_84 : i32
    %while3A_86 = arith.constant 1 : i32
    %while3A_87 = arith.divsi %while3A_84, %while3A_86 : i32
    %while3A_88 = arith.muli %while3A_87, %while3A_86 : i32
    %while3A_89 = arith.addi %while3A_83, %while3A_88 : i32
    %while3A_90 = arith.constant 1 : i32
    scf.for %while3A_115 = %while3A_83 to %while3A_89 step %while3A_90  : i32 {
      %mul3A_116 = arith.constant 768 : i32
      %mul3A_117 = arith.muli %mul3A_116, %while3A_115 : i32
      %scan3A_118 = arith.constant 0 : i32
      %scan3A_119 = arith.constant 0 : i32
      %scan3A_120 = arith.constant 48 : i32
      %scan3A_121 = arith.addi %scan3A_119, %scan3A_120 : i32
      %scan3A_122 = arith.constant 1 : i32
      scf.for %scan3A_124 = %scan3A_119 to %scan3A_121 step %scan3A_122  : i32 {
        %add3A_125 = arith.addi %mul3A_30, %mul3A_117 : i32
        %mul3A_126 = arith.constant 16 : i32
        %mul3A_127 = arith.muli %mul3A_126, %scan3A_124 : i32
        %add3A_128 = arith.addi %add3A_125, %mul3A_127 : i32
        %add3A_129 = vector.broadcast %add3A_128 : i32 to vector<16xi32>
        %add3A_130 = arith.addi %add3A_129, %iota3A : vector<16xi32>
        %min3A_131 = arith.constant 300031 : i32
        %min3A_132 = vector.broadcast %min3A_131 : i32 to vector<16xi32>
        %min3A_133 = arith.minsi %add3A_130, %min3A_132 : vector<16xi32>
        %mul3A_134 = arith.constant 16 : i32
        %mul3A_135 = arith.muli %mul3A_134, %scan3A_124 : i32
        %swap3A = arith.index_cast %mul3A_135 : i32 to index
        %swap3A_136 = tpu.vector_load %arg21[%swap3A] {strides = array<i32>} : memref<768xi32, #tpu.memory_space<vmem>>, vector<16xi32>,
        tpu.vector_store %arg21[%swap3A], %min3A_133 {strides = array<i32>} : memref<768xi32, #tpu.memory_space<vmem>>, vector<16xi32>,
      }
      %scan3A_123 = arith.constant 48 : i32
      "tpu.region"() ({
        %run_scoped3A = tpu.sem_alloc : memref<!tpu.dma_semaphore, #tpu.memory_space<semaphore_mem>>
        %dma_start3A_124 = tpu.memref_slice %arg22[%mul3A_117] : memref<36864xf32, #tpu.memory_space<vmem>> -> memref<768xf32, #tpu.memory_space<vmem>>
        %dma_start3A_125 = arith.constant 0 : i32
        %dma_start3A_126 = tpu.memref_slice %arg23[%dma_start3A_125] : memref<300032xf32, #tpu.memory_space<vmem_shared>> -> memref<300032xf32, #tpu.memory_space<vmem_shared>>
        tpu.enqueue_indirect_dma source(%dma_start3A_124 : memref<768xf32, #tpu.memory_space<vmem>>) target(%dma_start3A_126 : memref<300032xf32, #tpu.memory_space<vmem_shared>>) offsets(%arg21 : memref<768xi32, #tpu.memory_space<vmem>>) semaphore(%run_scoped3A : memref<!tpu.dma_semaphore, #tpu.memory_space<semaphore_mem>>) {add = true}
        %dma_wait3A = tpu.memref_slice %arg22[%mul3A_117] : memref<36864xf32, #tpu.memory_space<vmem>> -> memref<768xf32, #tpu.memory_space<vmem>>
        %dma_wait3A_127 = arith.constant 0 : i32
        %dma_wait3A_128 = tpu.memref_slice %arg23[%dma_wait3A_127] : memref<300032xf32, #tpu.memory_space<vmem_shared>> -> memref<300032xf32, #tpu.memory_space<vmem_shared>>
        tpu.wait_indirect_dma semaphore(%run_scoped3A : memref<!tpu.dma_semaphore, #tpu.memory_space<semaphore_mem>>) src(%dma_wait3A : memref<768xf32, #tpu.memory_space<vmem>>) dst(%dma_wait3A_128 : memref<300032xf32, #tpu.memory_space<vmem_shared>>)
        tpu.yield
      }) : () -> ()
    }
    %while3A_91 = arith.constant 1 : i32
    scf.for %while3A_115 = %while3A_89 to %while3A_85 step %while3A_91  : i32 {
      %mul3A_116 = arith.constant 768 : i32
      %mul3A_117 = arith.muli %mul3A_116, %while3A_115 : i32
      %scan3A_118 = arith.constant 0 : i32
      %scan3A_119 = arith.constant 0 : i32
      %scan3A_120 = arith.constant 48 : i32
      %scan3A_121 = arith.addi %scan3A_119, %scan3A_120 : i32
      %scan3A_122 = arith.constant 1 : i32
      scf.for %scan3A_124 = %scan3A_119 to %scan3A_121 step %scan3A_122  : i32 {
        %add3A_125 = arith.addi %mul3A_30, %mul3A_117 : i32
        %mul3A_126 = arith.constant 16 : i32
        %mul3A_127 = arith.muli %mul3A_126, %scan3A_124 : i32
        %add3A_128 = arith.addi %add3A_125, %mul3A_127 : i32
        %add3A_129 = vector.broadcast %add3A_128 : i32 to vector<16xi32>
        %add3A_130 = arith.addi %add3A_129, %iota3A : vector<16xi32>
        %min3A_131 = arith.constant 300031 : i32
        %min3A_132 = vector.broadcast %min3A_131 : i32 to vector<16xi32>
        %min3A_133 = arith.minsi %add3A_130, %min3A_132 : vector<16xi32>
        %mul3A_134 = arith.constant 16 : i32
        %mul3A_135 = arith.muli %mul3A_134, %scan3A_124 : i32
        %swap3A = arith.index_cast %mul3A_135 : i32 to index
        %swap3A_136 = tpu.vector_load %arg21[%swap3A] {strides = array<i32>} : memref<768xi32, #tpu.memory_space<vmem>>, vector<16xi32>,
        tpu.vector_store %arg21[%swap3A], %min3A_133 {strides = array<i32>} : memref<768xi32, #tpu.memory_space<vmem>>, vector<16xi32>,
      }
      %scan3A_123 = arith.constant 48 : i32
      "tpu.region"() ({
        %run_scoped3A = tpu.sem_alloc : memref<!tpu.dma_semaphore, #tpu.memory_space<semaphore_mem>>
        %dma_start3A_124 = tpu.memref_slice %arg22[%mul3A_117] : memref<36864xf32, #tpu.memory_space<vmem>> -> memref<768xf32, #tpu.memory_space<vmem>>
        %dma_start3A_125 = arith.constant 0 : i32
        %dma_start3A_126 = tpu.memref_slice %arg23[%dma_start3A_125] : memref<300032xf32, #tpu.memory_space<vmem_shared>> -> memref<300032xf32, #tpu.memory_space<vmem_shared>>
        tpu.enqueue_indirect_dma source(%dma_start3A_124 : memref<768xf32, #tpu.memory_space<vmem>>) target(%dma_start3A_126 : memref<300032xf32, #tpu.memory_space<vmem_shared>>) offsets(%arg21 : memref<768xi32, #tpu.memory_space<vmem>>) semaphore(%run_scoped3A : memref<!tpu.dma_semaphore, #tpu.memory_space<semaphore_mem>>) {add = true}
        %dma_wait3A = tpu.memref_slice %arg22[%mul3A_117] : memref<36864xf32, #tpu.memory_space<vmem>> -> memref<768xf32, #tpu.memory_space<vmem>>
        %dma_wait3A_127 = arith.constant 0 : i32
        %dma_wait3A_128 = tpu.memref_slice %arg23[%dma_wait3A_127] : memref<300032xf32, #tpu.memory_space<vmem_shared>> -> memref<300032xf32, #tpu.memory_space<vmem_shared>>
        tpu.wait_indirect_dma semaphore(%run_scoped3A : memref<!tpu.dma_semaphore, #tpu.memory_space<semaphore_mem>>) src(%dma_wait3A : memref<768xf32, #tpu.memory_space<vmem>>) dst(%dma_wait3A_128 : memref<300032xf32, #tpu.memory_space<vmem_shared>>)
        tpu.yield
      }) : () -> ()
    }
    %barrier3A_92 = arith.constant 0 : index
    tpu.barrier barrier_id(%barrier3A_92)
    %mul3A_93 = arith.constant 18752 : i32
    %mul3A_94 = arith.muli %arg1, %mul3A_93 : i32
    %add3A_95 = arith.constant 0 : i32
    %add3A_96 = arith.addi %mul3A_94, %add3A_95 : i32
    "tpu.region"() ({
      %run_scoped3A = tpu.sem_alloc : memref<!tpu.dma_semaphore, #tpu.memory_space<semaphore_mem>>
      %dma_start3A_115 = arith.constant 0 : i32
      %dma_start3A_116 = tpu.memref_slice %arg18[%dma_start3A_115] : memref<6000xf32, #tpu.memory_space<vmem>> -> memref<9376xf32, #tpu.memory_space<vmem>>
      %dma_start3A_117 = tpu.memref_slice %arg23[%add3A_96] : memref<300032xf32, #tpu.memory_space<vmem_shared>> -> memref<9376xf32, #tpu.memory_space<vmem_shared>>
      %dma_start3A_118 = arith.constant 0 : i32
      %dma_start3A_119 = tpu.memref_slice %arg18[%dma_start3A_118] : memref<6000xf32, #tpu.memory_space<vmem>> -> memref<9376xf32, #tpu.memory_space<vmem>>
      %dma_start3A_120 = tpu.memref_slice %arg23[%add3A_96] : memref<300032xf32, #tpu.memory_space<vmem_shared>> -> memref<9376xf32, #tpu.memory_space<vmem_shared>>
      tpu.enqueue_dma source(%dma_start3A_120 : memref<9376xf32, #tpu.memory_space<vmem_shared>>) target(%dma_start3A_119 : memref<9376xf32, #tpu.memory_space<vmem>>) target_semaphore(%run_scoped3A : memref<!tpu.dma_semaphore, #tpu.memory_space<semaphore_mem>>)
      %dma_wait3A = arith.constant 0 : i32
      %dma_wait3A_121 = tpu.memref_slice %arg18[%dma_wait3A] : memref<6000xf32, #tpu.memory_space<vmem>> -> memref<9376xf32, #tpu.memory_space<vmem>>
      %dma_wait3A_122 = tpu.memref_slice %arg23[%add3A_96] : memref<300032xf32, #tpu.memory_space<vmem_shared>> -> memref<9376xf32, #tpu.memory_space<vmem_shared>>
      %dma_wait3A_123 = arith.constant 0 : i32
      %dma_wait3A_124 = tpu.memref_slice %arg18[%dma_wait3A_123] : memref<6000xf32, #tpu.memory_space<vmem>> -> memref<9376xf32, #tpu.memory_space<vmem>>
      %dma_wait3A_125 = tpu.memref_slice %arg23[%add3A_96] : memref<300032xf32, #tpu.memory_space<vmem_shared>> -> memref<9376xf32, #tpu.memory_space<vmem_shared>>
      tpu.wait_dma2 semaphore(%run_scoped3A : memref<!tpu.dma_semaphore, #tpu.memory_space<semaphore_mem>>) src(%dma_wait3A_125 : memref<9376xf32, #tpu.memory_space<vmem_shared>>) dst(%dma_wait3A_124 : memref<9376xf32, #tpu.memory_space<vmem>>)
      tpu.yield
    }) : () -> ()
    %mul3A_97 = arith.constant 300032 : i32
    %mul3A_98 = arith.muli %arg0, %mul3A_97 : i32
    %mul3A_99 = arith.constant 18752 : i32
    %mul3A_100 = arith.muli %arg1, %mul3A_99 : i32
    %add3A_101 = arith.addi %mul3A_98, %mul3A_100 : i32
    %add3A_102 = arith.constant 0 : i32
    %add3A_103 = arith.addi %add3A_101, %add3A_102 : i32
    "tpu.region"() ({
      %run_scoped3A = tpu.sem_alloc : memref<!tpu.dma_semaphore, #tpu.memory_space<semaphore_mem>>
      %dma_start3A_115 = arith.constant 0 : i32
      %dma_start3A_116 = tpu.memref_slice %arg18[%dma_start3A_115] : memref<6000xf32, #tpu.memory_space<vmem>> -> memref<9376xf32, #tpu.memory_space<vmem>>
      %dma_start3A_117 = tpu.memref_slice %arg7[%add3A_103] : memref<600064xf32, #tpu.memory_space<hbm>> -> memref<9376xf32, #tpu.memory_space<hbm>>
      %dma_start3A_118 = tpu.memref_slice %arg7[%add3A_103] : memref<600064xf32, #tpu.memory_space<hbm>> -> memref<9376xf32, #tpu.memory_space<hbm>>
      %dma_start3A_119 = arith.constant 0 : i32
      %dma_start3A_120 = tpu.memref_slice %arg18[%dma_start3A_119] : memref<6000xf32, #tpu.memory_space<vmem>> -> memref<9376xf32, #tpu.memory_space<vmem>>
      tpu.enqueue_dma source(%dma_start3A_120 : memref<9376xf32, #tpu.memory_space<vmem>>) target(%dma_start3A_118 : memref<9376xf32, #tpu.memory_space<hbm>>) target_semaphore(%run_scoped3A : memref<!tpu.dma_semaphore, #tpu.memory_space<semaphore_mem>>)
      %dma_wait3A = arith.constant 0 : i32
      %dma_wait3A_121 = tpu.memref_slice %arg18[%dma_wait3A] : memref<6000xf32, #tpu.memory_space<vmem>> -> memref<9376xf32, #tpu.memory_space<vmem>>
      %dma_wait3A_122 = tpu.memref_slice %arg7[%add3A_103] : memref<600064xf32, #tpu.memory_space<hbm>> -> memref<9376xf32, #tpu.memory_space<hbm>>
      %dma_wait3A_123 = tpu.memref_slice %arg7[%add3A_103] : memref<600064xf32, #tpu.memory_space<hbm>> -> memref<9376xf32, #tpu.memory_space<hbm>>
      %dma_wait3A_124 = arith.constant 0 : i32
      %dma_wait3A_125 = tpu.memref_slice %arg18[%dma_wait3A_124] : memref<6000xf32, #tpu.memory_space<vmem>> -> memref<9376xf32, #tpu.memory_space<vmem>>
      tpu.wait_dma2 semaphore(%run_scoped3A : memref<!tpu.dma_semaphore, #tpu.memory_space<semaphore_mem>>) src(%dma_wait3A_125 : memref<9376xf32, #tpu.memory_space<vmem>>) dst(%dma_wait3A_123 : memref<9376xf32, #tpu.memory_space<hbm>>)
      tpu.yield
    }) : () -> ()
    %mul3A_104 = arith.constant 18752 : i32
    %mul3A_105 = arith.muli %arg1, %mul3A_104 : i32
    %add3A_106 = arith.constant 9376 : i32
    %add3A_107 = arith.addi %mul3A_105, %add3A_106 : i32
    "tpu.region"() ({
      %run_scoped3A = tpu.sem_alloc : memref<!tpu.dma_semaphore, #tpu.memory_space<semaphore_mem>>
      %dma_start3A_115 = arith.constant 0 : i32
      %dma_start3A_116 = tpu.memref_slice %arg18[%dma_start3A_115] : memref<6000xf32, #tpu.memory_space<vmem>> -> memref<9376xf32, #tpu.memory_space<vmem>>
      %dma_start3A_117 = tpu.memref_slice %arg23[%add3A_107] : memref<300032xf32, #tpu.memory_space<vmem_shared>> -> memref<9376xf32, #tpu.memory_space<vmem_shared>>
      %dma_start3A_118 = arith.constant 0 : i32
      %dma_start3A_119 = tpu.memref_slice %arg18[%dma_start3A_118] : memref<6000xf32, #tpu.memory_space<vmem>> -> memref<9376xf32, #tpu.memory_space<vmem>>
      %dma_start3A_120 = tpu.memref_slice %arg23[%add3A_107] : memref<300032xf32, #tpu.memory_space<vmem_shared>> -> memref<9376xf32, #tpu.memory_space<vmem_shared>>
      tpu.enqueue_dma source(%dma_start3A_120 : memref<9376xf32, #tpu.memory_space<vmem_shared>>) target(%dma_start3A_119 : memref<9376xf32, #tpu.memory_space<vmem>>) target_semaphore(%run_scoped3A : memref<!tpu.dma_semaphore, #tpu.memory_space<semaphore_mem>>)
      %dma_wait3A = arith.constant 0 : i32
      %dma_wait3A_121 = tpu.memref_slice %arg18[%dma_wait3A] : memref<6000xf32, #tpu.memory_space<vmem>> -> memref<9376xf32, #tpu.memory_space<vmem>>
      %dma_wait3A_122 = tpu.memref_slice %arg23[%add3A_107] : memref<300032xf32, #tpu.memory_space<vmem_shared>> -> memref<9376xf32, #tpu.memory_space<vmem_shared>>
      %dma_wait3A_123 = arith.constant 0 : i32
      %dma_wait3A_124 = tpu.memref_slice %arg18[%dma_wait3A_123] : memref<6000xf32, #tpu.memory_space<vmem>> -> memref<9376xf32, #tpu.memory_space<vmem>>
      %dma_wait3A_125 = tpu.memref_slice %arg23[%add3A_107] : memref<300032xf32, #tpu.memory_space<vmem_shared>> -> memref<9376xf32, #tpu.memory_space<vmem_shared>>
      tpu.wait_dma2 semaphore(%run_scoped3A : memref<!tpu.dma_semaphore, #tpu.memory_space<semaphore_mem>>) src(%dma_wait3A_125 : memref<9376xf32, #tpu.memory_space<vmem_shared>>) dst(%dma_wait3A_124 : memref<9376xf32, #tpu.memory_space<vmem>>)
      tpu.yield
    }) : () -> ()
    %mul3A_108 = arith.constant 300032 : i32
    %mul3A_109 = arith.muli %arg0, %mul3A_108 : i32
    %mul3A_110 = arith.constant 18752 : i32
    %mul3A_111 = arith.muli %arg1, %mul3A_110 : i32
    %add3A_112 = arith.addi %mul3A_109, %mul3A_111 : i32
    %add3A_113 = arith.constant 9376 : i32
    %add3A_114 = arith.addi %add3A_112, %add3A_113 : i32
    "tpu.region"() ({
      %run_scoped3A = tpu.sem_alloc : memref<!tpu.dma_semaphore, #tpu.memory_space<semaphore_mem>>
      %dma_start3A_115 = arith.constant 0 : i32
      %dma_start3A_116 = tpu.memref_slice %arg18[%dma_start3A_115] : memref<6000xf32, #tpu.memory_space<vmem>> -> memref<9376xf32, #tpu.memory_space<vmem>>
      %dma_start3A_117 = tpu.memref_slice %arg7[%add3A_114] : memref<600064xf32, #tpu.memory_space<hbm>> -> memref<9376xf32, #tpu.memory_space<hbm>>
      %dma_start3A_118 = tpu.memref_slice %arg7[%add3A_114] : memref<600064xf32, #tpu.memory_space<hbm>> -> memref<9376xf32, #tpu.memory_space<hbm>>
      %dma_start3A_119 = arith.constant 0 : i32
      %dma_start3A_120 = tpu.memref_slice %arg18[%dma_start3A_119] : memref<6000xf32, #tpu.memory_space<vmem>> -> memref<9376xf32, #tpu.memory_space<vmem>>
      tpu.enqueue_dma source(%dma_start3A_120 : memref<9376xf32, #tpu.memory_space<vmem>>) target(%dma_start3A_118 : memref<9376xf32, #tpu.memory_space<hbm>>) target_semaphore(%run_scoped3A : memref<!tpu.dma_semaphore, #tpu.memory_space<semaphore_mem>>)
      %dma_wait3A = arith.constant 0 : i32
      %dma_wait3A_121 = tpu.memref_slice %arg18[%dma_wait3A] : memref<6000xf32, #tpu.memory_space<vmem>> -> memref<9376xf32, #tpu.memory_space<vmem>>
      %dma_wait3A_122 = tpu.memref_slice %arg7[%add3A_114] : memref<600064xf32, #tpu.memory_space<hbm>> -> memref<9376xf32, #tpu.memory_space<hbm>>
      %dma_wait3A_123 = tpu.memref_slice %arg7[%add3A_114] : memref<600064xf32, #tpu.memory_space<hbm>> -> memref<9376xf32, #tpu.memory_space<hbm>>
      %dma_wait3A_124 = arith.constant 0 : i32
      %dma_wait3A_125 = tpu.memref_slice %arg18[%dma_wait3A_124] : memref<6000xf32, #tpu.memory_space<vmem>> -> memref<9376xf32, #tpu.memory_space<vmem>>
      tpu.wait_dma2 semaphore(%run_scoped3A : memref<!tpu.dma_semaphore, #tpu.memory_space<semaphore_mem>>) src(%dma_wait3A_125 : memref<9376xf32, #tpu.memory_space<vmem>>) dst(%dma_wait3A_123 : memref<9376xf32, #tpu.memory_space<hbm>>)
      tpu.yield
    }) : () -> ()
    return
  }
}

module attributes {stable_mosaic.version = 14 : i64} {
  func.func @_merge_kernel(%arg0: memref<2x2344x128xf32, #tpu.memory_space<vmem>>, %arg1: memref<2344x128xf32, #tpu.memory_space<vmem>>) attributes {dimension_semantics = [], scalar_prefetch = 0 : i64, scratch_operands = 0 : i64, tpu.core_type = #tpu.core_type<tc>} {
    %get3A = arith.constant 0 : index
    %get3A_0 = arith.constant 0 : index
    %get3A_1 = arith.constant 0 : index
    %get3A_2 = vector.load %arg0[%get3A, %get3A_0, %get3A_1] : memref<2x2344x128xf32, #tpu.memory_space<vmem>>, vector<1x2344x128xf32>
    %get3A_3 = vector.shape_cast %get3A_2 : vector<1x2344x128xf32> to vector<2344x128xf32>
    %get3A_4 = arith.constant 1 : index
    %get3A_5 = arith.constant 0 : index
    %get3A_6 = arith.constant 0 : index
    %get3A_7 = vector.load %arg0[%get3A_4, %get3A_5, %get3A_6] : memref<2x2344x128xf32, #tpu.memory_space<vmem>>, vector<1x2344x128xf32>
    %get3A_8 = vector.shape_cast %get3A_7 : vector<1x2344x128xf32> to vector<2344x128xf32>
    %add3A = arith.addf %get3A_3, %get3A_8 : vector<2344x128xf32>
    %jit3A = arith.constant 0.000000e+00 : f32
    %jit3A_9 = arith.constant 1.000000e+00 : f32
    %max3A = vector.broadcast %jit3A : f32 to vector<2344x128xf32>
    %max3A_10 = arith.maximumf %max3A, %add3A : vector<2344x128xf32>
    %min3A = vector.broadcast %jit3A_9 : f32 to vector<2344x128xf32>
    %min3A_11 = arith.minimumf %min3A, %max3A_10 : vector<2344x128xf32>
    %swap3A = arith.constant 0 : index
    %swap3A_12 = arith.constant 0 : index
    %swap3A_13 = vector.load %arg1[%swap3A, %swap3A_12] : memref<2344x128xf32, #tpu.memory_space<vmem>>, vector<2344x128xf32>
    tpu.vector_store %arg1[%swap3A, %swap3A_12], %min3A_11 {strides = array<i32>} : memref<2344x128xf32, #tpu.memory_space<vmem>>, vector<2344x128xf32>,
    return
  }
}

</mosaic_0001>

<sc_bundles>
// kernel: kernel.4.cloned.1.call-start
scs
__scs_entry_jumppad:
0x0: {  	(pc) =	sbr.rel $0x88, $3  }
0x1: {  	(tag) =	ssettag $0x0;
	lr =	simm.s32 $0x1  }
0x2: {  	[smem:$0x3F9E] =	sst lr;
	_ =	strace $0xD0000000  }
0x3: {  	_ = 	snop  }
0x4: {  	_ = 	snop  }
0x5: {  	_ = 	snop  }
0x6: {  	_ = 	snop  }
0x7: {  	_ = 	snop  }
__scs_overlays_trampoline_lowered:
0x8: {  	[smem:$0x3FAD] =	sst s0  }
0x9: {  	[smem:$0x3FAE] =	sst s1  }
0xa: {  	[smem:$0x3FAF] =	sst s2  }
0xb: {  	[smem:$0x3FB0] =	sst s3  }
0xc: {  	[smem:$0x3FB1] =	sst s4  }
0xd: {  	[smem:$0x3FB2] =	sst s5  }
0xe: {  	[smem:$0x3FB3] =	sst s6  }
0xf: {  	[smem:$0x3FB4] =	sst s7  }
0x10: {  	[smem:$0x3FB5] =	sst s8  }
0x11: {  	[smem:$0x3FB6] =	sst s9;
	s0 =	simm.s32 @!p0 $0x0  }
0x12: {  	s1 =	sld [smem:$0x3F9C];
	s0 =	simm.s32 @p0 $0x1  }
0x13: {  	[smem:$0x3FB7] =	sst s0;
	s0 =	simm.s32 @!p1 $0x0  }
0x14: {  	s2 =	sld [smem:$0x3F9B];
	s0 =	simm.s32 @p1 $0x1  }
0x15: {  	[smem:$0x3FB8] =	sst s0;
	s0 =	simm.s32 @!p2 $0x0  }
0x16: {  	s3 =	sld [smem:$0x3FDB];
	s0 =	simm.s32 @p2 $0x1  }
0x17: {  	s4 =	simm.s32 $0x1BF5;
	[smem:$0x3FBA] =	sst s0  }
0x18: {  	s0 =	sld [smem:$0x3F9D];
	_ =	swait.ge [sflag:s4], $0x0  }
0x19: {  	s7 =	sld [smem:$0x3F9E]  }
0x1a: {  	s8 =	sadd.s32 $0xFFFFE003, lr  }
0x1b: {  	s9 =	sadd.s32 $0xFFFFFEF7, lr;
	s5 =	simm.s32 $0xFFFFFFFF;
	p2 =	slt.u32 s8, $0xFFFFF086  }
0x1c: {  	p1 =	slt.u32 s9, $0xF7A;
	s5 =	simm.s32 @!p2 $0x0  }
0x1d: {  	s5 =	simm.s32 @p1 $0x1;
	p0 =	seq.s32 s7, s2  }
0x1e: {  	s7 =	smul.u32 @!p0 $0xF7A, s2;
	p2 =	seq.s32 @!p0 s5, $0x0  }
0x1f: {  	s9 =	smul.u32 $0xF7A, s1;
	s8 =	simm.s32 @!p0 $0x1BF5;
	p2 =	por !p2, p0  }
0x20: {  	[sflag:s8] =	ssyncset.s32 @!p0 $0xFFFFF086;
	s6 =	sadd.s32 @!p0 s3, s7;
	s7 =	simm.s32 @!p0 $0x108  }
0x21: {  	s3 =	sadd.s32 s3, s9;
	s6 =	sadd.s32 @!p0 $0x88, s6;
	s7 =	simm.s32 @p2 $0x1082  }
0x22: {  	[simem:s7], [sflag:s8] =	dma.local @!p0 [hbm:s6], $0xF7A  }
0x23: {  	s9 =	sor.u32 $0xD0000000, s2;
	s6 =	simm.s32 $0x108;
	_ =	swait.ge @!p0 [sflag:s8], $0x0  }
0x24: {  	s3 =	sadd.s32 $0x88, s3;
	s6 =	simm.s32 @!p1 $0x1082;
	[sflag:s4] =	ssyncset.s32 $0xFFFFF086  }
0x25: {  	[simem:s6], [sflag:s4] =	dma.local [hbm:s3], $0xF7A  }
0x26: {  	[smem:$0x3F9E] =	sst s1;
	(tag) =	ssettag s2;
	_ =	strace s9  }
0x27: {  	s1 =	sld [smem:$0x3FAE]  }
0x28: {  	s2 =	sld [smem:$0x3FAF]  }
0x29: {  	s4 =	sld [smem:$0x3FB1]  }
0x2a: {  	p0 =	seq.s32 s5, $0x0;
	s5 =	sld [smem:$0x3FB2]  }
0x2b: {  	s6 =	sld [smem:$0x3FB3]  }
0x2c: {  	s7 =	sld [smem:$0x3FB4]  }
0x2d: {  	s3 =	simm.s32 $0x108;
	s8 =	sld [smem:$0x3FB5]  }
0x2e: {  	s3 =	simm.s32 @!p0 $0x1082;
	s9 =	sld [smem:$0x3FB6]  }
0x2f: {  	lr =	sadd.s32 s0, s3;
	s0 =	sld [smem:$0x3FAD]  }
0x30: {  	s3 =	sld [smem:$0x3FB0]  }
0x31: {  	[smem:$0x3FB9] =	sst s10  }
0x32: {  	s10 =	sld [smem:$0x3FB7];
	_ =	sdelay $0x3  }
0x33: {  	p0 =	seq.s32 s10, $0x1;
	s10 =	sld [smem:$0x3FB9];
	_ =	sdelay $0x3  }
0x34: {  	[smem:$0x3FB9] =	sst s10  }
0x35: {  	s10 =	sld [smem:$0x3FB8];
	_ =	sdelay $0x3  }
0x36: {  	p1 =	seq.s32 s10, $0x1;
	s10 =	sld [smem:$0x3FB9];
	_ =	sdelay $0x3  }
0x37: {  	[smem:$0x3FB9] =	sst s10  }
0x38: {  	s10 =	sld [smem:$0x3FBA]  }
0x39: {  	_ = 	snop;
	(pc) =	sbr.ind lr, $3  }
0x3a: {  	_ = 	snop  }
0x3b: {  	_ = 	snop  }
0x3c: {  	p2 =	seq.s32 s10, $0x1;
	s10 =	sld [smem:$0x3FB9]  }
0x3d: {  	_ =	shalt  }
0x3e: {  	_ =	shalt  }
0x3f: {  	_ =	shalt  }
0x40: {  	_ =	shalt  }
0x41: {  	_ =	shalt  }
0x42: {  	_ =	shalt  }
0x43: {  	_ =	shalt  }
0x44: {  	_ =	shalt  }
0x45: {  	_ =	shalt  }
0x46: {  	_ =	shalt  }
0x47: {  	_ =	shalt  }
0x48: {  	_ =	shalt  }
0x49: {  	_ =	shalt  }
0x4a: {  	_ =	shalt  }
0x4b: {  	_ =	shalt  }
0x4c: {  	_ =	shalt  }
0x4d: {  	_ =	shalt  }
0x4e: {  	_ =	shalt  }
0x4f: {  	_ =	shalt  }
0x50: {  	_ =	shalt  }
0x51: {  	_ =	shalt  }
0x52: {  	_ =	shalt  }
0x53: {  	_ =	shalt  }
0x54: {  	_ =	shalt  }
0x55: {  	_ =	shalt  }
0x56: {  	_ =	shalt  }
0x57: {  	_ =	shalt  }
0x58: {  	_ =	shalt  }
0x59: {  	_ =	shalt  }
0x5a: {  	_ =	shalt  }
0x5b: {  	_ =	shalt  }
0x5c: {  	_ =	shalt  }
0x5d: {  	_ =	shalt  }
0x5e: {  	_ =	shalt  }
0x5f: {  	_ =	shalt  }
0x60: {  	_ =	shalt  }
0x61: {  	_ =	shalt  }
0x62: {  	_ =	shalt  }
0x63: {  	_ =	shalt  }
0x64: {  	_ =	shalt  }
0x65: {  	_ =	shalt  }
0x66: {  	_ =	shalt  }
0x67: {  	_ =	shalt  }
0x68: {  	_ =	shalt  }
0x69: {  	_ =	shalt  }
0x6a: {  	_ =	shalt  }
0x6b: {  	_ =	shalt  }
0x6c: {  	_ =	shalt  }
0x6d: {  	_ =	shalt  }
0x6e: {  	_ =	shalt  }
0x6f: {  	_ =	shalt  }
0x70: {  	_ =	shalt  }
0x71: {  	_ =	shalt  }
0x72: {  	_ =	shalt  }
0x73: {  	_ =	shalt  }
0x74: {  	_ =	shalt  }
0x75: {  	_ =	shalt  }
0x76: {  	_ =	shalt  }
0x77: {  	_ =	shalt  }
0x78: {  	_ =	shalt  }
0x79: {  	_ =	shalt  }
0x7a: {  	_ =	shalt  }
0x7b: {  	_ =	shalt  }
0x7c: {  	_ =	shalt  }
0x7d: {  	_ =	shalt  }
0x7e: {  	_ =	shalt  }
0x7f: {  	_ =	shalt  }
0x80: {  	_ =	shalt  }
0x81: {  	_ =	shalt  }
0x82: {  	_ =	shalt  }
0x83: {  	_ =	shalt  }
0x84: {  	_ =	shalt  }
0x85: {  	_ =	shalt  }
0x86: {  	_ =	shalt  }
0x87: {  	_ =	shalt  }
.Lfunc_end0:
.L_simem_size_0:
called_computation_lowered:
.L_overlay_start_0:
0x88: {  	s2 =	sld [smem:$0x3FD9]  }
0x89: {  	s3 =	sld [smem:$0x3FFE];
	_ =	sdelay $0x1  }
0x8a: {  	s1 =	srdreg.scid  }
0x8b: {  	s0 =	sand.u32 $0x1, s1  }
0x8c: {  	s17 =	sshll.u32 s0, $0xA;
	s2 =	sadd.s32 s3, s2  }
0x8d: {  	s2 =	sadd.s32 s2, s17  }
0x8e: {  	[smem:$0x3FC5] =	sst s2  }
0x8f: {  	_ = 	snop  }
0x90: {  	s2 =	sld [smem:$0x3FC8]  }
0x91: {  	s18 =	sld [smem:$0x3FC7];
	(tm) =	ssettm $0x1  }
0x92: {  	s4 =	sld [smem:$0x3FFB];
	_ =	sdelay $0x3  }
0x93: {  	_ =	strace s4  }
0x94: {  	s4 =	sld [smem:$0x3FFC];
	_ =	sdelay $0x3  }
0x95: {  	_ =	strace s4  }
0x96: {  	s4 =	sld [smem:$0x3FFD];
	_ =	sdelay $0x3  }
0x97: {  	_ =	strace s4  }
0x98: {  	_ =	strace $0x8FFFFFFF  }
0x99: {  	s19 =	sld [smem:$0x3FDB];
	_ =	sdelay $0x1  }
0x9a: {  	s5 =	simm.s32 $_scs_section_size  }
0x9b: {  	s6 =	simm.s32 $_size__tile_overlayer_lowered;
	s7 =	simm.s32 $_tile_overlayer_lowered  }
0x9c: {  	s22 =	simm.s32 $0x1BFF;
	s21 =	sshll.u32 s7, $0x1;
	s4 =	sadd.s32 s5, s19  }
0x9d: {  	s8 =	simm.s32 $0x0;
	s20 =	sshll.u32 s6, $0x1;
	s6 =	sadd.s32 s21, s4  }
0x9e: {  	[timem:s8], [sflag:s22] =	dma.local [hbm:s6], s20  }
0x9f: {  	_ =	swait.ge [sflag:s22], s20  }
0xa0: {  	s5 =	ssub.s32 $0x0, s20;
	[sflag:s22] =	ssyncset.done $0x0  }
0xa1: {  	[sflag:s22] =	ssyncadd.s32 s5;
	_ =	sdelay $0x1  }
0xa2: {  	s23 =	simm.s32 $0x1B8B  }
0xa3: {  	_ =	swait.ge [sflag:s23], $0x1  }
0xa4: {  	[sflag:s23] =	ssyncset.done $0x0  }
0xa5: {  	s25 =	simm.s32 $0x1B8E;
	s24 =	sld [smem:$0x3FFE];
	[sflag:s23] =	ssyncadd.s32 $0xFFFFFFFF  }
0xa6: {  	s26 =	simm.s32 $execute0_lowered;
	[smem:$0x3FD2] =	sst s25  }
0xa7: {  	s6 =	sshll.u32 s26, $0x1;
	_ =	strace $0x80000046;
	[dreg:$0x1] =	wrdreg $0xFFFFFFFF  }
0xa8: {  	s28 =	simm.s32 $_size_execute0_lowered;
	s4 =	sadd.s32 s4, s6;
	[dreg:$0x0] =	wrdreg $0x0  }
0xa9: {  	s6 =	sshll.u32 s28, $0x1;
	[dreg:$0x2] =	wrdreg s4  }
0xaa: {  	[dreg:$0x3] =	wrdreg s6  }
0xab: {  	[dreg:$0x4] =	wrdreg $0xC0  }
0xac: {  	_ =	task [dreg:s8], $0x5FFFF  }
0xad: {  	[dreg:$0x1] =	wrdreg $0xFFFFFFFF  }
0xae: {  	[dreg:$0x0] =	wrdreg $0x60  }
0xaf: {  	[dreg:$0x2] =	wrdreg s24  }
0xb0: {  	[dreg:$0x3] =	wrdreg s2  }
0xb1: {  	[dreg:$0x4] =	wrdreg s18  }
0xb2: {  	[dreg:$0x5] =	wrdreg $0x112800  }
0xb3: {  	[dreg:$0x6] =	wrdreg $0x9  }
0xb4: {  	_ =	task.clear_ibuf [dreg:s8], $0x7FFFF;
	_ =	strace $0x90000046  }
0xb5: {  	s29 =	simm.s32 $0x9;
	_ =	strace $0x80000048  }
0xb6: {  	_ =	swait.ge [sflag:s29], $0x1  }
0xb7: {  	[sflag:s29] =	ssyncadd.s32 $0xFFFFFFFF  }
0xb8: {  	_ =	strace $0x90000048  }
0xb9: {  	_ =	sfence  }
0xba: {  	s30 =	sld [smem:$0x0];
	_ =	sdelay $0x2  }
0xbb: {  	s31 =	sshll.u32 s1, $0xD;
	s1 =	sshrl.u32 s1, $0x2  }
0xbc: {  	s3 =	sand.u32 $0x4000, s31;
	s1 =	sadd.s32 s1, s30  }
0xbd: {  	s0 =	sor.u32 s3, s0;
	s1 =	sshll.u32 s1, $0x11  }
0xbe: {  	s0 =	sor.u32 s1, s0  }
0xbf: {  	s0 =	sadd.s32 $0x8F2B, s0  }
0xc0: {  	[sflag:s0] =	ssyncadd.remote.s32 $0x1  }
0xc1: {  	_ =	sfence.sel $0xFFFF  }
0xc2: {  	[dreg:$0x0] =	wrdreg $0xFFFFFFFF;
	(pc) =	sbr.abs _section_cstart, $3  }
0xc3: {  	[dreg:$0x1] =	wrdreg $0xFFFFFFFF  }
0xc4: {  	_ =	task.clear_ibuf [dreg:s8], $0x2FFFF;
	_ =	strace $0x9FFFFFFF  }
0xc5: {  	(tm) =	ssettm $0x7FFFFFFF  }
tec
execute0_lowered:
.L_overlay_start_1:
0x0: {  	(tag) =	ssettag $0x1  }
0x1: {  	s0 =	rddreg [dreg:$0x0]  }
0x2: {  	s1 =	rddreg [dreg:$0x1]  }
0x3: {  	s3 =	rddreg [dreg:$0x2]  }
0x4: {  	s4 =	rddreg [dreg:$0x3]  }
0x5: {  	s2 =	srdreg.scid;
	s11 =	stileid.u32  }
0x6: {  	s5 =	simm.s32 $0x0;
	s28 =	simm.s32 $0x4000;
	s29 =	simm.s32 $0x1  }
0x7: {  	s30 =	simm.s32 $0x800;
	s31 =	simm.s32 $0x1800;
	s12 =	simm.s32 $0x8280  }
0x8: {  	s13 =	simm.s32 $0x2;
	s2 =	sand.u32 $0x1, s2;
	s9 =	smul.u32 $0x4940, s11  }
0x9: {  	[smem:$0x7FF] =	sst s5;
	s6 =	sadd.s32 $0x187400, s0;
	s7 =	smul.u32 $0x49400, s2  }
0xa: {  	_ =	strace $0x80000047;
	s8 =	sshll.u32 s2, $0x4;
	s2 =	ssub.s32 $0x2, s2  }
0xb: {  	s8 =	sor.u32 s11, s8;
	s19 =	sshrl.u32 s2, $0x1;
	s14 =	sadd.s32 s9, s4  }
0xc: {  	s10 =	sadd.s32 s9, s7;
	s7 =	sadd.s32 $0xC3E00, s0;
	s11 =	smul.u32 $0x30D40, s8  }
0xd: {  	s2 =	ssub.s32 s2, s19;
	s15 =	sadd.s32 $0x24A0, s14;
	[dreg:$0x5] =	wrdreg s14  }
0xe: {  	s26 =	smax.u32 s2, $0x1;
	[dreg:$0x6] =	wrdreg s15;
	s20 =	sshrl.u32 s11, $0x3  }
0xf: {  	s8 =	sadd.s32 $0x800, s0;
	[dreg:$0xe] =	wrdreg s26;
	s21 =	sadd.s32 s3, s20  }
0x10: {  	s10 =	sshrl.u32 s10, $0x3;
	s22 =	sadd.s32 s6, s20;
	[dreg:$0x7] =	wrdreg s21  }
0x11: {  	s2 =	simm.s32 $0x3800;
	s23 =	sadd.s32 s7, s20;
	[dreg:$0x8] =	wrdreg s22  }
0x12: {  	s0 =	sadd.s32 s10, s0;
	s24 =	sadd.s32 s8, s20;
	[dreg:$0x9] =	wrdreg s23  }
0x13: {  	s16 =	sadd.s32 $0x7D0, s11;
	s9 =	sadd.s32 s1, s20;
	[dreg:$0xa] =	wrdreg s24  }
.Ltmp0:
0x14: {  	s25 =	sadd.s32 $0x24AA00, s0;
	[dreg:$0xb] =	wrdreg s9;
	(pc) =	sbr.rel .LBB2_1-.Ltmp0, $4  }
0x15: {  	s17 =	sadd.s32 $0xFA0, s11;
	s0 =	sadd.s32 $0x24AE94, s0;
	[dreg:$0xc] =	wrdreg s25  }
0x16: {  	s26 =	simm.s32 $0x3000;
	s10 =	simm.s32 $0x0;
	[dreg:$0xd] =	wrdreg s0  }
0x17: {  	v0 =	vlaneseq.u32;
	s21 =	simm.s32 $0x5000;
	s22 =	simm.s32 $0x3;
	s24 =	simm.s32 $0x1000  }
0x18: {  	v1 =	vimm.f32 $0.0e+00;
	v2 =	vmul.u32 $0x7D, v0;
	s25 =	simm.s32 $0x2000;
	s0 =	simm.s32 $0x2800;
	s23 =	simm.s32 $0x4800  }
.LBB2_21:
0x19: {  	[bflag:$0x0] =	sbarrier.arrive $0xFFFF  }
0x1a: {  	s14 =	rddreg [dreg:$0x5]  }
0x1b: {  	[tilespmem:s21], [sflag:$0x3] =	stream.linear.gather [spmem:s14], $0x24A0, $0x38;
	[tilespmem:$0x15BC0] =	vst v63  }
0x1c: {  	_ =	swait.ge [sflag:s22], $0x24A0  }
0x1d: {  	[sflag:s22] =	ssyncset.done $0x0  }
0x1e: {  	s9 =	rddreg [dreg:$0xc];
	[sflag:s22] =	ssyncadd.s32 $0xFFFFDB60  }
0x1f: {  	[hbm4b:s9+s5] =	stream.linear.scatter [tilespmem:s21], [sflag:$0x3], $0x24A0, $0x38;
	[tilespmem:$0x15BC0] =	vst v63  }
0x20: {  	_ =	swait.ge [sflag:s22], $0x24A0  }
0x21: {  	[sflag:s22] =	ssyncset.done $0x0  }
0x22: {  	s15 =	rddreg [dreg:$0x6];
	[sflag:s22] =	ssyncadd.s32 $0xFFFFDB60  }
0x23: {  	[tilespmem:s21], [sflag:$0x3] =	stream.linear.gather [spmem:s15], $0x24A0, $0x38;
	[tilespmem:$0x15BC0] =	vst v63  }
0x24: {  	_ =	swait.ge [sflag:s22], $0x24A0  }
0x25: {  	[sflag:s22] =	ssyncset.done $0x0  }
0x26: {  	s19 =	rddreg [dreg:$0xd];
	[sflag:s22] =	ssyncadd.s32 $0xFFFFDB60  }
0x27: {  	[hbm4b:s19+s5] =	stream.linear.scatter [tilespmem:s21], [sflag:$0x3], $0x24A0, $0x38;
	[tilespmem:$0x15BC0] =	vst v63  }
0x28: {  	_ =	swait.ge [sflag:s22], $0x24A0  }
0x29: {  	s10 =	rddreg [dreg:$0xf]  }
0x2a: {  	s20 =	rddreg [dreg:$0xe];
	s10 =	sadd.s32 $0x1, s10  }
0x2b: {  	p0 =	sne.s32 s10, s20  }
.Ltmp1:
0x2c: {  	_ = 	snop;
	(pc) =	sbr.rel @!p0 .LBB2_22-.Ltmp1, $3  }
0x2d: {  	_ =	sdelay $0x1  }
0x2e: {  	[sflag:s22] =	ssyncset.done $0x0  }
0x2f: {  	[sflag:s22] =	ssyncadd.s32 $0xFFFFDB60  }
.LBB2_1:
0x30: {  	[dreg:$0xf] =	wrdreg s10;
	s9 =	simm.s32 $0x0  }
.LBB2_2:
0x31: {  	p0 =	sne.s32 s9, $0x23FC0  }
.Ltmp2:
0x32: {  	_ = 	snop;
	(pc) =	sbr.rel @p0 .LBB2_2-.Ltmp2, $3  }
0x33: {  	_ =	sdelay $0x1  }
0x34: {  	s10 =	sshra.s32 s9, $0x2  }
0x35: {  	s9 =	sadd.s32 $0x40, s9;
	[tilespmem:s10+$0x8280] =	vst v1  }
0x36: {  	s9 =	simm.s32 $0x40;
	s10 =	simm.s32 $0x0  }
.LBB2_4:
0x37: {  	p0 =	sne.s32 s9, $0x9240;
	[tilespmem:s10+$0x5000] =	vst v1;
	s10 =	smov.u32 s9;
	s9 =	sadd.s32 $0x40, s9  }
.Ltmp3:
0x38: {  	(pc) =	sbr.rel @p0 .LBB2_4-.Ltmp3, $2  }
0x39: {  	_ =	sdelay $0x2  }
0x3a: {  	s10 =	sshra.s32 s10, $0x2  }
0x3b: {  	[tilespmem:s10+$0x5000] =	vst v1  }
0x3c: {  	[spmem:s14] =	stream.linear.scatter [tilespmem:s21], [sflag:$0x3], $0x24A0, $0x38;
	[tilespmem:$0x15BC0] =	vst v63  }
0x3d: {  	_ =	swait.ge [sflag:s22], $0x24A0  }
0x3e: {  	[sflag:s22] =	ssyncset.done $0x0  }
0x3f: {  	[sflag:s22] =	ssyncadd.s32 $0xFFFFDB60  }
0x40: {  	[spmem:s15] =	stream.linear.scatter [tilespmem:s21], [sflag:$0x3], $0x24A0, $0x38;
	[tilespmem:$0x15BC0] =	vst v63  }
0x41: {  	_ =	swait.ge [sflag:s22], $0x24A0  }
0x42: {  	[sflag:s22] =	ssyncset.done $0x0  }
0x43: {  	[sflag:s22] =	ssyncadd.s32 $0xFFFFDB60  }
0x44: {  	[bflag:$0x0] =	sbarrier.arrive $0xFFFF  }
0x45: {  	s9 =	simm.s32 $0x0;
	s11 =	simm.s32 $0x7F00;
	s14 =	rddreg [dreg:$0x7]  }
0x46: {  	[tilespmem:s11], [sflag:$0x3] =	stream.linear.gather [hbm4b:s14+s9], $0x10, $0x38;
	[tilespmem:$0x15BC0] =	vst v63  }
0x47: {  	_ =	swait.ge [sflag:s22], $0x10  }
0x48: {  	[sflag:s22] =	ssyncset.done $0x0  }
0x49: {  	[sflag:s22] =	ssyncadd.s32 $0xFFFFFFF0  }
0x4a: {  	v3 =	vld [tilespmem:$0x7F00];
	_ =	sdelay $0x4  }
0x4b: {  	v3 =	vxor.u32 $0x80000000, v3  }
0x4c: {  	(xrf0) =	vmin.scan.msk.u32 $0xffff, v3;
	_ =	sdelay $0x5  }
0x4d: {  	v3, _, _ =	vpop (xrf0)  }
0x4e: {  	(v2sf) =	vpush v3, $0xF;
	_ =	sdelay $0x6  }
0x4f: {  	s15 =	rddreg [dreg:$0x8]  }
0x50: {  	[tilespmem:s9], [sflag:$0x1] =	stream.linear.gather [hbm4b:s15+s9], $0x7D0, $0x38;
	[tilespmem:$0x15BC0] =	vst v63  }
0x51: {  	s18 =	rddreg [dreg:$0x9]  }
0x52: {  	[tilespmem:s24], [sflag:$0x1] =	stream.linear.gather [hbm4b:s18+s9], $0x7D0, $0x38;
	[tilespmem:$0x15BC0] =	vst v63  }
0x53: {  	s11 =	rddreg [dreg:$0xa]  }
0x54: {  	[tilespmem:s25], [sflag:$0x1] =	stream.linear.gather [hbm4b:s11+s9], $0x7D0, $0x38;
	[tilespmem:$0x15BC0] =	vst v63  }
0x55: {  	s20 =	rddreg [dreg:$0xb]  }
0x56: {  	[tilespmem:s26], [sflag:$0x1] =	stream.linear.gather [hbm4b:s20+s9], $0x7D0, $0x38;
	[tilespmem:$0x15BC0] =	vst v63  }
.Ltmp4:
0x57: {  	s19 =	spop (v2sf);
	(pc) =	sbr.rel .LBB2_6-.Ltmp4, $4  }
0x58: {  	s10 =	sxor.u32 $0x80000000, s19  }
0x59: {  	s11 =	smul.u32 $0x3, s10  }
0x5a: {  	[tilespmem:s28], [sflag:$0x1] =	stream.linear.gather [hbm4b:s14+s9], $0x7D0, $0x38;
	[tilespmem:$0x15BC0] =	vst v63  }
0x5b: {  	s14 =	simm.s32 $0x0;
	v3 =	vmov s11  }
.LBB2_16:
0x5c: {  	s14 =	sadd.s32 $0x1, s14  }
0x5d: {  	p0 =	sne.s32 s14, $0x32  }
.Ltmp5:
0x5e: {  	_ = 	snop;
	(pc) =	sbr.rel @!p0 .LBB2_17-.Ltmp5, $1  }
0x5f: {  	_ =	sdelay $0x3  }
.LBB2_6:
0x60: {  	_ =	swait.ge [sflag:s29], $0x7D0  }
0x61: {  	[sflag:s29] =	ssyncset.done $0x0  }
0x62: {  	[sflag:s29] =	ssyncadd.s32 $0xFFFFF830  }
0x63: {  	_ =	swait.ge [sflag:s29], $0x7D0  }
0x64: {  	[sflag:s29] =	ssyncset.done $0x0  }
0x65: {  	[sflag:s29] =	ssyncadd.s32 $0xFFFFF830  }
0x66: {  	_ =	swait.ge [sflag:s29], $0x7D0  }
0x67: {  	[sflag:s29] =	ssyncset.done $0x0  }
0x68: {  	[sflag:s29] =	ssyncadd.s32 $0xFFFFF830  }
0x69: {  	_ =	swait.ge [sflag:s29], $0x7D0  }
0x6a: {  	s15 =	smul.u32 $0xFA0, s14;
	[sflag:s29] =	ssyncset.done $0x0  }
0x6b: {  	[sflag:s29] =	ssyncadd.s32 $0xFFFFF830  }
0x6c: {  	s18 =	sadd.s32 s15, s16;
	_ =	swait.ge [sflag:s29], $0x7D0  }
0x6d: {  	s18 =	sshrl.u32 s18, $0x3;
	[sflag:s29] =	ssyncset.done $0x0  }
0x6e: {  	s19 =	sadd.s32 s6, s18;
	[sflag:s29] =	ssyncadd.s32 $0xFFFFF830  }
0x6f: {  	[tilespmem:s30], [sflag:$0x2] =	stream.linear.gather [hbm4b:s19+s9], $0x7D0, $0x38;
	[tilespmem:$0x15BC0] =	vst v63  }
0x70: {  	s20 =	sadd.s32 s7, s18  }
0x71: {  	[tilespmem:s31], [sflag:$0x2] =	stream.linear.gather [hbm4b:s20+s9], $0x7D0, $0x38;
	[tilespmem:$0x15BC0] =	vst v63  }
0x72: {  	s20 =	sadd.s32 s8, s18  }
0x73: {  	[tilespmem:s0], [sflag:$0x2] =	stream.linear.gather [hbm4b:s20+s9], $0x7D0, $0x38;
	[tilespmem:$0x15BC0] =	vst v63  }
0x74: {  	s20 =	sadd.s32 s1, s18  }
0x75: {  	[tilespmem:s2], [sflag:$0x2] =	stream.linear.gather [hbm4b:s20+s9], $0x7D0, $0x38;
	[tilespmem:$0x15BC0] =	vst v63  }
0x76: {  	s18 =	sadd.s32 s3, s18  }
0x77: {  	[tilespmem:s23], [sflag:$0x2] =	stream.linear.gather [hbm4b:s18+s9], $0x7D0, $0x38;
	[tilespmem:$0x15BC0] =	vst v63  }
0x78: {  	v4 =	vld [tilespmem:$0x47C0];
	_ =	sdelay $0x4  }
0x79: {  	v4 =	vxor.u32 $0x80000000, v4  }
0x7a: {  	(xrf0) =	vmax.scan.msk.u32 $0xffff, v4;
	_ =	sdelay $0x5  }
0x7b: {  	v4, _, _ =	vpop (xrf0)  }
0x7c: {  	(v2sf) =	vpush v4, $0xF;
	_ =	sdelay $0xe  }
0x7d: {  	s20 =	spop (v2sf)  }
0x7e: {  	s18 =	sxor.u32 $0x80000000, s20  }
0x7f: {  	s18 =	ssub.s32 s18, s10  }
0x80: {  	s18 =	smul.u32 $0x3, s18;
	_ =	sdelay $0x1  }
0x81: {  	s18 =	sadd.s32 $0x2, s18  }
0x82: {  	p0 =	sgt.s32 s18, $0x8FFF  }
.Ltmp6:
0x83: {  	_ = 	snop;
	(pc) =	sbr.rel @p0 .LBB2_8-.Ltmp6, $2  }
0x84: {  	_ =	sdelay $0x2  }
0x85: {  	s18 =	simm.s32 $0x18  }
.LBB2_7:
0x86: {  	s19 =	sadd.s32 $0xFFFFFFE8, s18  }
0x87: {  	v4 =	vadd.s32 s19, v2;
	_ =	sdelay $0x4  }
0x88: {  	v5 =	vld.idx.msk [tilespmem:v4+s28+$0x0], $0xffff;
	_ =	sdelay $0x3  }
0x89: {  	v6 =	vld.idx.msk [tilespmem:v4+s26+$0x0], $0xffff  }
0x8a: {  	v7 =	vld.idx.msk [tilespmem:v4+s5+$0x0], $0xffff;
	v5 =	vmul.u32 $0x3, v5;
	_ =	sdelay $0x1  }
0x8b: {  	v5 =	vsub.s32 v5, v3;
	_ =	sdelay $0x2  }
0x8c: {  	v7 =	vmul.f32 v7, v6;
	_ =	sdelay $0x1  }
0x8d: {  	[tilespmem:v5+s12+$0x0] =	vst.idx.add.f32.msk $0xffff, v7  }
0x8e: {  	v7 =	vld.idx.msk [tilespmem:v4+s24+$0x0], $0xffff;
	_ =	sdelay $0x1  }
0x8f: {  	v8 =	vadd.s32 $0x1, v5;
	_ =	sdelay $0x2  }
0x90: {  	v7 =	vmul.f32 v7, v6;
	_ =	sdelay $0x1  }
0x91: {  	[tilespmem:v8+s12+$0x0] =	vst.idx.add.f32.msk $0xffff, v7  }
0x92: {  	v4 =	vld.idx.msk [tilespmem:v4+s25+$0x0], $0xffff;
	_ =	sdelay $0x1  }
0x93: {  	s20 =	sadd.s32 $0xFFFFFFE9, s18;
	v5 =	vadd.s32 $0x2, v5  }
0x94: {  	v45 =	vadd.s32 s20, v2;
	_ =	sdelay $0x1  }
0x95: {  	v4 =	vmul.f32 v4, v6;
	_ =	sdelay $0x1  }
0x96: {  	[tilespmem:v5+s12+$0x0] =	vst.idx.add.f32.msk $0xffff, v4  }
0x97: {  	v4 =	vld.idx.msk [tilespmem:v45+s28+$0x0], $0xffff;
	_ =	sdelay $0x3  }
0x98: {  	v5 =	vld.idx.msk [tilespmem:v45+s26+$0x0], $0xffff  }
0x99: {  	v46 =	vld.idx.msk [tilespmem:v45+s5+$0x0], $0xffff;
	v4 =	vmul.u32 $0x3, v4;
	_ =	sdelay $0x1  }
0x9a: {  	v4 =	vsub.s32 v4, v3;
	_ =	sdelay $0x2  }
0x9b: {  	v6 =	vmul.f32 v46, v5;
	_ =	sdelay $0x1  }
0x9c: {  	[tilespmem:v4+s12+$0x0] =	vst.idx.add.f32.msk $0xffff, v6  }
0x9d: {  	v6 =	vld.idx.msk [tilespmem:v45+s24+$0x0], $0xffff;
	_ =	sdelay $0x1  }
0x9e: {  	v47 =	vadd.s32 $0x1, v4;
	_ =	sdelay $0x2  }
0x9f: {  	v6 =	vmul.f32 v6, v5;
	_ =	sdelay $0x1  }
0xa0: {  	[tilespmem:v47+s12+$0x0] =	vst.idx.add.f32.msk $0xffff, v6  }
0xa1: {  	v6 =	vld.idx.msk [tilespmem:v45+s25+$0x0], $0xffff;
	_ =	sdelay $0x1  }
0xa2: {  	s20 =	sadd.s32 $0xFFFFFFEA, s18;
	v4 =	vadd.s32 $0x2, v4  }
0xa3: {  	v48 =	vadd.s32 s20, v2;
	_ =	sdelay $0x1  }
0xa4: {  	v5 =	vmul.f32 v6, v5;
	_ =	sdelay $0x1  }
0xa5: {  	[tilespmem:v4+s12+$0x0] =	vst.idx.add.f32.msk $0xffff, v5  }
0xa6: {  	v4 =	vld.idx.msk [tilespmem:v48+s28+$0x0], $0xffff;
	_ =	sdelay $0x3  }
0xa7: {  	v5 =	vld.idx.msk [tilespmem:v48+s26+$0x0], $0xffff  }
0xa8: {  	v49 =	vld.idx.msk [tilespmem:v48+s5+$0x0], $0xffff;
	v4 =	vmul.u32 $0x3, v4;
	_ =	sdelay $0x1  }
0xa9: {  	v4 =	vsub.s32 v4, v3;
	_ =	sdelay $0x2  }
0xaa: {  	v6 =	vmul.f32 v49, v5;
	_ =	sdelay $0x1  }
0xab: {  	[tilespmem:v4+s12+$0x0] =	vst.idx.add.f32.msk $0xffff, v6  }
0xac: {  	v6 =	vld.idx.msk [tilespmem:v48+s24+$0x0], $0xffff;
	_ =	sdelay $0x1  }
0xad: {  	v50 =	vadd.s32 $0x1, v4;
	_ =	sdelay $0x2  }
0xae: {  	v6 =	vmul.f32 v6, v5;
	_ =	sdelay $0x1  }
0xaf: {  	[tilespmem:v50+s12+$0x0] =	vst.idx.add.f32.msk $0xffff, v6  }
0xb0: {  	v6 =	vld.idx.msk [tilespmem:v48+s25+$0x0], $0xffff;
	_ =	sdelay $0x1  }
0xb1: {  	s20 =	sadd.s32 $0xFFFFFFEB, s18;
	v4 =	vadd.s32 $0x2, v4  }
0xb2: {  	v51 =	vadd.s32 s20, v2;
	_ =	sdelay $0x1  }
0xb3: {  	v5 =	vmul.f32 v6, v5;
	_ =	sdelay $0x1  }
0xb4: {  	[tilespmem:v4+s12+$0x0] =	vst.idx.add.f32.msk $0xffff, v5  }
0xb5: {  	v4 =	vld.idx.msk [tilespmem:v51+s28+$0x0], $0xffff;
	_ =	sdelay $0x3  }
0xb6: {  	v5 =	vld.idx.msk [tilespmem:v51+s26+$0x0], $0xffff  }
0xb7: {  	v52 =	vld.idx.msk [tilespmem:v51+s5+$0x0], $0xffff;
	v4 =	vmul.u32 $0x3, v4;
	_ =	sdelay $0x1  }
0xb8: {  	v4 =	vsub.s32 v4, v3;
	_ =	sdelay $0x2  }
0xb9: {  	v6 =	vmul.f32 v52, v5;
	_ =	sdelay $0x1  }
0xba: {  	[tilespmem:v4+s12+$0x0] =	vst.idx.add.f32.msk $0xffff, v6  }
0xbb: {  	v6 =	vld.idx.msk [tilespmem:v51+s24+$0x0], $0xffff;
	_ =	sdelay $0x1  }
0xbc: {  	v53 =	vadd.s32 $0x1, v4;
	_ =	sdelay $0x2  }
0xbd: {  	v6 =	vmul.f32 v6, v5;
	_ =	sdelay $0x1  }
0xbe: {  	[tilespmem:v53+s12+$0x0] =	vst.idx.add.f32.msk $0xffff, v6  }
0xbf: {  	v6 =	vld.idx.msk [tilespmem:v51+s25+$0x0], $0xffff;
	_ =	sdelay $0x1  }
0xc0: {  	s20 =	sadd.s32 $0xFFFFFFEC, s18;
	v4 =	vadd.s32 $0x2, v4  }
0xc1: {  	v54 =	vadd.s32 s20, v2;
	_ =	sdelay $0x1  }
0xc2: {  	v5 =	vmul.f32 v6, v5;
	_ =	sdelay $0x1  }
0xc3: {  	[tilespmem:v4+s12+$0x0] =	vst.idx.add.f32.msk $0xffff, v5  }
0xc4: {  	v4 =	vld.idx.msk [tilespmem:v54+s28+$0x0], $0xffff;
	_ =	sdelay $0x3  }
0xc5: {  	v5 =	vld.idx.msk [tilespmem:v54+s26+$0x0], $0xffff  }
0xc6: {  	v55 =	vld.idx.msk [tilespmem:v54+s5+$0x0], $0xffff;
	v4 =	vmul.u32 $0x3, v4;
	_ =	sdelay $0x1  }
0xc7: {  	v4 =	vsub.s32 v4, v3;
	_ =	sdelay $0x2  }
0xc8: {  	v6 =	vmul.f32 v55, v5;
	_ =	sdelay $0x1  }
0xc9: {  	[tilespmem:v4+s12+$0x0] =	vst.idx.add.f32.msk $0xffff, v6  }
0xca: {  	v6 =	vld.idx.msk [tilespmem:v54+s24+$0x0], $0xffff;
	_ =	sdelay $0x1  }
0xcb: {  	v56 =	vadd.s32 $0x1, v4;
	_ =	sdelay $0x2  }
0xcc: {  	v6 =	vmul.f32 v6, v5;
	_ =	sdelay $0x1  }
0xcd: {  	[tilespmem:v56+s12+$0x0] =	vst.idx.add.f32.msk $0xffff, v6  }
0xce: {  	v6 =	vld.idx.msk [tilespmem:v54+s25+$0x0], $0xffff;
	_ =	sdelay $0x1  }
0xcf: {  	s20 =	sadd.s32 $0xFFFFFFED, s18;
	v4 =	vadd.s32 $0x2, v4  }
0xd0: {  	v57 =	vadd.s32 s20, v2;
	_ =	sdelay $0x1  }
0xd1: {  	v5 =	vmul.f32 v6, v5;
	_ =	sdelay $0x1  }
0xd2: {  	[tilespmem:v4+s12+$0x0] =	vst.idx.add.f32.msk $0xffff, v5  }
0xd3: {  	v4 =	vld.idx.msk [tilespmem:v57+s28+$0x0], $0xffff;
	_ =	sdelay $0x3  }
0xd4: {  	v5 =	vld.idx.msk [tilespmem:v57+s26+$0x0], $0xffff  }
0xd5: {  	v58 =	vld.idx.msk [tilespmem:v57+s5+$0x0], $0xffff;
	v4 =	vmul.u32 $0x3, v4;
	_ =	sdelay $0x1  }
0xd6: {  	v4 =	vsub.s32 v4, v3;
	_ =	sdelay $0x2  }
0xd7: {  	v6 =	vmul.f32 v58, v5;
	_ =	sdelay $0x1  }
0xd8: {  	[tilespmem:v4+s12+$0x0] =	vst.idx.add.f32.msk $0xffff, v6  }
0xd9: {  	v6 =	vld.idx.msk [tilespmem:v57+s24+$0x0], $0xffff;
	_ =	sdelay $0x1  }
0xda: {  	v59 =	vadd.s32 $0x1, v4;
	_ =	sdelay $0x2  }
0xdb: {  	v6 =	vmul.f32 v6, v5;
	_ =	sdelay $0x1  }
0xdc: {  	[tilespmem:v59+s12+$0x0] =	vst.idx.add.f32.msk $0xffff, v6  }
0xdd: {  	v6 =	vld.idx.msk [tilespmem:v57+s25+$0x0], $0xffff;
	_ =	sdelay $0x1  }
0xde: {  	s20 =	sadd.s32 $0xFFFFFFEE, s18;
	v4 =	vadd.s32 $0x2, v4  }
0xdf: {  	v60 =	vadd.s32 s20, v2;
	_ =	sdelay $0x1  }
0xe0: {  	v5 =	vmul.f32 v6, v5;
	_ =	sdelay $0x1  }
0xe1: {  	[tilespmem:v4+s12+$0x0] =	vst.idx.add.f32.msk $0xffff, v5  }
0xe2: {  	v4 =	vld.idx.msk [tilespmem:v60+s28+$0x0], $0xffff;
	_ =	sdelay $0x3  }
0xe3: {  	v5 =	vld.idx.msk [tilespmem:v60+s26+$0x0], $0xffff  }
0xe4: {  	v61 =	vld.idx.msk [tilespmem:v60+s5+$0x0], $0xffff;
	v4 =	vmul.u32 $0x3, v4;
	_ =	sdelay $0x1  }
0xe5: {  	v4 =	vsub.s32 v4, v3;
	_ =	sdelay $0x2  }
0xe6: {  	v6 =	vmul.f32 v61, v5;
	_ =	sdelay $0x1  }
0xe7: {  	[tilespmem:v4+s12+$0x0] =	vst.idx.add.f32.msk $0xffff, v6  }
0xe8: {  	v6 =	vld.idx.msk [tilespmem:v60+s24+$0x0], $0xffff;
	_ =	sdelay $0x1  }
0xe9: {  	v62 =	vadd.s32 $0x1, v4;
	_ =	sdelay $0x2  }
0xea: {  	v6 =	vmul.f32 v6, v5;
	_ =	sdelay $0x1  }
0xeb: {  	[tilespmem:v62+s12+$0x0] =	vst.idx.add.f32.msk $0xffff, v6  }
0xec: {  	v6 =	vld.idx.msk [tilespmem:v60+s25+$0x0], $0xffff;
	_ =	sdelay $0x1  }
0xed: {  	s20 =	sadd.s32 $0xFFFFFFEF, s18;
	v4 =	vadd.s32 $0x2, v4  }
0xee: {  	v63 =	vadd.s32 s20, v2;
	_ =	sdelay $0x1  }
0xef: {  	v5 =	vmul.f32 v6, v5;
	_ =	sdelay $0x1  }
0xf0: {  	[tilespmem:v4+s12+$0x0] =	vst.idx.add.f32.msk $0xffff, v5  }
0xf1: {  	v4 =	vld.idx.msk [tilespmem:v63+s28+$0x0], $0xffff;
	_ =	sdelay $0x3  }
0xf2: {  	v5 =	vld.idx.msk [tilespmem:v63+s26+$0x0], $0xffff  }
0xf3: {  	v11 =	vld.idx.msk [tilespmem:v63+s5+$0x0], $0xffff;
	v4 =	vmul.u32 $0x3, v4;
	_ =	sdelay $0x1  }
0xf4: {  	v4 =	vsub.s32 v4, v3;
	_ =	sdelay $0x2  }
0xf5: {  	v6 =	vmul.f32 v11, v5;
	_ =	sdelay $0x1  }
0xf6: {  	[tilespmem:v4+s12+$0x0] =	vst.idx.add.f32.msk $0xffff, v6  }
0xf7: {  	v6 =	vld.idx.msk [tilespmem:v63+s24+$0x0], $0xffff;
	_ =	sdelay $0x1  }
0xf8: {  	v12 =	vadd.s32 $0x1, v4;
	_ =	sdelay $0x2  }
0xf9: {  	v6 =	vmul.f32 v6, v5;
	_ =	sdelay $0x1  }
0xfa: {  	[tilespmem:v12+s12+$0x0] =	vst.idx.add.f32.msk $0xffff, v6  }
0xfb: {  	v6 =	vld.idx.msk [tilespmem:v63+s25+$0x0], $0xffff;
	_ =	sdelay $0x1  }
0xfc: {  	s20 =	sadd.s32 $0xFFFFFFF0, s18;
	v4 =	vadd.s32 $0x2, v4  }
0xfd: {  	v13 =	vadd.s32 s20, v2;
	_ =	sdelay $0x1  }
0xfe: {  	v5 =	vmul.f32 v6, v5;
	_ =	sdelay $0x1  }
0xff: {  	[tilespmem:v4+s12+$0x0] =	vst.idx.add.f32.msk $0xffff, v5  }
0x100: {  	v4 =	vld.idx.msk [tilespmem:v13+s28+$0x0], $0xffff;
	_ =	sdelay $0x3  }
0x101: {  	v5 =	vld.idx.msk [tilespmem:v13+s26+$0x0], $0xffff  }
0x102: {  	v14 =	vld.idx.msk [tilespmem:v13+s5+$0x0], $0xffff;
	v4 =	vmul.u32 $0x3, v4;
	_ =	sdelay $0x1  }
0x103: {  	v4 =	vsub.s32 v4, v3;
	_ =	sdelay $0x2  }
0x104: {  	v6 =	vmul.f32 v14, v5;
	_ =	sdelay $0x1  }
0x105: {  	[tilespmem:v4+s12+$0x0] =	vst.idx.add.f32.msk $0xffff, v6  }
0x106: {  	v6 =	vld.idx.msk [tilespmem:v13+s24+$0x0], $0xffff;
	_ =	sdelay $0x1  }
0x107: {  	v15 =	vadd.s32 $0x1, v4;
	_ =	sdelay $0x2  }
0x108: {  	v6 =	vmul.f32 v6, v5;
	_ =	sdelay $0x1  }
0x109: {  	[tilespmem:v15+s12+$0x0] =	vst.idx.add.f32.msk $0xffff, v6  }
0x10a: {  	v6 =	vld.idx.msk [tilespmem:v13+s25+$0x0], $0xffff;
	_ =	sdelay $0x1  }
0x10b: {  	s20 =	sadd.s32 $0xFFFFFFF1, s18;
	v4 =	vadd.s32 $0x2, v4  }
0x10c: {  	v16 =	vadd.s32 s20, v2;
	_ =	sdelay $0x1  }
0x10d: {  	v5 =	vmul.f32 v6, v5;
	_ =	sdelay $0x1  }
0x10e: {  	[tilespmem:v4+s12+$0x0] =	vst.idx.add.f32.msk $0xffff, v5  }
0x10f: {  	v4 =	vld.idx.msk [tilespmem:v16+s28+$0x0], $0xffff;
	_ =	sdelay $0x3  }
0x110: {  	v5 =	vld.idx.msk [tilespmem:v16+s26+$0x0], $0xffff  }
0x111: {  	v17 =	vld.idx.msk [tilespmem:v16+s5+$0x0], $0xffff;
	v4 =	vmul.u32 $0x3, v4;
	_ =	sdelay $0x1  }
0x112: {  	v4 =	vsub.s32 v4, v3;
	_ =	sdelay $0x2  }
0x113: {  	v6 =	vmul.f32 v17, v5;
	_ =	sdelay $0x1  }
0x114: {  	[tilespmem:v4+s12+$0x0] =	vst.idx.add.f32.msk $0xffff, v6  }
0x115: {  	v6 =	vld.idx.msk [tilespmem:v16+s24+$0x0], $0xffff;
	_ =	sdelay $0x1  }
0x116: {  	v18 =	vadd.s32 $0x1, v4;
	_ =	sdelay $0x2  }
0x117: {  	v6 =	vmul.f32 v6, v5;
	_ =	sdelay $0x1  }
0x118: {  	[tilespmem:v18+s12+$0x0] =	vst.idx.add.f32.msk $0xffff, v6  }
0x119: {  	v6 =	vld.idx.msk [tilespmem:v16+s25+$0x0], $0xffff;
	_ =	sdelay $0x1  }
0x11a: {  	s20 =	sadd.s32 $0xFFFFFFF2, s18;
	v4 =	vadd.s32 $0x2, v4  }
0x11b: {  	v19 =	vadd.s32 s20, v2;
	_ =	sdelay $0x1  }
0x11c: {  	v5 =	vmul.f32 v6, v5;
	_ =	sdelay $0x1  }
0x11d: {  	[tilespmem:v4+s12+$0x0] =	vst.idx.add.f32.msk $0xffff, v5  }
0x11e: {  	v4 =	vld.idx.msk [tilespmem:v19+s28+$0x0], $0xffff;
	_ =	sdelay $0x3  }
0x11f: {  	v5 =	vld.idx.msk [tilespmem:v19+s26+$0x0], $0xffff  }
0x120: {  	v20 =	vld.idx.msk [tilespmem:v19+s5+$0x0], $0xffff;
	v4 =	vmul.u32 $0x3, v4;
	_ =	sdelay $0x1  }
0x121: {  	v4 =	vsub.s32 v4, v3;
	_ =	sdelay $0x2  }
0x122: {  	v6 =	vmul.f32 v20, v5;
	_ =	sdelay $0x1  }
0x123: {  	[tilespmem:v4+s12+$0x0] =	vst.idx.add.f32.msk $0xffff, v6  }
0x124: {  	v6 =	vld.idx.msk [tilespmem:v19+s24+$0x0], $0xffff;
	_ =	sdelay $0x1  }
0x125: {  	v21 =	vadd.s32 $0x1, v4;
	_ =	sdelay $0x2  }
0x126: {  	v6 =	vmul.f32 v6, v5;
	_ =	sdelay $0x1  }
0x127: {  	[tilespmem:v21+s12+$0x0] =	vst.idx.add.f32.msk $0xffff, v6  }
0x128: {  	v6 =	vld.idx.msk [tilespmem:v19+s25+$0x0], $0xffff;
	_ =	sdelay $0x1  }
0x129: {  	s20 =	sadd.s32 $0xFFFFFFF3, s18;
	v4 =	vadd.s32 $0x2, v4  }
0x12a: {  	v22 =	vadd.s32 s20, v2;
	_ =	sdelay $0x1  }
0x12b: {  	v5 =	vmul.f32 v6, v5;
	_ =	sdelay $0x1  }
0x12c: {  	[tilespmem:v4+s12+$0x0] =	vst.idx.add.f32.msk $0xffff, v5  }
0x12d: {  	v4 =	vld.idx.msk [tilespmem:v22+s28+$0x0], $0xffff;
	_ =	sdelay $0x3  }
0x12e: {  	v5 =	vld.idx.msk [tilespmem:v22+s26+$0x0], $0xffff  }
0x12f: {  	v23 =	vld.idx.msk [tilespmem:v22+s5+$0x0], $0xffff;
	v4 =	vmul.u32 $0x3, v4;
	_ =	sdelay $0x1  }
0x130: {  	v4 =	vsub.s32 v4, v3;
	_ =	sdelay $0x2  }
0x131: {  	v6 =	vmul.f32 v23, v5;
	_ =	sdelay $0x1  }
0x132: {  	[tilespmem:v4+s12+$0x0] =	vst.idx.add.f32.msk $0xffff, v6  }
0x133: {  	v6 =	vld.idx.msk [tilespmem:v22+s24+$0x0], $0xffff;
	_ =	sdelay $0x1  }
0x134: {  	v24 =	vadd.s32 $0x1, v4;
	_ =	sdelay $0x2  }
0x135: {  	v6 =	vmul.f32 v6, v5;
	_ =	sdelay $0x1  }
0x136: {  	[tilespmem:v24+s12+$0x0] =	vst.idx.add.f32.msk $0xffff, v6  }
0x137: {  	v6 =	vld.idx.msk [tilespmem:v22+s25+$0x0], $0xffff;
	_ =	sdelay $0x1  }
0x138: {  	s20 =	sadd.s32 $0xFFFFFFF4, s18;
	v4 =	vadd.s32 $0x2, v4  }
0x139: {  	v25 =	vadd.s32 s20, v2;
	_ =	sdelay $0x1  }
0x13a: {  	v5 =	vmul.f32 v6, v5;
	_ =	sdelay $0x1  }
0x13b: {  	[tilespmem:v4+s12+$0x0] =	vst.idx.add.f32.msk $0xffff, v5  }
0x13c: {  	v4 =	vld.idx.msk [tilespmem:v25+s28+$0x0], $0xffff;
	_ =	sdelay $0x3  }
0x13d: {  	v5 =	vld.idx.msk [tilespmem:v25+s26+$0x0], $0xffff  }
0x13e: {  	v26 =	vld.idx.msk [tilespmem:v25+s5+$0x0], $0xffff;
	v4 =	vmul.u32 $0x3, v4;
	_ =	sdelay $0x1  }
0x13f: {  	v4 =	vsub.s32 v4, v3;
	_ =	sdelay $0x2  }
0x140: {  	v6 =	vmul.f32 v26, v5;
	_ =	sdelay $0x1  }
0x141: {  	[tilespmem:v4+s12+$0x0] =	vst.idx.add.f32.msk $0xffff, v6  }
0x142: {  	v6 =	vld.idx.msk [tilespmem:v25+s24+$0x0], $0xffff;
	_ =	sdelay $0x1  }
0x143: {  	v27 =	vadd.s32 $0x1, v4;
	_ =	sdelay $0x2  }
0x144: {  	v6 =	vmul.f32 v6, v5;
	_ =	sdelay $0x1  }
0x145: {  	[tilespmem:v27+s12+$0x0] =	vst.idx.add.f32.msk $0xffff, v6  }
0x146: {  	v6 =	vld.idx.msk [tilespmem:v25+s25+$0x0], $0xffff;
	_ =	sdelay $0x1  }
0x147: {  	s20 =	sadd.s32 $0xFFFFFFF5, s18;
	v4 =	vadd.s32 $0x2, v4  }
0x148: {  	v28 =	vadd.s32 s20, v2;
	_ =	sdelay $0x1  }
0x149: {  	v5 =	vmul.f32 v6, v5;
	_ =	sdelay $0x1  }
0x14a: {  	[tilespmem:v4+s12+$0x0] =	vst.idx.add.f32.msk $0xffff, v5  }
0x14b: {  	v4 =	vld.idx.msk [tilespmem:v28+s28+$0x0], $0xffff;
	_ =	sdelay $0x3  }
0x14c: {  	v5 =	vld.idx.msk [tilespmem:v28+s26+$0x0], $0xffff  }
0x14d: {  	v29 =	vld.idx.msk [tilespmem:v28+s5+$0x0], $0xffff;
	v4 =	vmul.u32 $0x3, v4;
	_ =	sdelay $0x1  }
0x14e: {  	v4 =	vsub.s32 v4, v3;
	_ =	sdelay $0x2  }
0x14f: {  	v6 =	vmul.f32 v29, v5;
	_ =	sdelay $0x1  }
0x150: {  	[tilespmem:v4+s12+$0x0] =	vst.idx.add.f32.msk $0xffff, v6  }
0x151: {  	v6 =	vld.idx.msk [tilespmem:v28+s24+$0x0], $0xffff;
	_ =	sdelay $0x1  }
0x152: {  	v30 =	vadd.s32 $0x1, v4;
	_ =	sdelay $0x2  }
0x153: {  	v6 =	vmul.f32 v6, v5;
	_ =	sdelay $0x1  }
0x154: {  	[tilespmem:v30+s12+$0x0] =	vst.idx.add.f32.msk $0xffff, v6  }
0x155: {  	v6 =	vld.idx.msk [tilespmem:v28+s25+$0x0], $0xffff;
	_ =	sdelay $0x1  }
0x156: {  	s20 =	sadd.s32 $0xFFFFFFF6, s18;
	v4 =	vadd.s32 $0x2, v4  }
0x157: {  	v31 =	vadd.s32 s20, v2;
	_ =	sdelay $0x1  }
0x158: {  	v5 =	vmul.f32 v6, v5;
	_ =	sdelay $0x1  }
0x159: {  	[tilespmem:v4+s12+$0x0] =	vst.idx.add.f32.msk $0xffff, v5  }
0x15a: {  	v4 =	vld.idx.msk [tilespmem:v31+s28+$0x0], $0xffff;
	_ =	sdelay $0x3  }
0x15b: {  	v5 =	vld.idx.msk [tilespmem:v31+s26+$0x0], $0xffff  }
0x15c: {  	v32 =	vld.idx.msk [tilespmem:v31+s5+$0x0], $0xffff;
	v4 =	vmul.u32 $0x3, v4;
	_ =	sdelay $0x1  }
0x15d: {  	v4 =	vsub.s32 v4, v3;
	_ =	sdelay $0x2  }
0x15e: {  	v6 =	vmul.f32 v32, v5;
	_ =	sdelay $0x1  }
0x15f: {  	[tilespmem:v4+s12+$0x0] =	vst.idx.add.f32.msk $0xffff, v6  }
0x160: {  	v6 =	vld.idx.msk [tilespmem:v31+s24+$0x0], $0xffff;
	_ =	sdelay $0x1  }
0x161: {  	v33 =	vadd.s32 $0x1, v4;
	_ =	sdelay $0x2  }
0x162: {  	v6 =	vmul.f32 v6, v5;
	_ =	sdelay $0x1  }
0x163: {  	[tilespmem:v33+s12+$0x0] =	vst.idx.add.f32.msk $0xffff, v6  }
0x164: {  	v6 =	vld.idx.msk [tilespmem:v31+s25+$0x0], $0xffff;
	_ =	sdelay $0x1  }
0x165: {  	s20 =	sadd.s32 $0xFFFFFFF7, s18;
	v4 =	vadd.s32 $0x2, v4  }
0x166: {  	v34 =	vadd.s32 s20, v2;
	_ =	sdelay $0x1  }
0x167: {  	v5 =	vmul.f32 v6, v5;
	_ =	sdelay $0x1  }
0x168: {  	[tilespmem:v4+s12+$0x0] =	vst.idx.add.f32.msk $0xffff, v5  }
0x169: {  	v4 =	vld.idx.msk [tilespmem:v34+s28+$0x0], $0xffff;
	_ =	sdelay $0x3  }
0x16a: {  	v5 =	vld.idx.msk [tilespmem:v34+s26+$0x0], $0xffff  }
0x16b: {  	v35 =	vld.idx.msk [tilespmem:v34+s5+$0x0], $0xffff;
	v4 =	vmul.u32 $0x3, v4;
	_ =	sdelay $0x1  }
0x16c: {  	v4 =	vsub.s32 v4, v3;
	_ =	sdelay $0x2  }
0x16d: {  	v6 =	vmul.f32 v35, v5;
	_ =	sdelay $0x1  }
0x16e: {  	[tilespmem:v4+s12+$0x0] =	vst.idx.add.f32.msk $0xffff, v6  }
0x16f: {  	v6 =	vld.idx.msk [tilespmem:v34+s24+$0x0], $0xffff;
	_ =	sdelay $0x1  }
0x170: {  	v36 =	vadd.s32 $0x1, v4;
	_ =	sdelay $0x2  }
0x171: {  	v6 =	vmul.f32 v6, v5;
	_ =	sdelay $0x1  }
0x172: {  	[tilespmem:v36+s12+$0x0] =	vst.idx.add.f32.msk $0xffff, v6  }
0x173: {  	v6 =	vld.idx.msk [tilespmem:v34+s25+$0x0], $0xffff;
	_ =	sdelay $0x1  }
0x174: {  	s20 =	sadd.s32 $0xFFFFFFF8, s18;
	v4 =	vadd.s32 $0x2, v4  }
0x175: {  	v37 =	vadd.s32 s20, v2;
	_ =	sdelay $0x1  }
0x176: {  	v5 =	vmul.f32 v6, v5;
	_ =	sdelay $0x1  }
0x177: {  	[tilespmem:v4+s12+$0x0] =	vst.idx.add.f32.msk $0xffff, v5  }
0x178: {  	v4 =	vld.idx.msk [tilespmem:v37+s28+$0x0], $0xffff;
	_ =	sdelay $0x3  }
0x179: {  	v5 =	vld.idx.msk [tilespmem:v37+s26+$0x0], $0xffff  }
0x17a: {  	v38 =	vld.idx.msk [tilespmem:v37+s5+$0x0], $0xffff;
	v4 =	vmul.u32 $0x3, v4;
	_ =	sdelay $0x1  }
0x17b: {  	v4 =	vsub.s32 v4, v3;
	_ =	sdelay $0x2  }
0x17c: {  	v6 =	vmul.f32 v38, v5;
	_ =	sdelay $0x1  }
0x17d: {  	[tilespmem:v4+s12+$0x0] =	vst.idx.add.f32.msk $0xffff, v6  }
0x17e: {  	v6 =	vld.idx.msk [tilespmem:v37+s24+$0x0], $0xffff;
	_ =	sdelay $0x1  }
0x17f: {  	v39 =	vadd.s32 $0x1, v4;
	_ =	sdelay $0x2  }
0x180: {  	v6 =	vmul.f32 v6, v5;
	_ =	sdelay $0x1  }
0x181: {  	[tilespmem:v39+s12+$0x0] =	vst.idx.add.f32.msk $0xffff, v6  }
0x182: {  	v6 =	vld.idx.msk [tilespmem:v37+s25+$0x0], $0xffff;
	_ =	sdelay $0x1  }
0x183: {  	s20 =	sadd.s32 $0xFFFFFFF9, s18;
	v4 =	vadd.s32 $0x2, v4  }
0x184: {  	v40 =	vadd.s32 s20, v2;
	_ =	sdelay $0x1  }
0x185: {  	v5 =	vmul.f32 v6, v5;
	_ =	sdelay $0x1  }
0x186: {  	[tilespmem:v4+s12+$0x0] =	vst.idx.add.f32.msk $0xffff, v5  }
0x187: {  	v4 =	vld.idx.msk [tilespmem:v40+s28+$0x0], $0xffff;
	_ =	sdelay $0x3  }
0x188: {  	v5 =	vld.idx.msk [tilespmem:v40+s26+$0x0], $0xffff  }
0x189: {  	v41 =	vld.idx.msk [tilespmem:v40+s5+$0x0], $0xffff;
	v4 =	vmul.u32 $0x3, v4;
	_ =	sdelay $0x1  }
0x18a: {  	v4 =	vsub.s32 v4, v3;
	_ =	sdelay $0x2  }
0x18b: {  	v6 =	vmul.f32 v41, v5;
	_ =	sdelay $0x1  }
0x18c: {  	[tilespmem:v4+s12+$0x0] =	vst.idx.add.f32.msk $0xffff, v6  }
0x18d: {  	v6 =	vld.idx.msk [tilespmem:v40+s24+$0x0], $0xffff;
	_ =	sdelay $0x1  }
0x18e: {  	v42 =	vadd.s32 $0x1, v4;
	_ =	sdelay $0x2  }
0x18f: {  	v6 =	vmul.f32 v6, v5;
	_ =	sdelay $0x1  }
0x190: {  	[tilespmem:v42+s12+$0x0] =	vst.idx.add.f32.msk $0xffff, v6  }
0x191: {  	v6 =	vld.idx.msk [tilespmem:v40+s25+$0x0], $0xffff;
	_ =	sdelay $0x1  }
0x192: {  	s20 =	sadd.s32 $0xFFFFFFFA, s18;
	v4 =	vadd.s32 $0x2, v4  }
0x193: {  	v43 =	vadd.s32 s20, v2;
	_ =	sdelay $0x1  }
0x194: {  	v5 =	vmul.f32 v6, v5;
	_ =	sdelay $0x1  }
0x195: {  	[tilespmem:v4+s12+$0x0] =	vst.idx.add.f32.msk $0xffff, v5  }
0x196: {  	v4 =	vld.idx.msk [tilespmem:v43+s28+$0x0], $0xffff;
	_ =	sdelay $0x3  }
0x197: {  	v5 =	vld.idx.msk [tilespmem:v43+s26+$0x0], $0xffff  }
0x198: {  	v44 =	vld.idx.msk [tilespmem:v43+s5+$0x0], $0xffff;
	v4 =	vmul.u32 $0x3, v4;
	_ =	sdelay $0x1  }
0x199: {  	v4 =	vsub.s32 v4, v3;
	_ =	sdelay $0x2  }
0x19a: {  	v6 =	vmul.f32 v44, v5;
	_ =	sdelay $0x1  }
0x19b: {  	[tilespmem:v4+s12+$0x0] =	vst.idx.add.f32.msk $0xffff, v6  }
0x19c: {  	v6 =	vld.idx.msk [tilespmem:v43+s24+$0x0], $0xffff;
	_ =	sdelay $0x1  }
0x19d: {  	v45 =	vadd.s32 $0x1, v4;
	_ =	sdelay $0x2  }
0x19e: {  	v6 =	vmul.f32 v6, v5;
	_ =	sdelay $0x1  }
0x19f: {  	[tilespmem:v45+s12+$0x0] =	vst.idx.add.f32.msk $0xffff, v6  }
0x1a0: {  	v6 =	vld.idx.msk [tilespmem:v43+s25+$0x0], $0xffff;
	_ =	sdelay $0x1  }
0x1a1: {  	s20 =	sadd.s32 $0xFFFFFFFB, s18;
	v4 =	vadd.s32 $0x2, v4  }
0x1a2: {  	v46 =	vadd.s32 s20, v2;
	_ =	sdelay $0x1  }
0x1a3: {  	v5 =	vmul.f32 v6, v5;
	_ =	sdelay $0x1  }
0x1a4: {  	[tilespmem:v4+s12+$0x0] =	vst.idx.add.f32.msk $0xffff, v5  }
0x1a5: {  	v4 =	vld.idx.msk [tilespmem:v46+s28+$0x0], $0xffff;
	_ =	sdelay $0x3  }
0x1a6: {  	v5 =	vld.idx.msk [tilespmem:v46+s26+$0x0], $0xffff  }
0x1a7: {  	v47 =	vld.idx.msk [tilespmem:v46+s5+$0x0], $0xffff;
	v4 =	vmul.u32 $0x3, v4;
	_ =	sdelay $0x1  }
0x1a8: {  	v4 =	vsub.s32 v4, v3;
	_ =	sdelay $0x2  }
0x1a9: {  	v6 =	vmul.f32 v47, v5;
	_ =	sdelay $0x1  }
0x1aa: {  	[tilespmem:v4+s12+$0x0] =	vst.idx.add.f32.msk $0xffff, v6  }
0x1ab: {  	v6 =	vld.idx.msk [tilespmem:v46+s24+$0x0], $0xffff;
	_ =	sdelay $0x1  }
0x1ac: {  	v48 =	vadd.s32 $0x1, v4;
	_ =	sdelay $0x2  }
0x1ad: {  	v6 =	vmul.f32 v6, v5;
	_ =	sdelay $0x1  }
0x1ae: {  	[tilespmem:v48+s12+$0x0] =	vst.idx.add.f32.msk $0xffff, v6  }
0x1af: {  	v6 =	vld.idx.msk [tilespmem:v46+s25+$0x0], $0xffff;
	_ =	sdelay $0x1  }
0x1b0: {  	s20 =	sadd.s32 $0xFFFFFFFC, s18;
	v4 =	vadd.s32 $0x2, v4  }
0x1b1: {  	v49 =	vadd.s32 s20, v2;
	_ =	sdelay $0x1  }
0x1b2: {  	v5 =	vmul.f32 v6, v5;
	_ =	sdelay $0x1  }
0x1b3: {  	[tilespmem:v4+s12+$0x0] =	vst.idx.add.f32.msk $0xffff, v5  }
0x1b4: {  	v4 =	vld.idx.msk [tilespmem:v49+s28+$0x0], $0xffff;
	_ =	sdelay $0x3  }
0x1b5: {  	v5 =	vld.idx.msk [tilespmem:v49+s26+$0x0], $0xffff  }
0x1b6: {  	v50 =	vld.idx.msk [tilespmem:v49+s5+$0x0], $0xffff;
	v4 =	vmul.u32 $0x3, v4;
	_ =	sdelay $0x1  }
0x1b7: {  	v4 =	vsub.s32 v4, v3;
	_ =	sdelay $0x2  }
0x1b8: {  	v6 =	vmul.f32 v50, v5;
	_ =	sdelay $0x1  }
0x1b9: {  	[tilespmem:v4+s12+$0x0] =	vst.idx.add.f32.msk $0xffff, v6  }
0x1ba: {  	v6 =	vld.idx.msk [tilespmem:v49+s24+$0x0], $0xffff;
	_ =	sdelay $0x1  }
0x1bb: {  	v51 =	vadd.s32 $0x1, v4;
	_ =	sdelay $0x2  }
0x1bc: {  	v6 =	vmul.f32 v6, v5;
	_ =	sdelay $0x1  }
0x1bd: {  	[tilespmem:v51+s12+$0x0] =	vst.idx.add.f32.msk $0xffff, v6  }
0x1be: {  	v6 =	vld.idx.msk [tilespmem:v49+s25+$0x0], $0xffff;
	_ =	sdelay $0x1  }
0x1bf: {  	s20 =	sadd.s32 $0xFFFFFFFD, s18;
	v4 =	vadd.s32 $0x2, v4  }
0x1c0: {  	v52 =	vadd.s32 s20, v2;
	_ =	sdelay $0x1  }
0x1c1: {  	v5 =	vmul.f32 v6, v5;
	_ =	sdelay $0x1  }
0x1c2: {  	[tilespmem:v4+s12+$0x0] =	vst.idx.add.f32.msk $0xffff, v5  }
0x1c3: {  	v4 =	vld.idx.msk [tilespmem:v52+s28+$0x0], $0xffff;
	_ =	sdelay $0x3  }
0x1c4: {  	v5 =	vld.idx.msk [tilespmem:v52+s26+$0x0], $0xffff  }
0x1c5: {  	v53 =	vld.idx.msk [tilespmem:v52+s5+$0x0], $0xffff;
	v4 =	vmul.u32 $0x3, v4;
	_ =	sdelay $0x1  }
0x1c6: {  	v4 =	vsub.s32 v4, v3;
	_ =	sdelay $0x2  }
0x1c7: {  	v6 =	vmul.f32 v53, v5;
	_ =	sdelay $0x1  }
0x1c8: {  	[tilespmem:v4+s12+$0x0] =	vst.idx.add.f32.msk $0xffff, v6  }
0x1c9: {  	v6 =	vld.idx.msk [tilespmem:v52+s24+$0x0], $0xffff;
	_ =	sdelay $0x1  }
0x1ca: {  	v54 =	vadd.s32 $0x1, v4;
	_ =	sdelay $0x2  }
0x1cb: {  	v6 =	vmul.f32 v6, v5;
	_ =	sdelay $0x1  }
0x1cc: {  	[tilespmem:v54+s12+$0x0] =	vst.idx.add.f32.msk $0xffff, v6  }
0x1cd: {  	v6 =	vld.idx.msk [tilespmem:v52+s25+$0x0], $0xffff;
	_ =	sdelay $0x1  }
0x1ce: {  	s20 =	sadd.s32 $0xFFFFFFFE, s18;
	v4 =	vadd.s32 $0x2, v4  }
0x1cf: {  	v55 =	vadd.s32 s20, v2;
	_ =	sdelay $0x1  }
0x1d0: {  	v5 =	vmul.f32 v6, v5;
	_ =	sdelay $0x1  }
0x1d1: {  	[tilespmem:v4+s12+$0x0] =	vst.idx.add.f32.msk $0xffff, v5  }
0x1d2: {  	v4 =	vld.idx.msk [tilespmem:v55+s28+$0x0], $0xffff;
	_ =	sdelay $0x3  }
0x1d3: {  	v5 =	vld.idx.msk [tilespmem:v55+s26+$0x0], $0xffff  }
0x1d4: {  	v56 =	vld.idx.msk [tilespmem:v55+s5+$0x0], $0xffff;
	v4 =	vmul.u32 $0x3, v4;
	_ =	sdelay $0x1  }
0x1d5: {  	v4 =	vsub.s32 v4, v3;
	_ =	sdelay $0x2  }
0x1d6: {  	v6 =	vmul.f32 v56, v5;
	_ =	sdelay $0x1  }
0x1d7: {  	[tilespmem:v4+s12+$0x0] =	vst.idx.add.f32.msk $0xffff, v6  }
0x1d8: {  	v6 =	vld.idx.msk [tilespmem:v55+s24+$0x0], $0xffff;
	_ =	sdelay $0x1  }
0x1d9: {  	v57 =	vadd.s32 $0x1, v4;
	_ =	sdelay $0x2  }
0x1da: {  	v6 =	vmul.f32 v6, v5;
	_ =	sdelay $0x1  }
0x1db: {  	[tilespmem:v57+s12+$0x0] =	vst.idx.add.f32.msk $0xffff, v6  }
0x1dc: {  	v6 =	vld.idx.msk [tilespmem:v55+s25+$0x0], $0xffff;
	_ =	sdelay $0x1  }
0x1dd: {  	s20 =	sadd.s32 $0xFFFFFFFF, s18;
	v4 =	vadd.s32 $0x2, v4  }
0x1de: {  	v58 =	vadd.s32 s20, v2;
	_ =	sdelay $0x1  }
0x1df: {  	v5 =	vmul.f32 v6, v5;
	_ =	sdelay $0x1  }
0x1e0: {  	[tilespmem:v4+s12+$0x0] =	vst.idx.add.f32.msk $0xffff, v5  }
0x1e1: {  	v4 =	vld.idx.msk [tilespmem:v58+s28+$0x0], $0xffff;
	_ =	sdelay $0x3  }
0x1e2: {  	v5 =	vld.idx.msk [tilespmem:v58+s26+$0x0], $0xffff  }
0x1e3: {  	v59 =	vld.idx.msk [tilespmem:v58+s5+$0x0], $0xffff;
	v4 =	vmul.u32 $0x3, v4;
	_ =	sdelay $0x1  }
0x1e4: {  	v4 =	vsub.s32 v4, v3;
	_ =	sdelay $0x2  }
0x1e5: {  	v6 =	vmul.f32 v59, v5;
	_ =	sdelay $0x1  }
0x1e6: {  	[tilespmem:v4+s12+$0x0] =	vst.idx.add.f32.msk $0xffff, v6  }
0x1e7: {  	v6 =	vld.idx.msk [tilespmem:v58+s24+$0x0], $0xffff;
	_ =	sdelay $0x1  }
0x1e8: {  	v60 =	vadd.s32 $0x1, v4;
	_ =	sdelay $0x2  }
0x1e9: {  	v6 =	vmul.f32 v6, v5;
	_ =	sdelay $0x1  }
0x1ea: {  	[tilespmem:v60+s12+$0x0] =	vst.idx.add.f32.msk $0xffff, v6  }
0x1eb: {  	v6 =	vld.idx.msk [tilespmem:v58+s25+$0x0], $0xffff;
	_ =	sdelay $0x1  }
0x1ec: {  	v4 =	vadd.s32 $0x2, v4  }
0x1ed: {  	v61 =	vadd.s32 s18, v2;
	_ =	sdelay $0x1  }
0x1ee: {  	v5 =	vmul.f32 v6, v5;
	_ =	sdelay $0x1  }
0x1ef: {  	[tilespmem:v4+s12+$0x0] =	vst.idx.add.f32.msk $0xffff, v5  }
0x1f0: {  	v4 =	vld.idx.msk [tilespmem:v61+s28+$0x0], $0xffff;
	_ =	sdelay $0x3  }
0x1f1: {  	v5 =	vld.idx.msk [tilespmem:v61+s26+$0x0], $0xffff  }
0x1f2: {  	v62 =	vld.idx.msk [tilespmem:v61+s5+$0x0], $0xffff;
	v4 =	vmul.u32 $0x3, v4;
	_ =	sdelay $0x1  }
0x1f3: {  	v4 =	vsub.s32 v4, v3;
	_ =	sdelay $0x2  }
0x1f4: {  	v6 =	vmul.f32 v62, v5;
	_ =	sdelay $0x1  }
0x1f5: {  	[tilespmem:v4+s12+$0x0] =	vst.idx.add.f32.msk $0xffff, v6  }
0x1f6: {  	v6 =	vld.idx.msk [tilespmem:v61+s24+$0x0], $0xffff;
	_ =	sdelay $0x1  }
0x1f7: {  	v63 =	vadd.s32 $0x1, v4;
	_ =	sdelay $0x2  }
0x1f8: {  	v6 =	vmul.f32 v6, v5;
	_ =	sdelay $0x1  }
0x1f9: {  	[tilespmem:v63+s12+$0x0] =	vst.idx.add.f32.msk $0xffff, v6  }
0x1fa: {  	v6 =	vld.idx.msk [tilespmem:v61+s25+$0x0], $0xffff;
	_ =	sdelay $0x1  }
0x1fb: {  	p0 =	seq.s32 s18, $0x7C;
	v4 =	vadd.s32 $0x2, v4  }
.Ltmp7:
0x1fc: {  	_ = 	snop;
	(pc) =	sbr.rel @!p0 .LBB2_7-.Ltmp7, $3  }
0x1fd: {  	_ = 	snop  }
0x1fe: {  	v5 =	vmul.f32 v6, v5;
	_ =	sdelay $0x1  }
0x1ff: {  	s18 =	sadd.s32 $0x19, s18;
	[tilespmem:v4+s12+$0x0] =	vst.idx.add.f32.msk $0xffff, v5  }
.Ltmp8:
0x200: {  	_ = 	snop;
	(pc) =	sbr.rel .LBB2_11-.Ltmp8, $1  }
0x201: {  	_ =	sdelay $0x3  }
.LBB2_8:
0x202: {  	s19 =	simm.s32 $0x0  }
0x203: {  	v4 =	vld [tilespmem:s19+$0x4000];
	_ =	sdelay $0x1  }
0x204: {  	v10 =	vld [tilespmem:s19+$0x3000]  }
0x205: {  	v6 =	vld [tilespmem:s19+$0x0]  }
0x206: {  	v9 =	vld [tilespmem:s19+$0x1000]  }
0x207: {  	s18 =	simm.s32 $0x10;
	v11 =	vld [tilespmem:s19+$0x2000];
	v5 =	vmul.u32 $0x3, v4  }
0x208: {  	v7 =	vld [tilespmem:s18+$0x4000]  }
0x209: {  	v4 =	vld [tilespmem:s18+$0x3000];
	[tilespmem:s19+$0x6780] =	vst v5;
	v12 =	vadd.s32 $0x2, v5  }
0x20a: {  	v13 =	vmul.f32 v6, v10;
	v63 =	vadd.s32 $0x1, v5;
	v8 =	vld [tilespmem:s18+$0x0];
	[tilespmem:s19+$0x7720] =	vst v12  }
0x20b: {  	v9 =	vmul.f32 v9, v10;
	v5 =	vld [tilespmem:s18+$0x1000];
	[tilespmem:s19+$0x6F50] =	vst v63  }
0x20c: {  	s21 =	simm.s32 $0x80;
	v10 =	vmul.f32 v11, v10;
	v6 =	vld [tilespmem:s18+$0x2000];
	[tilespmem:s19+$0x5000] =	vst v13  }
.LBB2_9:
0x20d: {  	s20 =	sshra.s32 s21, $0x2;
	p0 =	sne.s32 s21, $0x1F00;
	s21 =	sadd.s32 $0x40, s21;
	v11 =	vmul.u32 $0x3, v7;
	[tilespmem:s19+$0x57D0] =	vst v9  }
.Ltmp9:
0x20e: {  	v7 =	vld [tilespmem:s20+$0x4000];
	[tilespmem:s19+$0x5FA0] =	vst v10;
	v10 =	vmov v4;
	s19 =	smov.u32 s18;
	s18 =	smov.u32 s20;
	(pc) =	sbr.rel @p0 .LBB2_9-.Ltmp9, $4  }
0x20f: {  	v4 =	vld [tilespmem:s18+$0x3000];
	v12 =	vmul.f32 v8, v10;
	[tilespmem:s19+$0x6780] =	vst v11;
	v13 =	vadd.s32 $0x1, v11;
	v11 =	vadd.s32 $0x2, v11  }
0x210: {  	v8 =	vld [tilespmem:s18+$0x0];
	v9 =	vmul.f32 v5, v10;
	[tilespmem:s19+$0x7720] =	vst v11  }
0x211: {  	v5 =	vld [tilespmem:s18+$0x1000];
	[tilespmem:s19+$0x6F50] =	vst v13;
	v10 =	vmul.f32 v6, v10  }
0x212: {  	v6 =	vld [tilespmem:s18+$0x2000];
	[tilespmem:s19+$0x5000] =	vst v12  }
0x213: {  	v7 =	vmul.u32 $0x3, v7;
	[tilespmem:s19+$0x57D0] =	vst v9  }
0x214: {  	[tilespmem:s19+$0x5FA0] =	vst v10  }
0x215: {  	[tilespmem:s18+$0x6780] =	vst v7;
	v63 =	vadd.s32 $0x2, v7  }
0x216: {  	v8 =	vmul.f32 v8, v4;
	v7 =	vadd.s32 $0x1, v7;
	[tilespmem:s18+$0x7720] =	vst v63  }
0x217: {  	v5 =	vmul.f32 v5, v4;
	[tilespmem:s18+$0x6F50] =	vst v7  }
0x218: {  	v4 =	vmul.f32 v6, v4;
	[tilespmem:s18+$0x5000] =	vst v8  }
0x219: {  	[tilespmem:s18+$0x57D0] =	vst v5  }
0x21a: {  	s21 =	simm.s32 $0x5000;
	s19 =	simm.s32 $0x1770;
	s20 =	simm.s32 $0x6780;
	[tilespmem:s18+$0x5FA0] =	vst v4  }
0x21b: {  	[spmem:s4] =	stream.indirect.scatter.add.f32 [tilespmem:s21], [sflag:$0x4], $0x1, s20, s19, $0xb8;
	[tilespmem:$0x15BC0] =	vst v63  }
0x21c: {  	s20 =	simm.s32 $0x4  }
0x21d: {  	_ =	swait.ge [sflag:s20], $0x1770  }
0x21e: {  	[sflag:s20] =	ssyncset.done $0x0  }
0x21f: {  	[sflag:s20] =	ssyncadd.s32 $0xFFFFE890  }
.LBB2_11:
0x220: {  	_ =	swait.ge [sflag:s13], $0x7D0  }
0x221: {  	[sflag:s13] =	ssyncset.done $0x0  }
0x222: {  	[sflag:s13] =	ssyncadd.s32 $0xFFFFF830  }
0x223: {  	_ =	swait.ge [sflag:s13], $0x7D0  }
0x224: {  	[sflag:s13] =	ssyncset.done $0x0  }
0x225: {  	[sflag:s13] =	ssyncadd.s32 $0xFFFFF830  }
0x226: {  	_ =	swait.ge [sflag:s13], $0x7D0  }
0x227: {  	[sflag:s13] =	ssyncset.done $0x0  }
0x228: {  	[sflag:s13] =	ssyncadd.s32 $0xFFFFF830  }
0x229: {  	_ =	swait.ge [sflag:s13], $0x7D0  }
0x22a: {  	[sflag:s13] =	ssyncset.done $0x0  }
0x22b: {  	p0 =	seq.s32 s14, $0x31;
	[sflag:s13] =	ssyncadd.s32 $0xFFFFF830  }
0x22c: {  	s15 =	sadd.s32 @!p0 s15, s17;
	_ =	swait.ge [sflag:s13], $0x7D0  }
0x22d: {  	s15 =	sshrl.u32 @!p0 s15, $0x3;
	[sflag:s13] =	ssyncset.done $0x0  }
0x22e: {  	s19 =	simm.s32 @!p0 $0x0;
	s18 =	sadd.s32 @!p0 s6, s15;
	[sflag:s13] =	ssyncadd.s32 $0xFFFFF830  }
0x22f: {  	[tilespmem:s19], [sflag:$0x1] =	stream.linear.gather @!p0 [hbm4b:s18+s19], $0x7D0, $0x38;
	[tilespmem:$0x15BC0] =	vst v63  }
0x230: {  	s20 =	simm.s32 @!p0 $0x1000;
	s18 =	sadd.s32 @!p0 s7, s15  }
0x231: {  	[tilespmem:s20], [sflag:$0x1] =	stream.linear.gather @!p0 [hbm4b:s18+s19], $0x7D0, $0x38;
	[tilespmem:$0x15BC0] =	vst v63  }
0x232: {  	s18 =	sadd.s32 @!p0 s8, s15;
	s20 =	simm.s32 @!p0 $0x2000  }
0x233: {  	[tilespmem:s20], [sflag:$0x1] =	stream.linear.gather @!p0 [hbm4b:s18+s19], $0x7D0, $0x38;
	[tilespmem:$0x15BC0] =	vst v63  }
0x234: {  	s18 =	sadd.s32 @!p0 s1, s15;
	s20 =	simm.s32 @!p0 $0x3000  }
0x235: {  	[tilespmem:s20], [sflag:$0x1] =	stream.linear.gather @!p0 [hbm4b:s18+s19], $0x7D0, $0x38;
	[tilespmem:$0x15BC0] =	vst v63  }
0x236: {  	s15 =	sadd.s32 @!p0 s3, s15;
	s18 =	simm.s32 @!p0 $0x4000  }
0x237: {  	[tilespmem:s18], [sflag:$0x1] =	stream.linear.gather @!p0 [hbm4b:s15+s19], $0x7D0, $0x38;
	[tilespmem:$0x15BC0] =	vst v63  }
0x238: {  	v4 =	vld [tilespmem:$0x4FC0];
	_ =	sdelay $0x4  }
0x239: {  	v4 =	vxor.u32 $0x80000000, v4  }
0x23a: {  	(xrf0) =	vmax.scan.msk.u32 $0xffff, v4;
	_ =	sdelay $0x5  }
0x23b: {  	v4, _, _ =	vpop (xrf0)  }
0x23c: {  	(v2sf) =	vpush v4, $0xF;
	_ =	sdelay $0xe  }
0x23d: {  	s20 =	spop (v2sf)  }
0x23e: {  	s15 =	sxor.u32 $0x80000000, s20  }
0x23f: {  	s15 =	ssub.s32 s15, s10  }
0x240: {  	s15 =	smul.u32 $0x3, s15;
	_ =	sdelay $0x1  }
0x241: {  	s15 =	sadd.s32 $0x2, s15  }
0x242: {  	p0 =	sgt.s32 s15, $0x8FFF  }
.Ltmp10:
0x243: {  	_ = 	snop;
	(pc) =	sbr.rel @p0 .LBB2_13-.Ltmp10, $2  }
0x244: {  	_ =	sdelay $0x2  }
0x245: {  	s15 =	simm.s32 $0x18  }
.LBB2_12:
0x246: {  	s18 =	sadd.s32 $0xFFFFFFE8, s15  }
0x247: {  	v4 =	vadd.s32 s18, v2;
	_ =	sdelay $0x4  }
0x248: {  	v5 =	vld.idx.msk [tilespmem:v4+s23+$0x0], $0xffff;
	_ =	sdelay $0x3  }
0x249: {  	v6 =	vld.idx.msk [tilespmem:v4+s2+$0x0], $0xffff  }
0x24a: {  	v7 =	vld.idx.msk [tilespmem:v4+s30+$0x0], $0xffff;
	v5 =	vmul.u32 $0x3, v5;
	_ =	sdelay $0x1  }
0x24b: {  	v5 =	vsub.s32 v5, v3;
	_ =	sdelay $0x2  }
0x24c: {  	v7 =	vmul.f32 v7, v6;
	_ =	sdelay $0x1  }
0x24d: {  	[tilespmem:v5+s12+$0x0] =	vst.idx.add.f32.msk $0xffff, v7  }
0x24e: {  	v7 =	vld.idx.msk [tilespmem:v4+s31+$0x0], $0xffff;
	_ =	sdelay $0x1  }
0x24f: {  	v8 =	vadd.s32 $0x1, v5;
	_ =	sdelay $0x2  }
0x250: {  	v7 =	vmul.f32 v7, v6;
	_ =	sdelay $0x1  }
0x251: {  	[tilespmem:v8+s12+$0x0] =	vst.idx.add.f32.msk $0xffff, v7  }
0x252: {  	v4 =	vld.idx.msk [tilespmem:v4+s0+$0x0], $0xffff;
	_ =	sdelay $0x1  }
0x253: {  	s20 =	sadd.s32 $0xFFFFFFE9, s15;
	v5 =	vadd.s32 $0x2, v5  }
0x254: {  	v45 =	vadd.s32 s20, v2;
	_ =	sdelay $0x1  }
0x255: {  	v4 =	vmul.f32 v4, v6;
	_ =	sdelay $0x1  }
0x256: {  	[tilespmem:v5+s12+$0x0] =	vst.idx.add.f32.msk $0xffff, v4  }
0x257: {  	v4 =	vld.idx.msk [tilespmem:v45+s23+$0x0], $0xffff;
	_ =	sdelay $0x3  }
0x258: {  	v5 =	vld.idx.msk [tilespmem:v45+s2+$0x0], $0xffff  }
0x259: {  	v46 =	vld.idx.msk [tilespmem:v45+s30+$0x0], $0xffff;
	v4 =	vmul.u32 $0x3, v4;
	_ =	sdelay $0x1  }
0x25a: {  	v4 =	vsub.s32 v4, v3;
	_ =	sdelay $0x2  }
0x25b: {  	v6 =	vmul.f32 v46, v5;
	_ =	sdelay $0x1  }
0x25c: {  	[tilespmem:v4+s12+$0x0] =	vst.idx.add.f32.msk $0xffff, v6  }
0x25d: {  	v6 =	vld.idx.msk [tilespmem:v45+s31+$0x0], $0xffff;
	_ =	sdelay $0x1  }
0x25e: {  	v47 =	vadd.s32 $0x1, v4;
	_ =	sdelay $0x2  }
0x25f: {  	v6 =	vmul.f32 v6, v5;
	_ =	sdelay $0x1  }
0x260: {  	[tilespmem:v47+s12+$0x0] =	vst.idx.add.f32.msk $0xffff, v6  }
0x261: {  	v6 =	vld.idx.msk [tilespmem:v45+s0+$0x0], $0xffff;
	_ =	sdelay $0x1  }
0x262: {  	s19 =	sadd.s32 $0xFFFFFFEA, s15;
	v4 =	vadd.s32 $0x2, v4  }
0x263: {  	v48 =	vadd.s32 s19, v2;
	_ =	sdelay $0x1  }
0x264: {  	v5 =	vmul.f32 v6, v5;
	_ =	sdelay $0x1  }
0x265: {  	[tilespmem:v4+s12+$0x0] =	vst.idx.add.f32.msk $0xffff, v5  }
0x266: {  	v4 =	vld.idx.msk [tilespmem:v48+s23+$0x0], $0xffff;
	_ =	sdelay $0x3  }
0x267: {  	v5 =	vld.idx.msk [tilespmem:v48+s2+$0x0], $0xffff  }
0x268: {  	v49 =	vld.idx.msk [tilespmem:v48+s30+$0x0], $0xffff;
	v4 =	vmul.u32 $0x3, v4;
	_ =	sdelay $0x1  }
0x269: {  	v4 =	vsub.s32 v4, v3;
	_ =	sdelay $0x2  }
0x26a: {  	v6 =	vmul.f32 v49, v5;
	_ =	sdelay $0x1  }
0x26b: {  	[tilespmem:v4+s12+$0x0] =	vst.idx.add.f32.msk $0xffff, v6  }
0x26c: {  	v6 =	vld.idx.msk [tilespmem:v48+s31+$0x0], $0xffff;
	_ =	sdelay $0x1  }
0x26d: {  	v50 =	vadd.s32 $0x1, v4;
	_ =	sdelay $0x2  }
0x26e: {  	v6 =	vmul.f32 v6, v5;
	_ =	sdelay $0x1  }
0x26f: {  	[tilespmem:v50+s12+$0x0] =	vst.idx.add.f32.msk $0xffff, v6  }
0x270: {  	v6 =	vld.idx.msk [tilespmem:v48+s0+$0x0], $0xffff;
	_ =	sdelay $0x1  }
0x271: {  	s20 =	sadd.s32 $0xFFFFFFEB, s15;
	v4 =	vadd.s32 $0x2, v4  }
0x272: {  	v51 =	vadd.s32 s20, v2;
	_ =	sdelay $0x1  }
0x273: {  	v5 =	vmul.f32 v6, v5;
	_ =	sdelay $0x1  }
0x274: {  	[tilespmem:v4+s12+$0x0] =	vst.idx.add.f32.msk $0xffff, v5  }
0x275: {  	v4 =	vld.idx.msk [tilespmem:v51+s23+$0x0], $0xffff;
	_ =	sdelay $0x3  }
0x276: {  	v5 =	vld.idx.msk [tilespmem:v51+s2+$0x0], $0xffff  }
0x277: {  	v52 =	vld.idx.msk [tilespmem:v51+s30+$0x0], $0xffff;
	v4 =	vmul.u32 $0x3, v4;
	_ =	sdelay $0x1  }
0x278: {  	v4 =	vsub.s32 v4, v3;
	_ =	sdelay $0x2  }
0x279: {  	v6 =	vmul.f32 v52, v5;
	_ =	sdelay $0x1  }
0x27a: {  	[tilespmem:v4+s12+$0x0] =	vst.idx.add.f32.msk $0xffff, v6  }
0x27b: {  	v6 =	vld.idx.msk [tilespmem:v51+s31+$0x0], $0xffff;
	_ =	sdelay $0x1  }
0x27c: {  	v53 =	vadd.s32 $0x1, v4;
	_ =	sdelay $0x2  }
0x27d: {  	v6 =	vmul.f32 v6, v5;
	_ =	sdelay $0x1  }
0x27e: {  	[tilespmem:v53+s12+$0x0] =	vst.idx.add.f32.msk $0xffff, v6  }
0x27f: {  	v6 =	vld.idx.msk [tilespmem:v51+s0+$0x0], $0xffff;
	_ =	sdelay $0x1  }
0x280: {  	s19 =	sadd.s32 $0xFFFFFFEC, s15;
	v4 =	vadd.s32 $0x2, v4  }
0x281: {  	v54 =	vadd.s32 s19, v2;
	_ =	sdelay $0x1  }
0x282: {  	v5 =	vmul.f32 v6, v5;
	_ =	sdelay $0x1  }
0x283: {  	[tilespmem:v4+s12+$0x0] =	vst.idx.add.f32.msk $0xffff, v5  }
0x284: {  	v4 =	vld.idx.msk [tilespmem:v54+s23+$0x0], $0xffff;
	_ =	sdelay $0x3  }
0x285: {  	v5 =	vld.idx.msk [tilespmem:v54+s2+$0x0], $0xffff  }
0x286: {  	v55 =	vld.idx.msk [tilespmem:v54+s30+$0x0], $0xffff;
	v4 =	vmul.u32 $0x3, v4;
	_ =	sdelay $0x1  }
0x287: {  	v4 =	vsub.s32 v4, v3;
	_ =	sdelay $0x2  }
0x288: {  	v6 =	vmul.f32 v55, v5;
	_ =	sdelay $0x1  }
0x289: {  	[tilespmem:v4+s12+$0x0] =	vst.idx.add.f32.msk $0xffff, v6  }
0x28a: {  	v6 =	vld.idx.msk [tilespmem:v54+s31+$0x0], $0xffff;
	_ =	sdelay $0x1  }
0x28b: {  	v56 =	vadd.s32 $0x1, v4;
	_ =	sdelay $0x2  }
0x28c: {  	v6 =	vmul.f32 v6, v5;
	_ =	sdelay $0x1  }
0x28d: {  	[tilespmem:v56+s12+$0x0] =	vst.idx.add.f32.msk $0xffff, v6  }
0x28e: {  	v6 =	vld.idx.msk [tilespmem:v54+s0+$0x0], $0xffff;
	_ =	sdelay $0x1  }
0x28f: {  	s20 =	sadd.s32 $0xFFFFFFED, s15;
	v4 =	vadd.s32 $0x2, v4  }
0x290: {  	v57 =	vadd.s32 s20, v2;
	_ =	sdelay $0x1  }
0x291: {  	v5 =	vmul.f32 v6, v5;
	_ =	sdelay $0x1  }
0x292: {  	[tilespmem:v4+s12+$0x0] =	vst.idx.add.f32.msk $0xffff, v5  }
0x293: {  	v4 =	vld.idx.msk [tilespmem:v57+s23+$0x0], $0xffff;
	_ =	sdelay $0x3  }
0x294: {  	v5 =	vld.idx.msk [tilespmem:v57+s2+$0x0], $0xffff  }
0x295: {  	v58 =	vld.idx.msk [tilespmem:v57+s30+$0x0], $0xffff;
	v4 =	vmul.u32 $0x3, v4;
	_ =	sdelay $0x1  }
0x296: {  	v4 =	vsub.s32 v4, v3;
	_ =	sdelay $0x2  }
0x297: {  	v6 =	vmul.f32 v58, v5;
	_ =	sdelay $0x1  }
0x298: {  	[tilespmem:v4+s12+$0x0] =	vst.idx.add.f32.msk $0xffff, v6  }
0x299: {  	v6 =	vld.idx.msk [tilespmem:v57+s31+$0x0], $0xffff;
	_ =	sdelay $0x1  }
0x29a: {  	v59 =	vadd.s32 $0x1, v4;
	_ =	sdelay $0x2  }
0x29b: {  	v6 =	vmul.f32 v6, v5;
	_ =	sdelay $0x1  }
0x29c: {  	[tilespmem:v59+s12+$0x0] =	vst.idx.add.f32.msk $0xffff, v6  }
0x29d: {  	v6 =	vld.idx.msk [tilespmem:v57+s0+$0x0], $0xffff;
	_ =	sdelay $0x1  }
0x29e: {  	s19 =	sadd.s32 $0xFFFFFFEE, s15;
	v4 =	vadd.s32 $0x2, v4  }
0x29f: {  	v60 =	vadd.s32 s19, v2;
	_ =	sdelay $0x1  }
0x2a0: {  	v5 =	vmul.f32 v6, v5;
	_ =	sdelay $0x1  }
0x2a1: {  	[tilespmem:v4+s12+$0x0] =	vst.idx.add.f32.msk $0xffff, v5  }
0x2a2: {  	v4 =	vld.idx.msk [tilespmem:v60+s23+$0x0], $0xffff;
	_ =	sdelay $0x3  }
0x2a3: {  	v5 =	vld.idx.msk [tilespmem:v60+s2+$0x0], $0xffff  }
0x2a4: {  	v61 =	vld.idx.msk [tilespmem:v60+s30+$0x0], $0xffff;
	v4 =	vmul.u32 $0x3, v4;
	_ =	sdelay $0x1  }
0x2a5: {  	v4 =	vsub.s32 v4, v3;
	_ =	sdelay $0x2  }
0x2a6: {  	v6 =	vmul.f32 v61, v5;
	_ =	sdelay $0x1  }
0x2a7: {  	[tilespmem:v4+s12+$0x0] =	vst.idx.add.f32.msk $0xffff, v6  }
0x2a8: {  	v6 =	vld.idx.msk [tilespmem:v60+s31+$0x0], $0xffff;
	_ =	sdelay $0x1  }
0x2a9: {  	v62 =	vadd.s32 $0x1, v4;
	_ =	sdelay $0x2  }
0x2aa: {  	v6 =	vmul.f32 v6, v5;
	_ =	sdelay $0x1  }
0x2ab: {  	[tilespmem:v62+s12+$0x0] =	vst.idx.add.f32.msk $0xffff, v6  }
0x2ac: {  	v6 =	vld.idx.msk [tilespmem:v60+s0+$0x0], $0xffff;
	_ =	sdelay $0x1  }
0x2ad: {  	s20 =	sadd.s32 $0xFFFFFFEF, s15;
	v4 =	vadd.s32 $0x2, v4  }
0x2ae: {  	v63 =	vadd.s32 s20, v2;
	_ =	sdelay $0x1  }
0x2af: {  	v5 =	vmul.f32 v6, v5;
	_ =	sdelay $0x1  }
0x2b0: {  	[tilespmem:v4+s12+$0x0] =	vst.idx.add.f32.msk $0xffff, v5  }
0x2b1: {  	v4 =	vld.idx.msk [tilespmem:v63+s23+$0x0], $0xffff;
	_ =	sdelay $0x3  }
0x2b2: {  	v5 =	vld.idx.msk [tilespmem:v63+s2+$0x0], $0xffff  }
0x2b3: {  	v11 =	vld.idx.msk [tilespmem:v63+s30+$0x0], $0xffff;
	v4 =	vmul.u32 $0x3, v4;
	_ =	sdelay $0x1  }
0x2b4: {  	v4 =	vsub.s32 v4, v3;
	_ =	sdelay $0x2  }
0x2b5: {  	v6 =	vmul.f32 v11, v5;
	_ =	sdelay $0x1  }
0x2b6: {  	[tilespmem:v4+s12+$0x0] =	vst.idx.add.f32.msk $0xffff, v6  }
0x2b7: {  	v6 =	vld.idx.msk [tilespmem:v63+s31+$0x0], $0xffff;
	_ =	sdelay $0x1  }
0x2b8: {  	v12 =	vadd.s32 $0x1, v4;
	_ =	sdelay $0x2  }
0x2b9: {  	v6 =	vmul.f32 v6, v5;
	_ =	sdelay $0x1  }
0x2ba: {  	[tilespmem:v12+s12+$0x0] =	vst.idx.add.f32.msk $0xffff, v6  }
0x2bb: {  	v6 =	vld.idx.msk [tilespmem:v63+s0+$0x0], $0xffff;
	_ =	sdelay $0x1  }
0x2bc: {  	s19 =	sadd.s32 $0xFFFFFFF0, s15;
	v4 =	vadd.s32 $0x2, v4  }
0x2bd: {  	v13 =	vadd.s32 s19, v2;
	_ =	sdelay $0x1  }
0x2be: {  	v5 =	vmul.f32 v6, v5;
	_ =	sdelay $0x1  }
0x2bf: {  	[tilespmem:v4+s12+$0x0] =	vst.idx.add.f32.msk $0xffff, v5  }
0x2c0: {  	v4 =	vld.idx.msk [tilespmem:v13+s23+$0x0], $0xffff;
	_ =	sdelay $0x3  }
0x2c1: {  	v5 =	vld.idx.msk [tilespmem:v13+s2+$0x0], $0xffff  }
0x2c2: {  	v14 =	vld.idx.msk [tilespmem:v13+s30+$0x0], $0xffff;
	v4 =	vmul.u32 $0x3, v4;
	_ =	sdelay $0x1  }
0x2c3: {  	v4 =	vsub.s32 v4, v3;
	_ =	sdelay $0x2  }
0x2c4: {  	v6 =	vmul.f32 v14, v5;
	_ =	sdelay $0x1  }
0x2c5: {  	[tilespmem:v4+s12+$0x0] =	vst.idx.add.f32.msk $0xffff, v6  }
0x2c6: {  	v6 =	vld.idx.msk [tilespmem:v13+s31+$0x0], $0xffff;
	_ =	sdelay $0x1  }
0x2c7: {  	v15 =	vadd.s32 $0x1, v4;
	_ =	sdelay $0x2  }
0x2c8: {  	v6 =	vmul.f32 v6, v5;
	_ =	sdelay $0x1  }
0x2c9: {  	[tilespmem:v15+s12+$0x0] =	vst.idx.add.f32.msk $0xffff, v6  }
0x2ca: {  	v6 =	vld.idx.msk [tilespmem:v13+s0+$0x0], $0xffff;
	_ =	sdelay $0x1  }
0x2cb: {  	s20 =	sadd.s32 $0xFFFFFFF1, s15;
	v4 =	vadd.s32 $0x2, v4  }
0x2cc: {  	v16 =	vadd.s32 s20, v2;
	_ =	sdelay $0x1  }
0x2cd: {  	v5 =	vmul.f32 v6, v5;
	_ =	sdelay $0x1  }
0x2ce: {  	[tilespmem:v4+s12+$0x0] =	vst.idx.add.f32.msk $0xffff, v5  }
0x2cf: {  	v4 =	vld.idx.msk [tilespmem:v16+s23+$0x0], $0xffff;
	_ =	sdelay $0x3  }
0x2d0: {  	v5 =	vld.idx.msk [tilespmem:v16+s2+$0x0], $0xffff  }
0x2d1: {  	v17 =	vld.idx.msk [tilespmem:v16+s30+$0x0], $0xffff;
	v4 =	vmul.u32 $0x3, v4;
	_ =	sdelay $0x1  }
0x2d2: {  	v4 =	vsub.s32 v4, v3;
	_ =	sdelay $0x2  }
0x2d3: {  	v6 =	vmul.f32 v17, v5;
	_ =	sdelay $0x1  }
0x2d4: {  	[tilespmem:v4+s12+$0x0] =	vst.idx.add.f32.msk $0xffff, v6  }
0x2d5: {  	v6 =	vld.idx.msk [tilespmem:v16+s31+$0x0], $0xffff;
	_ =	sdelay $0x1  }
0x2d6: {  	v18 =	vadd.s32 $0x1, v4;
	_ =	sdelay $0x2  }
0x2d7: {  	v6 =	vmul.f32 v6, v5;
	_ =	sdelay $0x1  }
0x2d8: {  	[tilespmem:v18+s12+$0x0] =	vst.idx.add.f32.msk $0xffff, v6  }
0x2d9: {  	v6 =	vld.idx.msk [tilespmem:v16+s0+$0x0], $0xffff;
	_ =	sdelay $0x1  }
0x2da: {  	s19 =	sadd.s32 $0xFFFFFFF2, s15;
	v4 =	vadd.s32 $0x2, v4  }
0x2db: {  	v19 =	vadd.s32 s19, v2;
	_ =	sdelay $0x1  }
0x2dc: {  	v5 =	vmul.f32 v6, v5;
	_ =	sdelay $0x1  }
0x2dd: {  	[tilespmem:v4+s12+$0x0] =	vst.idx.add.f32.msk $0xffff, v5  }
0x2de: {  	v4 =	vld.idx.msk [tilespmem:v19+s23+$0x0], $0xffff;
	_ =	sdelay $0x3  }
0x2df: {  	v5 =	vld.idx.msk [tilespmem:v19+s2+$0x0], $0xffff  }
0x2e0: {  	v20 =	vld.idx.msk [tilespmem:v19+s30+$0x0], $0xffff;
	v4 =	vmul.u32 $0x3, v4;
	_ =	sdelay $0x1  }
0x2e1: {  	v4 =	vsub.s32 v4, v3;
	_ =	sdelay $0x2  }
0x2e2: {  	v6 =	vmul.f32 v20, v5;
	_ =	sdelay $0x1  }
0x2e3: {  	[tilespmem:v4+s12+$0x0] =	vst.idx.add.f32.msk $0xffff, v6  }
0x2e4: {  	v6 =	vld.idx.msk [tilespmem:v19+s31+$0x0], $0xffff;
	_ =	sdelay $0x1  }
0x2e5: {  	v21 =	vadd.s32 $0x1, v4;
	_ =	sdelay $0x2  }
0x2e6: {  	v6 =	vmul.f32 v6, v5;
	_ =	sdelay $0x1  }
0x2e7: {  	[tilespmem:v21+s12+$0x0] =	vst.idx.add.f32.msk $0xffff, v6  }
0x2e8: {  	v6 =	vld.idx.msk [tilespmem:v19+s0+$0x0], $0xffff;
	_ =	sdelay $0x1  }
0x2e9: {  	s20 =	sadd.s32 $0xFFFFFFF3, s15;
	v4 =	vadd.s32 $0x2, v4  }
0x2ea: {  	v22 =	vadd.s32 s20, v2;
	_ =	sdelay $0x1  }
0x2eb: {  	v5 =	vmul.f32 v6, v5;
	_ =	sdelay $0x1  }
0x2ec: {  	[tilespmem:v4+s12+$0x0] =	vst.idx.add.f32.msk $0xffff, v5  }
0x2ed: {  	v4 =	vld.idx.msk [tilespmem:v22+s23+$0x0], $0xffff;
	_ =	sdelay $0x3  }
0x2ee: {  	v5 =	vld.idx.msk [tilespmem:v22+s2+$0x0], $0xffff  }
0x2ef: {  	v23 =	vld.idx.msk [tilespmem:v22+s30+$0x0], $0xffff;
	v4 =	vmul.u32 $0x3, v4;
	_ =	sdelay $0x1  }
0x2f0: {  	v4 =	vsub.s32 v4, v3;
	_ =	sdelay $0x2  }
0x2f1: {  	v6 =	vmul.f32 v23, v5;
	_ =	sdelay $0x1  }
0x2f2: {  	[tilespmem:v4+s12+$0x0] =	vst.idx.add.f32.msk $0xffff, v6  }
0x2f3: {  	v6 =	vld.idx.msk [tilespmem:v22+s31+$0x0], $0xffff;
	_ =	sdelay $0x1  }
0x2f4: {  	v24 =	vadd.s32 $0x1, v4;
	_ =	sdelay $0x2  }
0x2f5: {  	v6 =	vmul.f32 v6, v5;
	_ =	sdelay $0x1  }
0x2f6: {  	[tilespmem:v24+s12+$0x0] =	vst.idx.add.f32.msk $0xffff, v6  }
0x2f7: {  	v6 =	vld.idx.msk [tilespmem:v22+s0+$0x0], $0xffff;
	_ =	sdelay $0x1  }
0x2f8: {  	s19 =	sadd.s32 $0xFFFFFFF4, s15;
	v4 =	vadd.s32 $0x2, v4  }
0x2f9: {  	v25 =	vadd.s32 s19, v2;
	_ =	sdelay $0x1  }
0x2fa: {  	v5 =	vmul.f32 v6, v5;
	_ =	sdelay $0x1  }
0x2fb: {  	[tilespmem:v4+s12+$0x0] =	vst.idx.add.f32.msk $0xffff, v5  }
0x2fc: {  	v4 =	vld.idx.msk [tilespmem:v25+s23+$0x0], $0xffff;
	_ =	sdelay $0x3  }
0x2fd: {  	v5 =	vld.idx.msk [tilespmem:v25+s2+$0x0], $0xffff  }
0x2fe: {  	v26 =	vld.idx.msk [tilespmem:v25+s30+$0x0], $0xffff;
	v4 =	vmul.u32 $0x3, v4;
	_ =	sdelay $0x1  }
0x2ff: {  	v4 =	vsub.s32 v4, v3;
	_ =	sdelay $0x2  }
0x300: {  	v6 =	vmul.f32 v26, v5;
	_ =	sdelay $0x1  }
0x301: {  	[tilespmem:v4+s12+$0x0] =	vst.idx.add.f32.msk $0xffff, v6  }
0x302: {  	v6 =	vld.idx.msk [tilespmem:v25+s31+$0x0], $0xffff;
	_ =	sdelay $0x1  }
0x303: {  	v27 =	vadd.s32 $0x1, v4;
	_ =	sdelay $0x2  }
0x304: {  	v6 =	vmul.f32 v6, v5;
	_ =	sdelay $0x1  }
0x305: {  	[tilespmem:v27+s12+$0x0] =	vst.idx.add.f32.msk $0xffff, v6  }
0x306: {  	v6 =	vld.idx.msk [tilespmem:v25+s0+$0x0], $0xffff;
	_ =	sdelay $0x1  }
0x307: {  	s20 =	sadd.s32 $0xFFFFFFF5, s15;
	v4 =	vadd.s32 $0x2, v4  }
0x308: {  	v28 =	vadd.s32 s20, v2;
	_ =	sdelay $0x1  }
0x309: {  	v5 =	vmul.f32 v6, v5;
	_ =	sdelay $0x1  }
0x30a: {  	[tilespmem:v4+s12+$0x0] =	vst.idx.add.f32.msk $0xffff, v5  }
0x30b: {  	v4 =	vld.idx.msk [tilespmem:v28+s23+$0x0], $0xffff;
	_ =	sdelay $0x3  }
0x30c: {  	v5 =	vld.idx.msk [tilespmem:v28+s2+$0x0], $0xffff  }
0x30d: {  	v29 =	vld.idx.msk [tilespmem:v28+s30+$0x0], $0xffff;
	v4 =	vmul.u32 $0x3, v4;
	_ =	sdelay $0x1  }
0x30e: {  	v4 =	vsub.s32 v4, v3;
	_ =	sdelay $0x2  }
0x30f: {  	v6 =	vmul.f32 v29, v5;
	_ =	sdelay $0x1  }
0x310: {  	[tilespmem:v4+s12+$0x0] =	vst.idx.add.f32.msk $0xffff, v6  }
0x311: {  	v6 =	vld.idx.msk [tilespmem:v28+s31+$0x0], $0xffff;
	_ =	sdelay $0x1  }
0x312: {  	v30 =	vadd.s32 $0x1, v4;
	_ =	sdelay $0x2  }
0x313: {  	v6 =	vmul.f32 v6, v5;
	_ =	sdelay $0x1  }
0x314: {  	[tilespmem:v30+s12+$0x0] =	vst.idx.add.f32.msk $0xffff, v6  }
0x315: {  	v6 =	vld.idx.msk [tilespmem:v28+s0+$0x0], $0xffff;
	_ =	sdelay $0x1  }
0x316: {  	s19 =	sadd.s32 $0xFFFFFFF6, s15;
	v4 =	vadd.s32 $0x2, v4  }
0x317: {  	v31 =	vadd.s32 s19, v2;
	_ =	sdelay $0x1  }
0x318: {  	v5 =	vmul.f32 v6, v5;
	_ =	sdelay $0x1  }
0x319: {  	[tilespmem:v4+s12+$0x0] =	vst.idx.add.f32.msk $0xffff, v5  }
0x31a: {  	v4 =	vld.idx.msk [tilespmem:v31+s23+$0x0], $0xffff;
	_ =	sdelay $0x3  }
0x31b: {  	v5 =	vld.idx.msk [tilespmem:v31+s2+$0x0], $0xffff  }
0x31c: {  	v32 =	vld.idx.msk [tilespmem:v31+s30+$0x0], $0xffff;
	v4 =	vmul.u32 $0x3, v4;
	_ =	sdelay $0x1  }
0x31d: {  	v4 =	vsub.s32 v4, v3;
	_ =	sdelay $0x2  }
0x31e: {  	v6 =	vmul.f32 v32, v5;
	_ =	sdelay $0x1  }
0x31f: {  	[tilespmem:v4+s12+$0x0] =	vst.idx.add.f32.msk $0xffff, v6  }
0x320: {  	v6 =	vld.idx.msk [tilespmem:v31+s31+$0x0], $0xffff;
	_ =	sdelay $0x1  }
0x321: {  	v33 =	vadd.s32 $0x1, v4;
	_ =	sdelay $0x2  }
0x322: {  	v6 =	vmul.f32 v6, v5;
	_ =	sdelay $0x1  }
0x323: {  	[tilespmem:v33+s12+$0x0] =	vst.idx.add.f32.msk $0xffff, v6  }
0x324: {  	v6 =	vld.idx.msk [tilespmem:v31+s0+$0x0], $0xffff;
	_ =	sdelay $0x1  }
0x325: {  	s20 =	sadd.s32 $0xFFFFFFF7, s15;
	v4 =	vadd.s32 $0x2, v4  }
0x326: {  	v34 =	vadd.s32 s20, v2;
	_ =	sdelay $0x1  }
0x327: {  	v5 =	vmul.f32 v6, v5;
	_ =	sdelay $0x1  }
0x328: {  	[tilespmem:v4+s12+$0x0] =	vst.idx.add.f32.msk $0xffff, v5  }
0x329: {  	v4 =	vld.idx.msk [tilespmem:v34+s23+$0x0], $0xffff;
	_ =	sdelay $0x3  }
0x32a: {  	v5 =	vld.idx.msk [tilespmem:v34+s2+$0x0], $0xffff  }
0x32b: {  	v35 =	vld.idx.msk [tilespmem:v34+s30+$0x0], $0xffff;
	v4 =	vmul.u32 $0x3, v4;
	_ =	sdelay $0x1  }
0x32c: {  	v4 =	vsub.s32 v4, v3;
	_ =	sdelay $0x2  }
0x32d: {  	v6 =	vmul.f32 v35, v5;
	_ =	sdelay $0x1  }
0x32e: {  	[tilespmem:v4+s12+$0x0] =	vst.idx.add.f32.msk $0xffff, v6  }
0x32f: {  	v6 =	vld.idx.msk [tilespmem:v34+s31+$0x0], $0xffff;
	_ =	sdelay $0x1  }
0x330: {  	v36 =	vadd.s32 $0x1, v4;
	_ =	sdelay $0x2  }
0x331: {  	v6 =	vmul.f32 v6, v5;
	_ =	sdelay $0x1  }
0x332: {  	[tilespmem:v36+s12+$0x0] =	vst.idx.add.f32.msk $0xffff, v6  }
0x333: {  	v6 =	vld.idx.msk [tilespmem:v34+s0+$0x0], $0xffff;
	_ =	sdelay $0x1  }
0x334: {  	s19 =	sadd.s32 $0xFFFFFFF8, s15;
	v4 =	vadd.s32 $0x2, v4  }
0x335: {  	v37 =	vadd.s32 s19, v2;
	_ =	sdelay $0x1  }
0x336: {  	v5 =	vmul.f32 v6, v5;
	_ =	sdelay $0x1  }
0x337: {  	[tilespmem:v4+s12+$0x0] =	vst.idx.add.f32.msk $0xffff, v5  }
0x338: {  	v4 =	vld.idx.msk [tilespmem:v37+s23+$0x0], $0xffff;
	_ =	sdelay $0x3  }
0x339: {  	v5 =	vld.idx.msk [tilespmem:v37+s2+$0x0], $0xffff  }
0x33a: {  	v38 =	vld.idx.msk [tilespmem:v37+s30+$0x0], $0xffff;
	v4 =	vmul.u32 $0x3, v4;
	_ =	sdelay $0x1  }
0x33b: {  	v4 =	vsub.s32 v4, v3;
	_ =	sdelay $0x2  }
0x33c: {  	v6 =	vmul.f32 v38, v5;
	_ =	sdelay $0x1  }
0x33d: {  	[tilespmem:v4+s12+$0x0] =	vst.idx.add.f32.msk $0xffff, v6  }
0x33e: {  	v6 =	vld.idx.msk [tilespmem:v37+s31+$0x0], $0xffff;
	_ =	sdelay $0x1  }
0x33f: {  	v39 =	vadd.s32 $0x1, v4;
	_ =	sdelay $0x2  }
0x340: {  	v6 =	vmul.f32 v6, v5;
	_ =	sdelay $0x1  }
0x341: {  	[tilespmem:v39+s12+$0x0] =	vst.idx.add.f32.msk $0xffff, v6  }
0x342: {  	v6 =	vld.idx.msk [tilespmem:v37+s0+$0x0], $0xffff;
	_ =	sdelay $0x1  }
0x343: {  	s20 =	sadd.s32 $0xFFFFFFF9, s15;
	v4 =	vadd.s32 $0x2, v4  }
0x344: {  	v40 =	vadd.s32 s20, v2;
	_ =	sdelay $0x1  }
0x345: {  	v5 =	vmul.f32 v6, v5;
	_ =	sdelay $0x1  }
0x346: {  	[tilespmem:v4+s12+$0x0] =	vst.idx.add.f32.msk $0xffff, v5  }
0x347: {  	v4 =	vld.idx.msk [tilespmem:v40+s23+$0x0], $0xffff;
	_ =	sdelay $0x3  }
0x348: {  	v5 =	vld.idx.msk [tilespmem:v40+s2+$0x0], $0xffff  }
0x349: {  	v41 =	vld.idx.msk [tilespmem:v40+s30+$0x0], $0xffff;
	v4 =	vmul.u32 $0x3, v4;
	_ =	sdelay $0x1  }
0x34a: {  	v4 =	vsub.s32 v4, v3;
	_ =	sdelay $0x2  }
0x34b: {  	v6 =	vmul.f32 v41, v5;
	_ =	sdelay $0x1  }
0x34c: {  	[tilespmem:v4+s12+$0x0] =	vst.idx.add.f32.msk $0xffff, v6  }
0x34d: {  	v6 =	vld.idx.msk [tilespmem:v40+s31+$0x0], $0xffff;
	_ =	sdelay $0x1  }
0x34e: {  	v42 =	vadd.s32 $0x1, v4;
	_ =	sdelay $0x2  }
0x34f: {  	v6 =	vmul.f32 v6, v5;
	_ =	sdelay $0x1  }
0x350: {  	[tilespmem:v42+s12+$0x0] =	vst.idx.add.f32.msk $0xffff, v6  }
0x351: {  	v6 =	vld.idx.msk [tilespmem:v40+s0+$0x0], $0xffff;
	_ =	sdelay $0x1  }
0x352: {  	s19 =	sadd.s32 $0xFFFFFFFA, s15;
	v4 =	vadd.s32 $0x2, v4  }
0x353: {  	v43 =	vadd.s32 s19, v2;
	_ =	sdelay $0x1  }
0x354: {  	v5 =	vmul.f32 v6, v5;
	_ =	sdelay $0x1  }
0x355: {  	[tilespmem:v4+s12+$0x0] =	vst.idx.add.f32.msk $0xffff, v5  }
0x356: {  	v4 =	vld.idx.msk [tilespmem:v43+s23+$0x0], $0xffff;
	_ =	sdelay $0x3  }
0x357: {  	v5 =	vld.idx.msk [tilespmem:v43+s2+$0x0], $0xffff  }
0x358: {  	v44 =	vld.idx.msk [tilespmem:v43+s30+$0x0], $0xffff;
	v4 =	vmul.u32 $0x3, v4;
	_ =	sdelay $0x1  }
0x359: {  	v4 =	vsub.s32 v4, v3;
	_ =	sdelay $0x2  }
0x35a: {  	v6 =	vmul.f32 v44, v5;
	_ =	sdelay $0x1  }
0x35b: {  	[tilespmem:v4+s12+$0x0] =	vst.idx.add.f32.msk $0xffff, v6  }
0x35c: {  	v6 =	vld.idx.msk [tilespmem:v43+s31+$0x0], $0xffff;
	_ =	sdelay $0x1  }
0x35d: {  	v45 =	vadd.s32 $0x1, v4;
	_ =	sdelay $0x2  }
0x35e: {  	v6 =	vmul.f32 v6, v5;
	_ =	sdelay $0x1  }
0x35f: {  	[tilespmem:v45+s12+$0x0] =	vst.idx.add.f32.msk $0xffff, v6  }
0x360: {  	v6 =	vld.idx.msk [tilespmem:v43+s0+$0x0], $0xffff;
	_ =	sdelay $0x1  }
0x361: {  	s20 =	sadd.s32 $0xFFFFFFFB, s15;
	v4 =	vadd.s32 $0x2, v4  }
0x362: {  	v46 =	vadd.s32 s20, v2;
	_ =	sdelay $0x1  }
0x363: {  	v5 =	vmul.f32 v6, v5;
	_ =	sdelay $0x1  }
0x364: {  	[tilespmem:v4+s12+$0x0] =	vst.idx.add.f32.msk $0xffff, v5  }
0x365: {  	v4 =	vld.idx.msk [tilespmem:v46+s23+$0x0], $0xffff;
	_ =	sdelay $0x3  }
0x366: {  	v5 =	vld.idx.msk [tilespmem:v46+s2+$0x0], $0xffff  }
0x367: {  	v47 =	vld.idx.msk [tilespmem:v46+s30+$0x0], $0xffff;
	v4 =	vmul.u32 $0x3, v4;
	_ =	sdelay $0x1  }
0x368: {  	v4 =	vsub.s32 v4, v3;
	_ =	sdelay $0x2  }
0x369: {  	v6 =	vmul.f32 v47, v5;
	_ =	sdelay $0x1  }
0x36a: {  	[tilespmem:v4+s12+$0x0] =	vst.idx.add.f32.msk $0xffff, v6  }
0x36b: {  	v6 =	vld.idx.msk [tilespmem:v46+s31+$0x0], $0xffff;
	_ =	sdelay $0x1  }
0x36c: {  	v48 =	vadd.s32 $0x1, v4;
	_ =	sdelay $0x2  }
0x36d: {  	v6 =	vmul.f32 v6, v5;
	_ =	sdelay $0x1  }
0x36e: {  	[tilespmem:v48+s12+$0x0] =	vst.idx.add.f32.msk $0xffff, v6  }
0x36f: {  	v6 =	vld.idx.msk [tilespmem:v46+s0+$0x0], $0xffff;
	_ =	sdelay $0x1  }
0x370: {  	s19 =	sadd.s32 $0xFFFFFFFC, s15;
	v4 =	vadd.s32 $0x2, v4  }
0x371: {  	v49 =	vadd.s32 s19, v2;
	_ =	sdelay $0x1  }
0x372: {  	v5 =	vmul.f32 v6, v5;
	_ =	sdelay $0x1  }
0x373: {  	[tilespmem:v4+s12+$0x0] =	vst.idx.add.f32.msk $0xffff, v5  }
0x374: {  	v4 =	vld.idx.msk [tilespmem:v49+s23+$0x0], $0xffff;
	_ =	sdelay $0x3  }
0x375: {  	v5 =	vld.idx.msk [tilespmem:v49+s2+$0x0], $0xffff  }
0x376: {  	v50 =	vld.idx.msk [tilespmem:v49+s30+$0x0], $0xffff;
	v4 =	vmul.u32 $0x3, v4;
	_ =	sdelay $0x1  }
0x377: {  	v4 =	vsub.s32 v4, v3;
	_ =	sdelay $0x2  }
0x378: {  	v6 =	vmul.f32 v50, v5;
	_ =	sdelay $0x1  }
0x379: {  	[tilespmem:v4+s12+$0x0] =	vst.idx.add.f32.msk $0xffff, v6  }
0x37a: {  	v6 =	vld.idx.msk [tilespmem:v49+s31+$0x0], $0xffff;
	_ =	sdelay $0x1  }
0x37b: {  	v51 =	vadd.s32 $0x1, v4;
	_ =	sdelay $0x2  }
0x37c: {  	v6 =	vmul.f32 v6, v5;
	_ =	sdelay $0x1  }
0x37d: {  	[tilespmem:v51+s12+$0x0] =	vst.idx.add.f32.msk $0xffff, v6  }
0x37e: {  	v6 =	vld.idx.msk [tilespmem:v49+s0+$0x0], $0xffff;
	_ =	sdelay $0x1  }
0x37f: {  	s20 =	sadd.s32 $0xFFFFFFFD, s15;
	v4 =	vadd.s32 $0x2, v4  }
0x380: {  	v52 =	vadd.s32 s20, v2;
	_ =	sdelay $0x1  }
0x381: {  	v5 =	vmul.f32 v6, v5;
	_ =	sdelay $0x1  }
0x382: {  	[tilespmem:v4+s12+$0x0] =	vst.idx.add.f32.msk $0xffff, v5  }
0x383: {  	v4 =	vld.idx.msk [tilespmem:v52+s23+$0x0], $0xffff;
	_ =	sdelay $0x3  }
0x384: {  	v5 =	vld.idx.msk [tilespmem:v52+s2+$0x0], $0xffff  }
0x385: {  	v53 =	vld.idx.msk [tilespmem:v52+s30+$0x0], $0xffff;
	v4 =	vmul.u32 $0x3, v4;
	_ =	sdelay $0x1  }
0x386: {  	v4 =	vsub.s32 v4, v3;
	_ =	sdelay $0x2  }
0x387: {  	v6 =	vmul.f32 v53, v5;
	_ =	sdelay $0x1  }
0x388: {  	[tilespmem:v4+s12+$0x0] =	vst.idx.add.f32.msk $0xffff, v6  }
0x389: {  	v6 =	vld.idx.msk [tilespmem:v52+s31+$0x0], $0xffff;
	_ =	sdelay $0x1  }
0x38a: {  	v54 =	vadd.s32 $0x1, v4;
	_ =	sdelay $0x2  }
0x38b: {  	v6 =	vmul.f32 v6, v5;
	_ =	sdelay $0x1  }
0x38c: {  	[tilespmem:v54+s12+$0x0] =	vst.idx.add.f32.msk $0xffff, v6  }
0x38d: {  	v6 =	vld.idx.msk [tilespmem:v52+s0+$0x0], $0xffff;
	_ =	sdelay $0x1  }
0x38e: {  	s19 =	sadd.s32 $0xFFFFFFFE, s15;
	v4 =	vadd.s32 $0x2, v4  }
0x38f: {  	v55 =	vadd.s32 s19, v2;
	_ =	sdelay $0x1  }
0x390: {  	v5 =	vmul.f32 v6, v5;
	_ =	sdelay $0x1  }
0x391: {  	[tilespmem:v4+s12+$0x0] =	vst.idx.add.f32.msk $0xffff, v5  }
0x392: {  	v4 =	vld.idx.msk [tilespmem:v55+s23+$0x0], $0xffff;
	_ =	sdelay $0x3  }
0x393: {  	v5 =	vld.idx.msk [tilespmem:v55+s2+$0x0], $0xffff  }
0x394: {  	v56 =	vld.idx.msk [tilespmem:v55+s30+$0x0], $0xffff;
	v4 =	vmul.u32 $0x3, v4;
	_ =	sdelay $0x1  }
0x395: {  	v4 =	vsub.s32 v4, v3;
	_ =	sdelay $0x2  }
0x396: {  	v6 =	vmul.f32 v56, v5;
	_ =	sdelay $0x1  }
0x397: {  	[tilespmem:v4+s12+$0x0] =	vst.idx.add.f32.msk $0xffff, v6  }
0x398: {  	v6 =	vld.idx.msk [tilespmem:v55+s31+$0x0], $0xffff;
	_ =	sdelay $0x1  }
0x399: {  	v57 =	vadd.s32 $0x1, v4;
	_ =	sdelay $0x2  }
0x39a: {  	v6 =	vmul.f32 v6, v5;
	_ =	sdelay $0x1  }
0x39b: {  	[tilespmem:v57+s12+$0x0] =	vst.idx.add.f32.msk $0xffff, v6  }
0x39c: {  	v6 =	vld.idx.msk [tilespmem:v55+s0+$0x0], $0xffff;
	_ =	sdelay $0x1  }
0x39d: {  	s20 =	sadd.s32 $0xFFFFFFFF, s15;
	v4 =	vadd.s32 $0x2, v4  }
0x39e: {  	v58 =	vadd.s32 s20, v2;
	_ =	sdelay $0x1  }
0x39f: {  	v5 =	vmul.f32 v6, v5;
	_ =	sdelay $0x1  }
0x3a0: {  	[tilespmem:v4+s12+$0x0] =	vst.idx.add.f32.msk $0xffff, v5  }
0x3a1: {  	v4 =	vld.idx.msk [tilespmem:v58+s23+$0x0], $0xffff;
	_ =	sdelay $0x3  }
0x3a2: {  	v5 =	vld.idx.msk [tilespmem:v58+s2+$0x0], $0xffff  }
0x3a3: {  	v59 =	vld.idx.msk [tilespmem:v58+s30+$0x0], $0xffff;
	v4 =	vmul.u32 $0x3, v4;
	_ =	sdelay $0x1  }
0x3a4: {  	v4 =	vsub.s32 v4, v3;
	_ =	sdelay $0x2  }
0x3a5: {  	v6 =	vmul.f32 v59, v5;
	_ =	sdelay $0x1  }
0x3a6: {  	[tilespmem:v4+s12+$0x0] =	vst.idx.add.f32.msk $0xffff, v6  }
0x3a7: {  	v6 =	vld.idx.msk [tilespmem:v58+s31+$0x0], $0xffff;
	_ =	sdelay $0x1  }
0x3a8: {  	v60 =	vadd.s32 $0x1, v4;
	_ =	sdelay $0x2  }
0x3a9: {  	v6 =	vmul.f32 v6, v5;
	_ =	sdelay $0x1  }
0x3aa: {  	[tilespmem:v60+s12+$0x0] =	vst.idx.add.f32.msk $0xffff, v6  }
0x3ab: {  	v6 =	vld.idx.msk [tilespmem:v58+s0+$0x0], $0xffff;
	_ =	sdelay $0x1  }
0x3ac: {  	v4 =	vadd.s32 $0x2, v4  }
0x3ad: {  	v61 =	vadd.s32 s15, v2;
	_ =	sdelay $0x1  }
0x3ae: {  	v5 =	vmul.f32 v6, v5;
	_ =	sdelay $0x1  }
0x3af: {  	[tilespmem:v4+s12+$0x0] =	vst.idx.add.f32.msk $0xffff, v5  }
0x3b0: {  	v4 =	vld.idx.msk [tilespmem:v61+s23+$0x0], $0xffff;
	_ =	sdelay $0x3  }
0x3b1: {  	v5 =	vld.idx.msk [tilespmem:v61+s2+$0x0], $0xffff  }
0x3b2: {  	v62 =	vld.idx.msk [tilespmem:v61+s30+$0x0], $0xffff;
	v4 =	vmul.u32 $0x3, v4;
	_ =	sdelay $0x1  }
0x3b3: {  	v4 =	vsub.s32 v4, v3;
	_ =	sdelay $0x2  }
0x3b4: {  	v6 =	vmul.f32 v62, v5;
	_ =	sdelay $0x1  }
0x3b5: {  	[tilespmem:v4+s12+$0x0] =	vst.idx.add.f32.msk $0xffff, v6  }
0x3b6: {  	v6 =	vld.idx.msk [tilespmem:v61+s31+$0x0], $0xffff;
	_ =	sdelay $0x1  }
0x3b7: {  	v63 =	vadd.s32 $0x1, v4;
	_ =	sdelay $0x2  }
0x3b8: {  	v6 =	vmul.f32 v6, v5;
	_ =	sdelay $0x1  }
0x3b9: {  	[tilespmem:v63+s12+$0x0] =	vst.idx.add.f32.msk $0xffff, v6  }
0x3ba: {  	v6 =	vld.idx.msk [tilespmem:v61+s0+$0x0], $0xffff;
	_ =	sdelay $0x1  }
0x3bb: {  	p0 =	seq.s32 s15, $0x7C;
	v4 =	vadd.s32 $0x2, v4  }
.Ltmp11:
0x3bc: {  	_ = 	snop;
	(pc) =	sbr.rel @!p0 .LBB2_12-.Ltmp11, $3  }
0x3bd: {  	_ = 	snop  }
0x3be: {  	v5 =	vmul.f32 v6, v5;
	_ =	sdelay $0x1  }
0x3bf: {  	s15 =	sadd.s32 $0x19, s15;
	[tilespmem:v4+s12+$0x0] =	vst.idx.add.f32.msk $0xffff, v5  }
.Ltmp12:
0x3c0: {  	_ = 	snop;
	(pc) =	sbr.rel .LBB2_16-.Ltmp12, $1  }
0x3c1: {  	_ =	sdelay $0x3  }
.LBB2_13:
0x3c2: {  	s18 =	simm.s32 $0x0  }
0x3c3: {  	v4 =	vld [tilespmem:s18+$0x4800];
	_ =	sdelay $0x1  }
0x3c4: {  	v10 =	vld [tilespmem:s18+$0x3800]  }
0x3c5: {  	v6 =	vld [tilespmem:s18+$0x800]  }
0x3c6: {  	v9 =	vld [tilespmem:s18+$0x1800]  }
0x3c7: {  	s15 =	simm.s32 $0x10;
	v11 =	vld [tilespmem:s18+$0x2800];
	v5 =	vmul.u32 $0x3, v4  }
0x3c8: {  	v7 =	vld [tilespmem:s15+$0x4800]  }
0x3c9: {  	v4 =	vld [tilespmem:s15+$0x3800];
	[tilespmem:s18+$0x6780] =	vst v5;
	v12 =	vadd.s32 $0x2, v5  }
0x3ca: {  	v13 =	vmul.f32 v6, v10;
	v63 =	vadd.s32 $0x1, v5;
	v8 =	vld [tilespmem:s15+$0x800];
	[tilespmem:s18+$0x7720] =	vst v12  }
0x3cb: {  	v9 =	vmul.f32 v9, v10;
	v5 =	vld [tilespmem:s15+$0x1800];
	[tilespmem:s18+$0x6F50] =	vst v63  }
0x3cc: {  	s19 =	simm.s32 $0x80;
	v10 =	vmul.f32 v11, v10;
	v6 =	vld [tilespmem:s15+$0x2800];
	[tilespmem:s18+$0x5000] =	vst v13  }
.LBB2_14:
0x3cd: {  	s20 =	sshra.s32 s19, $0x2;
	p0 =	sne.s32 s19, $0x1F00;
	s19 =	sadd.s32 $0x40, s19;
	v11 =	vmul.u32 $0x3, v7;
	[tilespmem:s18+$0x57D0] =	vst v9  }
.Ltmp13:
0x3ce: {  	v7 =	vld [tilespmem:s20+$0x4800];
	[tilespmem:s18+$0x5FA0] =	vst v10;
	v10 =	vmov v4;
	s18 =	smov.u32 s15;
	s15 =	smov.u32 s20;
	(pc) =	sbr.rel @p0 .LBB2_14-.Ltmp13, $4  }
0x3cf: {  	v4 =	vld [tilespmem:s15+$0x3800];
	v12 =	vmul.f32 v8, v10;
	[tilespmem:s18+$0x6780] =	vst v11;
	v13 =	vadd.s32 $0x1, v11;
	v11 =	vadd.s32 $0x2, v11  }
0x3d0: {  	v8 =	vld [tilespmem:s15+$0x800];
	v9 =	vmul.f32 v5, v10;
	[tilespmem:s18+$0x7720] =	vst v11  }
0x3d1: {  	v5 =	vld [tilespmem:s15+$0x1800];
	[tilespmem:s18+$0x6F50] =	vst v13;
	v10 =	vmul.f32 v6, v10  }
0x3d2: {  	v6 =	vld [tilespmem:s15+$0x2800];
	[tilespmem:s18+$0x5000] =	vst v12  }
0x3d3: {  	v7 =	vmul.u32 $0x3, v7;
	[tilespmem:s18+$0x57D0] =	vst v9  }
0x3d4: {  	[tilespmem:s18+$0x5FA0] =	vst v10  }
0x3d5: {  	[tilespmem:s15+$0x6780] =	vst v7;
	v63 =	vadd.s32 $0x2, v7  }
0x3d6: {  	v8 =	vmul.f32 v8, v4;
	v7 =	vadd.s32 $0x1, v7;
	[tilespmem:s15+$0x7720] =	vst v63  }
0x3d7: {  	v5 =	vmul.f32 v5, v4;
	[tilespmem:s15+$0x6F50] =	vst v7  }
0x3d8: {  	v4 =	vmul.f32 v6, v4;
	[tilespmem:s15+$0x5000] =	vst v8  }
0x3d9: {  	[tilespmem:s15+$0x57D0] =	vst v5  }
.Ltmp14:
0x3da: {  	s19 =	simm.s32 $0x1770;
	s20 =	simm.s32 $0x6780;
	[tilespmem:s15+$0x5FA0] =	vst v4;
	(pc) =	sbr.rel .LBB2_16-.Ltmp14, $4  }
0x3db: {  	[spmem:s4] =	stream.indirect.scatter.add.f32 [tilespmem:s21], [sflag:$0x3], $0x1, s20, s19, $0xb8;
	[tilespmem:$0x15BC0] =	vst v63  }
0x3dc: {  	_ =	swait.ge [sflag:s22], $0x1770  }
0x3dd: {  	[sflag:s22] =	ssyncset.done $0x0  }
0x3de: {  	[sflag:s22] =	ssyncadd.s32 $0xFFFFE890  }
.LBB2_17:
0x3df: {  	v3 =	vld [tilespmem:$0x4FC0];
	_ =	sdelay $0x4  }
0x3e0: {  	v3 =	vxor.u32 $0x80000000, v3  }
0x3e1: {  	(xrf0) =	vmax.scan.msk.u32 $0xffff, v3;
	_ =	sdelay $0x5  }
0x3e2: {  	v3, _, _ =	vpop (xrf0)  }
0x3e3: {  	(v2sf) =	vpush v3, $0xF;
	_ =	sdelay $0xe  }
0x3e4: {  	s9 =	spop (v2sf)  }
0x3e5: {  	s9 =	sxor.u32 $0x80000000, s9  }
0x3e6: {  	s9 =	ssub.s32 s9, s10  }
0x3e7: {  	s9 =	smul.u32 $0x3, s9;
	_ =	sdelay $0x1  }
0x3e8: {  	s9 =	sadd.s32 $0x3, s9  }
0x3e9: {  	p0 =	slt.s32 s9, $0x9000  }
0x3ea: {  	p1 =	slt.s32 s9, $0xFFFFFD02;
	s9 =	simm.s32 @!p0 $0x9000  }
0x3eb: {  	s20 =	sadd.s32 $0x2FF, s9  }
0x3ec: {  	s14 =	smulhi.u32 $0x2AAAAAAB, s20;
	s10 =	sshra.s32 s20, $0x1F  }
0x3ed: {  	s10 =	smul.u32 $0x2AAAAAAB, s10;
	_ =	sdelay $0x1  }
0x3ee: {  	s10 =	sadd.s32 s10, s14  }
0x3ef: {  	s14 =	sshrl.u32 s10, $0x1F;
	s10 =	sshra.s32 s10, $0x7  }
0x3f0: {  	s10 =	sadd.s32 s14, s10  }
0x3f1: {  	s14 =	smul.u32 $0xFFFFFD00, s10  }
0x3f2: {  	s9 =	ssub.s32 $0xFFFFFD01, s9  }
0x3f3: {  	p6 =	sne.s32 s14, s9  }
0x3f4: {  	p0 =	por !p1, !p6  }
0x3f5: {  	s9 =	simm.s32 $0x1;
	p0 =	por !p0, !p0  }
0x3f6: {  	s9 =	simm.s32 @!p0 $0x0  }
0x3f7: {  	s9 =	ssub.s32 s10, s9  }
0x3f8: {  	p0 =	slt.s32 s9, $0x1  }
.Ltmp15:
0x3f9: {  	_ = 	snop;
	(pc) =	sbr.rel @p0 .LBB2_21-.Ltmp15, $2  }
0x3fa: {  	_ =	sdelay $0x2  }
0x3fb: {  	s20 =	simm.s32 $0x300;
	s10 =	simm.s32 $0x0  }
.LBB2_18:
0x3fc: {  	v3 =	vadd.s32 s11, v0  }
0x3fd: {  	s14 =	smul.u32 $0x300, s10;
	vm0 =	vlt.s32 v3, $0x493FF  }
0x3fe: {  	s15 =	simm.s32 $0x40;
	s19 =	simm.s32 $0x0;
	s18 =	smov.u32 s11;
	v3 =	vnsel vm0, $0x493FF, v3  }
.LBB2_19:
0x3ff: {  	p0 =	sne.s32 s15, $0xBC0  }
0x400: {  	[tilespmem:s19+$0x7F80] =	vst v3;
	s18 =	sadd.s32 $0x10, s18;
	s19 =	smov.u32 s15;
	s15 =	sadd.s32 $0x40, s15  }
.Ltmp16:
0x401: {  	(pc) =	sbr.rel @p0 .LBB2_19-.Ltmp16, $4  }
0x402: {  	_ = 	snop  }
0x403: {  	v3 =	vadd.s32 s18, v0  }
0x404: {  	vm0 =	vlt.s32 v3, $0x493FF  }
0x405: {  	s19 =	sshra.s32 s19, $0x2;
	v3 =	vnsel vm0, $0x493FF, v3  }
0x406: {  	[tilespmem:s19+$0x7F80] =	vst v3;
	s14 =	sadd.s32 $0x8280, s14;
	s15 =	simm.s32 $0x7F80;
	s10 =	sadd.s32 $0x1, s10  }
0x407: {  	[spmem:s4] =	stream.indirect.scatter.add.f32 [tilespmem:s14], [sflag:$0x3], $0x1, s15, s20, $0xb8;
	[tilespmem:$0x15BC0] =	vst v63  }
0x408: {  	p0 =	sne.s32 s10, s9  }
.Ltmp17:
0x409: {  	_ = 	snop;
	(pc) =	sbr.rel @p0 .LBB2_18-.Ltmp17, $4  }
.Ltmp18:
0x40a: {  	_ = 	snop;
	(pc) =	sbr.rel @!p0 .LBB2_21-.Ltmp18, $4  }
0x40b: {  	_ =	swait.ge [sflag:s22], $0x300  }
0x40c: {  	[sflag:s22] =	ssyncset.done $0x0  }
0x40d: {  	s11 =	sadd.s32 $0x300, s11;
	[sflag:s22] =	ssyncadd.s32 $0xFFFFFD00  }
0x40e: {  	_ = 	snop  }
.LBB2_22:
0x40f: {  	_ =	sfence.sel $0x180000  }
0x410: {  	[bflag:$0x0] =	sbarrier.arrive $0xFFFF  }
0x411: {  	_ =	strace $0x90000047  }
0x412: {  	s0 =	stileid.u32;
	[bflag:$0x2] =	sbarrier.arrive $0xFFFF  }
0x413: {  	p0 =	sne.s32 s0, $0x0;
	s0 =	rddreg [dreg:$0x4]  }
0x414: {  	s0 =	sadd.s32 @!p0 $0x100000, s0  }
0x415: {  	[sflag:s0] =	ssyncadd.tile.s32 @!p0 $0x1;
	_ =	shalt  }
.Lfunc_end2:
_tile_overlayer_lowered:
.L_overlay_start_2:
0x416: {  	(tag) =	ssettag $0x2  }
0x417: {  	s0 =	rddreg [dreg:$0x0];
	s2 =	stileid.u32  }
0x418: {  	s1 =	rddreg [dreg:$0x1];
	p0 =	sne.s32 s2, $0x0  }
0x419: {  	s3 =	rddreg [dreg:$0x2];
	[bflag:$0x3] =	sbarrier.arrive $0xFFFF;
	s2 =	simm.s32 @!p0 $0x1C03  }
0x41a: {  	[timem:s3], [sflag:s2] =	dma.local @!p0 [hbm:s0], s1  }
0x41b: {  	s0 =	simm.s32 @!p0 $0x3  }
0x41c: {  	_ =	swait.ge @!p0 [sflag:s0], s1  }
0x41d: {  	s1 =	ssub.s32 @!p0 $0x0, s1;
	[sflag:s0] =	ssyncset.done @!p0 $0x0  }
0x41e: {  	[sflag:s0] =	ssyncadd.s32 @!p0 s1  }
0x41f: {  	[bflag:$0x3] =	sbarrier.arrive $0xFFFF  }
0x420: {  	_ =	shalt  }

</sc_bundles>
